<compile_context>
chip_gen: v7x
topology: tpu7x:2x2x1
jax: 0.10.2.dev20260603
libtpu: 0.0.44.dev20260713+nightly
codegen_flags: <defaults>
</compile_context>

<pallas_src>
import functools

import jax
import jax.numpy as jnp
from jax import lax
from jax.experimental import pallas as pl
from jax.experimental.pallas import tpu as pltpu
from jax.experimental.pallas import tpu_sc as plsc

N = 10000
E = 320000
D = 128
H = 32

NP = 10000
NNP = 10016
TRASH = 10000
NW = 32
EPW = E // NW
CW = 128
CH = 80
EPW_PAD = CH * CW
RPS = NNP // 16

BR = 2000
NB = NP // BR


YRS = NP // 16


def _sc_agg_body(y_hbm, srcs_hbm, dsts_hbm, zeros_hbm, out_hbm,
                 src_v, dst_v, rows_v, y_sh, acc_sh):
    cid = lax.axis_index("c")
    sid = lax.axis_index("s")
    wid = sid * 2 + cid
    r0 = sid * RPS
    pltpu.sync_copy(zeros_hbm.at[pl.ds(r0, RPS)], acc_sh.at[pl.ds(r0, RPS)])
    pltpu.sync_copy(y_hbm.at[pl.ds(sid * YRS, YRS)],
                    y_sh.at[pl.ds(sid * YRS, YRS)])
    pltpu.sync_copy(srcs_hbm.at[wid], src_v)
    pltpu.sync_copy(dsts_hbm.at[wid], dst_v)
    plsc.subcore_barrier()

    def body(j, carry):
        pltpu.sync_copy(y_sh.at[src_v.at[j]], rows_v)
        pltpu.sync_copy(rows_v, acc_sh.at[dst_v.at[j]], add=True)
        return carry

    lax.fori_loop(0, CH, body, 0)
    plsc.subcore_barrier()
    pltpu.sync_copy(acc_sh.at[pl.ds(r0, RPS)],
                    out_hbm.at[cid, pl.ds(r0, RPS)])


_sc_agg = functools.partial(
    pl.kernel,
    mesh=plsc.VectorSubcoreMesh(core_axis_name="c", subcore_axis_name="s"),
    out_type=jax.ShapeDtypeStruct((2, NNP, H), jnp.float32),
    scratch_types=[
        pltpu.VMEM((CH, CW), jnp.int32),
        pltpu.VMEM((CH, CW), jnp.int32),
        pltpu.VMEM((CW, H), jnp.float32),
        pltpu.VMEM_SHARED((NNP, H), jnp.float32),
        pltpu.VMEM_SHARED((NNP, H), jnp.float32),
    ],
    compiler_params=pltpu.CompilerParams(use_tc_tiling_on_sc=False),
)(_sc_agg_body)


HC = 8


def _sc_cnt_body(ones_hbm, srcs_hbm, dsts_hbm, zeros_hbm, out_hbm,
                 src_v, dst_v, ones_v, accd_sh, accs_sh, sem):
    cid = lax.axis_index("c")
    sid = lax.axis_index("s")
    wid = sid * 2 + cid
    r0 = sid * RPS
    pltpu.sync_copy(zeros_hbm.at[pl.ds(r0, RPS)], accd_sh.at[pl.ds(r0, RPS)])
    pltpu.sync_copy(zeros_hbm.at[pl.ds(r0, RPS)], accs_sh.at[pl.ds(r0, RPS)])
    pltpu.sync_copy(srcs_hbm.at[wid], src_v)
    pltpu.sync_copy(dsts_hbm.at[wid], dst_v)
    pltpu.sync_copy(ones_hbm, ones_v)
    plsc.subcore_barrier()

    def body(j, carry):
        d1 = pltpu.async_copy(ones_v, accd_sh.at[dst_v.at[j]], sem, add=True)
        d2 = pltpu.async_copy(ones_v, accs_sh.at[src_v.at[j]], sem, add=True)
        d1.wait()
        d2.wait()
        return carry

    lax.fori_loop(0, CH, body, 0)
    plsc.subcore_barrier()
    pltpu.sync_copy(accd_sh.at[pl.ds(r0, RPS)],
                    out_hbm.at[cid, 0, pl.ds(r0, RPS)])
    pltpu.sync_copy(accs_sh.at[pl.ds(r0, RPS)],
                    out_hbm.at[cid, 1, pl.ds(r0, RPS)])


_sc_cnt = functools.partial(
    pl.kernel,
    mesh=plsc.VectorSubcoreMesh(core_axis_name="c", subcore_axis_name="s"),
    out_type=jax.ShapeDtypeStruct((2, 2, NNP, HC), jnp.float32),
    scratch_types=[
        pltpu.VMEM((CH, CW), jnp.int32),
        pltpu.VMEM((CH, CW), jnp.int32),
        pltpu.VMEM((CW, HC), jnp.float32),
        pltpu.VMEM_SHARED((NNP, HC), jnp.float32),
        pltpu.VMEM_SHARED((NNP, HC), jnp.float32),
        pltpu.SemaphoreType.DMA,
    ],
    compiler_params=pltpu.CompilerParams(use_tc_tiling_on_sc=False),
)(_sc_cnt_body)


_PREC = lax.Precision.DEFAULT
_FULL2 = lambda shape: pl.BlockSpec(shape, lambda p, j: tuple(0 for _ in shape))
_BLK2 = lambda w: pl.BlockSpec((BR, w), lambda p, j: (j, 0))


def _stats_accum(st_ref, h, cs, is_first):
    @pl.when(is_first)
    def _():
        st_ref[...] = jnp.zeros((D, 8), jnp.float32)
    s1 = lax.dot_general(h, cs, (((0,), (0,)), ((), ())), precision=_PREC)
    s2 = lax.dot_general(h * h, cs, (((0,), (0,)), ((), ())), precision=_PREC)
    st_ref[:, 0:1] += s1
    st_ref[:, 1:2] += s2


def _msg_math(h, st, g, b, Wsrc, bsrc):
    mu = st[:, 0:1] * (1.0 / E)
    var = st[:, 1:2] * (1.0 / E) - mu * mu
    scale = g * lax.rsqrt(var + 1e-5)
    shift = b - mu * scale
    Wp = scale * Wsrc
    bp = lax.dot_general(shift, Wsrc, (((0,), (0,)), ((), ())),
                         precision=_PREC) + bsrc
    z = jnp.dot(h, Wp, precision=_PREC) + bp
    return z * 0.5 * (1.0 + lax.erf(z * 0.7071067811865476))




def _tc_pre_body(x_ref, cntP_ref, g_ref, b_ref, Wsrc_ref, bsrc_ref,
                 y_ref, cd_ref, cs_ref, st_ref):
    p = pl.program_id(0)
    j = pl.program_id(1)
    row = j * BR + lax.broadcasted_iota(jnp.int32, (BR, 1), 0)
    real = (row < N).astype(jnp.float32)
    cd = (cntP_ref[0, 0] + cntP_ref[1, 0])[:, 0:1] * real
    cs = (cntP_ref[0, 1] + cntP_ref[1, 1])[:, 0:1] * real
    cd_ref[...] = cd
    cs_ref[...] = cs

    @pl.when(p == 0)
    def _():
        _stats_accum(st_ref, x_ref[...], cs, j == 0)

    @pl.when(p == 1)
    def _():
        y = _msg_math(x_ref[...], st_ref[...], g_ref[...],
                      b_ref[...], Wsrc_ref[...], bsrc_ref[...])
        y_ref[...] = y


_idx_p0 = lambda p, j: (j * (1 - p) + (NB - 1) * p, 0)
_idx_p1 = lambda p, j: (j * p, 0)


def _tc_pre(x, cntP, g, b, Wsrc, bsrc):
    return pl.pallas_call(
        _tc_pre_body,
        grid=(2, NB),
        in_specs=[_BLK2(D),
                  pl.BlockSpec((2, 2, BR, HC), lambda p, j: (0, 0, j, 0)),
                  _FULL2((D, 1)), _FULL2((D, 1)),
                  _FULL2((D, H)), _FULL2((1, H))],
        out_specs=[pl.BlockSpec((BR, H), _idx_p1), _BLK2(1), _BLK2(1)],
        out_shape=[jax.ShapeDtypeStruct((NP, H), jnp.float32),
                   jax.ShapeDtypeStruct((NP, 1), jnp.float32),
                   jax.ShapeDtypeStruct((NP, 1), jnp.float32)],
        scratch_shapes=[pltpu.VMEM((D, 8), jnp.float32)],
    )(x, cntP, g, b, Wsrc, bsrc)


def _apply_math(h_in, agg, cd, Wfca, Wfcb, bfc, Wdst, bdst, apply_relu):
    neigh = agg / jnp.maximum(cd, 1.0)
    rst = (jnp.dot(h_in, Wfca, precision=_PREC)
           + jnp.dot(neigh, Wfcb, precision=_PREC) + bfc)
    if apply_relu:
        rst = jnp.maximum(rst, 0.0)
    return jnp.dot(h_in, Wdst, precision=_PREC) + bdst + rst


def _tc_mid_body(apply_relu,
                 h_ref, aggP_ref, cd_ref, cs_ref,
                 Wfca_ref, Wfcb_ref, bfc_ref, Wdst_ref, bdst_ref,
                 g_ref, b_ref, Wsrc_ref, bsrc_ref,
                 ho_ref, y_ref, st_ref, hs_ref):
    p = pl.program_id(0)
    j = pl.program_id(1)

    @pl.when(p == 0)
    def _():
        agg = aggP_ref[0] + aggP_ref[1]
        h = _apply_math(h_ref[...], agg, cd_ref[...],
                        Wfca_ref[...], Wfcb_ref[...], bfc_ref[...],
                        Wdst_ref[...], bdst_ref[...], apply_relu)
        ho_ref[...] = h
        hs_ref[pl.ds(j * BR, BR), :] = h
        _stats_accum(st_ref, h, cs_ref[...], j == 0)

    @pl.when(p == 1)
    def _():
        h = hs_ref[pl.ds(j * BR, BR), :]
        y = _msg_math(h, st_ref[...], g_ref[...], b_ref[...],
                      Wsrc_ref[...], bsrc_ref[...])
        y_ref[...] = y


def _tc_mid(apply_relu, h, aggP, cd, cs, Wfca, Wfcb, bfc, Wdst, bdst,
            g, b, Wsrc, bsrc):
    blk_p0 = lambda w: pl.BlockSpec((BR, w), _idx_p0)
    return pl.pallas_call(
        functools.partial(_tc_mid_body, apply_relu),
        grid=(2, NB),
        in_specs=[blk_p0(D),
                  pl.BlockSpec((2, BR, H),
                               lambda p, j: (0,) + _idx_p0(p, j)),
                  blk_p0(1), blk_p0(1),
                  _FULL2((D, D)), _FULL2((H, D)), _FULL2((1, D)),
                  _FULL2((D, D)), _FULL2((1, D)),
                  _FULL2((D, 1)), _FULL2((D, 1)),
                  _FULL2((D, H)), _FULL2((1, H))],
        out_specs=[pl.BlockSpec((BR, D), _idx_p0),
                   pl.BlockSpec((BR, H), _idx_p1)],
        out_shape=[jax.ShapeDtypeStruct((NP, D), jnp.float32),
                   jax.ShapeDtypeStruct((NP, H), jnp.float32)],
        scratch_shapes=[pltpu.VMEM((D, 8), jnp.float32),
                        pltpu.VMEM((NP, D), jnp.float32)],
    )(h, aggP, cd, cs, Wfca, Wfcb, bfc, Wdst, bdst, g, b, Wsrc, bsrc)


def _tc_fin_body(h_ref, aggP_ref, cd_ref,
                 Wfca_ref, Wfcb_ref, bfc_ref, Wdst_ref, bdst_ref, out_ref):
    agg = aggP_ref[0] + aggP_ref[1]
    out_ref[...] = _apply_math(h_ref[...], agg, cd_ref[...],
                               Wfca_ref[...], Wfcb_ref[...], bfc_ref[...],
                               Wdst_ref[...], bdst_ref[...], False)


def _tc_fin(h, aggP, cd, Wfca, Wfcb, bfc, Wdst, bdst):
    blk = lambda w: pl.BlockSpec((BR, w), lambda j: (j, 0))
    full = lambda shape: pl.BlockSpec(shape, lambda j: tuple(0 for _ in shape))
    return pl.pallas_call(
        _tc_fin_body,
        grid=(NB,),
        in_specs=[blk(D),
                  pl.BlockSpec((2, BR, H), lambda j: (0, j, 0)),
                  blk(1),
                  full((D, 1)), full((H, 1)), full((1, 1)),
                  full((D, 1)), full((1, 1))],
        out_specs=blk(1),
        out_shape=jax.ShapeDtypeStruct((N, 1), jnp.float32),
    )(h, aggP, cd, Wfca, Wfcb, bfc, Wdst, bdst)


@jax.jit
def kernel(x, edge_index,
           bn_g1, bn_b1, Wsrc1, bsrc1, Wfc1, bfc1, Wdst1, bdst1,
           bn_g2, bn_b2, Wsrc2, bsrc2, Wfc2, bfc2, Wdst2, bdst2,
           bn_g3, bn_b3, Wsrc3, bsrc3, Wfc3, bfc3, Wdst3, bdst3):
    src = edge_index[0]
    dst = edge_index[1]
    pspread = jnp.arange(EPW_PAD - EPW, dtype=jnp.int32)[None, :] % 16
    spad = pspread
    tpad = TRASH + pspread
    spad = jnp.broadcast_to(spad, (NW, EPW_PAD - EPW))
    tpad = jnp.broadcast_to(tpad, (NW, EPW_PAD - EPW))
    srcs_g = jnp.concatenate([src.reshape(NW, EPW), spad], axis=1)
    srcs_g = srcs_g.reshape(NW, CH, CW)
    srcs_c = jnp.concatenate([src.reshape(NW, EPW), tpad], axis=1)
    srcs_c = srcs_c.reshape(NW, CH, CW)
    dsts_r = jnp.concatenate([dst.reshape(NW, EPW), tpad], axis=1)
    dsts_r = dsts_r.reshape(NW, CH, CW)

    zeros = jnp.zeros((NNP, H), jnp.float32)
    zeros_n = jnp.zeros((NNP, HC), jnp.float32)
    ones_rows = jnp.ones((CW, HC), jnp.float32)

    cntP = _sc_cnt(ones_rows, srcs_c, dsts_r, zeros_n)

    g1 = bn_g1.reshape(D, 1); b1 = bn_b1.reshape(D, 1)
    g2 = bn_g2.reshape(D, 1); b2 = bn_b2.reshape(D, 1)
    g3 = bn_g3.reshape(D, 1); b3 = bn_b3.reshape(D, 1)

    y1, cd, cs = _tc_pre(x, cntP, g1, b1, Wsrc1, bsrc1.reshape(1, H))
    aggP1 = _sc_agg(y1, srcs_g, dsts_r, zeros)
    h1, y2 = _tc_mid(True, x, aggP1, cd, cs,
                     Wfc1[0:D], Wfc1[D:], bfc1.reshape(1, D),
                     Wdst1, bdst1.reshape(1, D),
                     g2, b2, Wsrc2, bsrc2.reshape(1, H))
    aggP2 = _sc_agg(y2, srcs_g, dsts_r, zeros)
    h2, y3 = _tc_mid(False, h1, aggP2, cd, cs,
                     Wfc2[0:D], Wfc2[D:], bfc2.reshape(1, D),
                     Wdst2, bdst2.reshape(1, D),
                     g3, b3, Wsrc3, bsrc3.reshape(1, H))
    aggP3 = _sc_agg(y3, srcs_g, dsts_r, zeros)
    out = _tc_fin(h2, aggP3, cd,
                  Wfc3[0:D], Wfc3[D:], bfc3.reshape(1, 1),
                  Wdst3, bdst3.reshape(1, 1))
    return out

# --- scband reference (transcript-rebuilt; emitter-appended) ---
"""Pipeline reference for scband-hetero-graph-sage-5162550689866 (READ-ONLY COPY).

The authoritative reference and input builder live on the scoring server;
editing this copy changes nothing except your own understanding.
"""

import jax, jax.numpy as jnp
import numpy as np

N = 10000
E = 320000
D = 128
H = 32


def _layer(x_src, x_dst, src, dst, gamma, beta, Wsrc, bsrc, Wfc, bfc, Wdst, bdst, act):
    # message: gather src feats per edge, batch-norm over edges, proj to hidden, gelu
    m = x_src[src]
    mu = jnp.mean(m, axis=0)
    var = jnp.var(m, axis=0)
    m = gamma * (m - mu) / jnp.sqrt(var + 1e-5) + beta
    m = jax.nn.gelu(m @ Wsrc + bsrc, approximate=False)
    # reduce: mean of messages per dst node (segment mean)
    s = jax.ops.segment_sum(m, dst, num_segments=N)
    c = jax.ops.segment_sum(jnp.ones((m.shape[0], 1), m.dtype), dst, num_segments=N)
    neigh = s / jnp.maximum(c, 1.0)
    # apply: concat(h_dst, neigh) -> fc; residual proj_dst(h_dst) + act(rst)
    h = jnp.concatenate([x_dst, neigh], axis=-1)
    rst = h @ Wfc + bfc
    return x_dst @ Wdst + bdst + act(rst)


def setup_inputs(seed: int = 0):
    key = jax.random.key(seed)
    ks = jax.random.split(key, 16)
    inp = {}
    inp["x"] = jax.random.normal(ks[0], (N, D), jnp.float32)
    inp["edge_index"] = jax.random.randint(ks[1], (2, E), 0, N, dtype=jnp.int32)
    dims = [(D, D), (D, D), (D, 1)]
    i = 2
    for l, (din, dout) in enumerate(dims, start=1):
        inp["bn_g%d" % l] = jnp.ones((din,), jnp.float32)
        inp["bn_b%d" % l] = jnp.zeros((din,), jnp.float32)
        inp["Wsrc%d" % l] = jax.random.normal(ks[i], (din, H), jnp.float32) * 0.05; i += 1
        inp["bsrc%d" % l] = jnp.zeros((H,), jnp.float32)
        inp["Wfc%d" % l] = jax.random.normal(ks[i], (din + H, dout), jnp.float32) * 0.05; i += 1
        inp["bfc%d" % l] = jnp.zeros((dout,), jnp.float32)
        inp["Wdst%d" % l] = jax.random.normal(ks[i], (din, dout), jnp.float32) * 0.05; i += 1
        inp["bdst%d" % l] = jnp.zeros((dout,), jnp.float32)
    return inp


def reference(x, edge_index,
              bn_g1, bn_b1, Wsrc1, bsrc1, Wfc1, bfc1, Wdst1, bdst1,
              bn_g2, bn_b2, Wsrc2, bsrc2, Wfc2, bfc2, Wdst2, bdst2,
              bn_g3, bn_b3, Wsrc3, bsrc3, Wfc3, bfc3, Wdst3, bdst3):
    src = edge_index[0]
    dst = edge_index[1]
    h = _layer(x, x, src, dst, bn_g1, bn_b1, Wsrc1, bsrc1, Wfc1, bfc1, Wdst1, bdst1, jax.nn.relu)
    h = _layer(h, h, src, dst, bn_g2, bn_b2, Wsrc2, bsrc2, Wfc2, bfc2, Wdst2, bdst2, lambda t: t)
    h = _layer(h, h, src, dst, bn_g3, bn_b3, Wsrc3, bsrc3, Wfc3, bfc3, Wdst3, bdst3, lambda t: t)
    return h

if __name__ == "__main__":
    import jax
    _d = setup_inputs()
    print(jax.jit(kernel)(*tuple(_d.values())))

</pallas_src>

<mosaic_0001>
#map = affine_map<(d0, d1) -> (0, 0)>
#map1 = affine_map<(d0, d1) -> (0, 0, 0)>
module attributes {stable_mosaic.version = 14 : i64} {
  func.func @_sc_agg_body(%arg0: i32, %arg1: i32, %arg2: memref<10000x32xf32, #tpu.memory_space<hbm>>, %arg3: memref<32x80x128xi32, #tpu.memory_space<hbm>>, %arg4: memref<32x80x128xi32, #tpu.memory_space<hbm>>, %arg5: memref<10016x32xf32, #tpu.memory_space<hbm>>, %arg6: memref<2x10016x32xf32, #tpu.memory_space<hbm>>, %arg7: memref<80x128xi32, #tpu.memory_space<vmem>>, %arg8: memref<80x128xi32, #tpu.memory_space<vmem>>, %arg9: memref<128x32xf32, #tpu.memory_space<vmem>>, %arg10: memref<10016x32xf32, #tpu.memory_space<vmem_shared>>, %arg11: memref<10016x32xf32, #tpu.memory_space<vmem_shared>>) attributes {dimension_semantics = [#tpu.dimension_semantics<core_parallel>, #tpu.dimension_semantics<subcore_parallel>], iteration_bounds = array<i64: 2, 16>, scalar_prefetch = 0 : i64, scratch_operands = 5 : i64, tpu.core_type = #tpu.core_type<sc_vector_subcore>, window_params = [{transform_indices = #map}, {transform_indices = #map1}, {transform_indices = #map1}, {transform_indices = #map}, {transform_indices = #map1}]} {
    %mul3A = arith.constant 2 : i32
    %mul3A_0 = arith.muli %arg1, %mul3A : i32
    %add3A = arith.addi %mul3A_0, %arg0 : i32
    %mul3A_1 = arith.constant 626 : i32
    %mul3A_2 = arith.muli %arg1, %mul3A_1 : i32
    "tpu.region"() ({
      %run_scoped3A = tpu.sem_alloc : memref<!tpu.dma_semaphore, #tpu.memory_space<semaphore_mem>>
      %dma_start3A = arith.constant 0 : i32
      %dma_start3A_13 = tpu.memref_slice %arg11[%mul3A_2, %dma_start3A] : memref<10016x32xf32, #tpu.memory_space<vmem_shared>> -> memref<626x32xf32, #tpu.memory_space<vmem_shared>>
      %dma_start3A_14 = arith.constant 0 : i32
      %dma_start3A_15 = tpu.memref_slice %arg5[%mul3A_2, %dma_start3A_14] : memref<10016x32xf32, #tpu.memory_space<hbm>> -> memref<626x32xf32, #tpu.memory_space<hbm>>
      tpu.enqueue_dma source(%dma_start3A_15 : memref<626x32xf32, #tpu.memory_space<hbm>>) target(%dma_start3A_13 : memref<626x32xf32, #tpu.memory_space<vmem_shared>>) target_semaphore(%run_scoped3A : memref<!tpu.dma_semaphore, #tpu.memory_space<semaphore_mem>>)
      %dma_wait3A = arith.constant 0 : i32
      %dma_wait3A_16 = tpu.memref_slice %arg11[%mul3A_2, %dma_wait3A] : memref<10016x32xf32, #tpu.memory_space<vmem_shared>> -> memref<626x32xf32, #tpu.memory_space<vmem_shared>>
      %dma_wait3A_17 = arith.constant 0 : i32
      %dma_wait3A_18 = tpu.memref_slice %arg5[%mul3A_2, %dma_wait3A_17] : memref<10016x32xf32, #tpu.memory_space<hbm>> -> memref<626x32xf32, #tpu.memory_space<hbm>>
      tpu.wait_dma2 semaphore(%run_scoped3A : memref<!tpu.dma_semaphore, #tpu.memory_space<semaphore_mem>>) src(%dma_wait3A_18 : memref<626x32xf32, #tpu.memory_space<hbm>>) dst(%dma_wait3A_16 : memref<626x32xf32, #tpu.memory_space<vmem_shared>>)
      tpu.yield
    }) : () -> ()
    %mul3A_3 = arith.constant 625 : i32
    %mul3A_4 = arith.muli %arg1, %mul3A_3 : i32
    %mul3A_5 = arith.constant 625 : i32
    %mul3A_6 = arith.muli %arg1, %mul3A_5 : i32
    "tpu.region"() ({
      %run_scoped3A = tpu.sem_alloc : memref<!tpu.dma_semaphore, #tpu.memory_space<semaphore_mem>>
      %dma_start3A = arith.constant 0 : i32
      %dma_start3A_13 = tpu.memref_slice %arg10[%mul3A_6, %dma_start3A] : memref<10016x32xf32, #tpu.memory_space<vmem_shared>> -> memref<625x32xf32, #tpu.memory_space<vmem_shared>>
      %dma_start3A_14 = arith.constant 0 : i32
      %dma_start3A_15 = tpu.memref_slice %arg2[%mul3A_4, %dma_start3A_14] : memref<10000x32xf32, #tpu.memory_space<hbm>> -> memref<625x32xf32, #tpu.memory_space<hbm>>
      tpu.enqueue_dma source(%dma_start3A_15 : memref<625x32xf32, #tpu.memory_space<hbm>>) target(%dma_start3A_13 : memref<625x32xf32, #tpu.memory_space<vmem_shared>>) target_semaphore(%run_scoped3A : memref<!tpu.dma_semaphore, #tpu.memory_space<semaphore_mem>>)
      %dma_wait3A = arith.constant 0 : i32
      %dma_wait3A_16 = tpu.memref_slice %arg10[%mul3A_6, %dma_wait3A] : memref<10016x32xf32, #tpu.memory_space<vmem_shared>> -> memref<625x32xf32, #tpu.memory_space<vmem_shared>>
      %dma_wait3A_17 = arith.constant 0 : i32
      %dma_wait3A_18 = tpu.memref_slice %arg2[%mul3A_4, %dma_wait3A_17] : memref<10000x32xf32, #tpu.memory_space<hbm>> -> memref<625x32xf32, #tpu.memory_space<hbm>>
      tpu.wait_dma2 semaphore(%run_scoped3A : memref<!tpu.dma_semaphore, #tpu.memory_space<semaphore_mem>>) src(%dma_wait3A_18 : memref<625x32xf32, #tpu.memory_space<hbm>>) dst(%dma_wait3A_16 : memref<625x32xf32, #tpu.memory_space<vmem_shared>>)
      tpu.yield
    }) : () -> ()
    "tpu.region"() ({
      %run_scoped3A = tpu.sem_alloc : memref<!tpu.dma_semaphore, #tpu.memory_space<semaphore_mem>>
      %dma_start3A = arith.constant 0 : i32
      %dma_start3A_13 = arith.constant 0 : i32
      %dma_start3A_14 = tpu.memref_slice %arg3[%add3A, %dma_start3A, %dma_start3A_13] : memref<32x80x128xi32, #tpu.memory_space<hbm>> -> memref<1x80x128xi32, #tpu.memory_space<hbm>>
      %dma_start3A_15 = tpu.memref_squeeze %dma_start3A_14 : memref<1x80x128xi32, #tpu.memory_space<hbm>> -> memref<80x128xi32, #tpu.memory_space<hbm>>
      %dma_start3A_16 = arith.constant 0 : i32
      %dma_start3A_17 = arith.constant 0 : i32
      %dma_start3A_18 = tpu.memref_slice %arg3[%add3A, %dma_start3A_16, %dma_start3A_17] : memref<32x80x128xi32, #tpu.memory_space<hbm>> -> memref<1x80x128xi32, #tpu.memory_space<hbm>>
      %dma_start3A_19 = tpu.memref_squeeze %dma_start3A_18 : memref<1x80x128xi32, #tpu.memory_space<hbm>> -> memref<80x128xi32, #tpu.memory_space<hbm>>
      tpu.enqueue_dma source(%dma_start3A_19 : memref<80x128xi32, #tpu.memory_space<hbm>>) target(%arg7 : memref<80x128xi32, #tpu.memory_space<vmem>>) target_semaphore(%run_scoped3A : memref<!tpu.dma_semaphore, #tpu.memory_space<semaphore_mem>>)
      %dma_wait3A = arith.constant 0 : i32
      %dma_wait3A_20 = arith.constant 0 : i32
      %dma_wait3A_21 = tpu.memref_slice %arg3[%add3A, %dma_wait3A, %dma_wait3A_20] : memref<32x80x128xi32, #tpu.memory_space<hbm>> -> memref<1x80x128xi32, #tpu.memory_space<hbm>>
      %dma_wait3A_22 = tpu.memref_squeeze %dma_wait3A_21 : memref<1x80x128xi32, #tpu.memory_space<hbm>> -> memref<80x128xi32, #tpu.memory_space<hbm>>
      %dma_wait3A_23 = arith.constant 0 : i32
      %dma_wait3A_24 = arith.constant 0 : i32
      %dma_wait3A_25 = tpu.memref_slice %arg3[%add3A, %dma_wait3A_23, %dma_wait3A_24] : memref<32x80x128xi32, #tpu.memory_space<hbm>> -> memref<1x80x128xi32, #tpu.memory_space<hbm>>
      %dma_wait3A_26 = tpu.memref_squeeze %dma_wait3A_25 : memref<1x80x128xi32, #tpu.memory_space<hbm>> -> memref<80x128xi32, #tpu.memory_space<hbm>>
      tpu.wait_dma2 semaphore(%run_scoped3A : memref<!tpu.dma_semaphore, #tpu.memory_space<semaphore_mem>>) src(%dma_wait3A_26 : memref<80x128xi32, #tpu.memory_space<hbm>>) dst(%arg7 : memref<80x128xi32, #tpu.memory_space<vmem>>)
      tpu.yield
    }) : () -> ()
    "tpu.region"() ({
      %run_scoped3A = tpu.sem_alloc : memref<!tpu.dma_semaphore, #tpu.memory_space<semaphore_mem>>
      %dma_start3A = arith.constant 0 : i32
      %dma_start3A_13 = arith.constant 0 : i32
      %dma_start3A_14 = tpu.memref_slice %arg4[%add3A, %dma_start3A, %dma_start3A_13] : memref<32x80x128xi32, #tpu.memory_space<hbm>> -> memref<1x80x128xi32, #tpu.memory_space<hbm>>
      %dma_start3A_15 = tpu.memref_squeeze %dma_start3A_14 : memref<1x80x128xi32, #tpu.memory_space<hbm>> -> memref<80x128xi32, #tpu.memory_space<hbm>>
      %dma_start3A_16 = arith.constant 0 : i32
      %dma_start3A_17 = arith.constant 0 : i32
      %dma_start3A_18 = tpu.memref_slice %arg4[%add3A, %dma_start3A_16, %dma_start3A_17] : memref<32x80x128xi32, #tpu.memory_space<hbm>> -> memref<1x80x128xi32, #tpu.memory_space<hbm>>
      %dma_start3A_19 = tpu.memref_squeeze %dma_start3A_18 : memref<1x80x128xi32, #tpu.memory_space<hbm>> -> memref<80x128xi32, #tpu.memory_space<hbm>>
      tpu.enqueue_dma source(%dma_start3A_19 : memref<80x128xi32, #tpu.memory_space<hbm>>) target(%arg8 : memref<80x128xi32, #tpu.memory_space<vmem>>) target_semaphore(%run_scoped3A : memref<!tpu.dma_semaphore, #tpu.memory_space<semaphore_mem>>)
      %dma_wait3A = arith.constant 0 : i32
      %dma_wait3A_20 = arith.constant 0 : i32
      %dma_wait3A_21 = tpu.memref_slice %arg4[%add3A, %dma_wait3A, %dma_wait3A_20] : memref<32x80x128xi32, #tpu.memory_space<hbm>> -> memref<1x80x128xi32, #tpu.memory_space<hbm>>
      %dma_wait3A_22 = tpu.memref_squeeze %dma_wait3A_21 : memref<1x80x128xi32, #tpu.memory_space<hbm>> -> memref<80x128xi32, #tpu.memory_space<hbm>>
      %dma_wait3A_23 = arith.constant 0 : i32
      %dma_wait3A_24 = arith.constant 0 : i32
      %dma_wait3A_25 = tpu.memref_slice %arg4[%add3A, %dma_wait3A_23, %dma_wait3A_24] : memref<32x80x128xi32, #tpu.memory_space<hbm>> -> memref<1x80x128xi32, #tpu.memory_space<hbm>>
      %dma_wait3A_26 = tpu.memref_squeeze %dma_wait3A_25 : memref<1x80x128xi32, #tpu.memory_space<hbm>> -> memref<80x128xi32, #tpu.memory_space<hbm>>
      tpu.wait_dma2 semaphore(%run_scoped3A : memref<!tpu.dma_semaphore, #tpu.memory_space<semaphore_mem>>) src(%dma_wait3A_26 : memref<80x128xi32, #tpu.memory_space<hbm>>) dst(%arg8 : memref<80x128xi32, #tpu.memory_space<vmem>>)
      tpu.yield
    }) : () -> ()
    %barrier3A = arith.constant 0 : index
    tpu.barrier barrier_id(%barrier3A)
    %scan3A = arith.constant 0 : i32
    %scan3A_7 = arith.constant 0 : i32
    %scan3A_8 = arith.constant 80 : i32
    %scan3A_9 = arith.addi %scan3A_7, %scan3A_8 : i32
    %scan3A_10 = arith.constant 1 : i32
    scf.for %scan3A_13 = %scan3A_7 to %scan3A_9 step %scan3A_10  : i32 {
      "tpu.region"() ({
        %run_scoped3A = tpu.sem_alloc : memref<!tpu.dma_semaphore, #tpu.memory_space<semaphore_mem>>
        %dma_start3A = arith.constant 0 : i32
        %dma_start3A_14 = tpu.memref_slice %arg7[%scan3A_13, %dma_start3A] : memref<80x128xi32, #tpu.memory_space<vmem>> -> memref<1x128xi32, #tpu.memory_space<vmem>>
        %dma_start3A_15 = tpu.memref_squeeze %dma_start3A_14 : memref<1x128xi32, #tpu.memory_space<vmem>> -> memref<128xi32, #tpu.memory_space<vmem>>
        %dma_start3A_16 = arith.constant 0 : i32
        %dma_start3A_17 = arith.constant 0 : i32
        %dma_start3A_18 = tpu.memref_slice %arg10[%dma_start3A_16, %dma_start3A_17] : memref<10016x32xf32, #tpu.memory_space<vmem_shared>> -> memref<10016x32xf32, #tpu.memory_space<vmem_shared>>
        tpu.enqueue_indirect_dma source(%dma_start3A_18 : memref<10016x32xf32, #tpu.memory_space<vmem_shared>>) target(%arg9 : memref<128x32xf32, #tpu.memory_space<vmem>>) offsets(%dma_start3A_15 : memref<128xi32, #tpu.memory_space<vmem>>) semaphore(%run_scoped3A : memref<!tpu.dma_semaphore, #tpu.memory_space<semaphore_mem>>)
        %dma_wait3A = arith.constant 0 : i32
        %dma_wait3A_19 = tpu.memref_slice %arg7[%scan3A_13, %dma_wait3A] : memref<80x128xi32, #tpu.memory_space<vmem>> -> memref<1x128xi32, #tpu.memory_space<vmem>>
        %dma_wait3A_20 = tpu.memref_squeeze %dma_wait3A_19 : memref<1x128xi32, #tpu.memory_space<vmem>> -> memref<128xi32, #tpu.memory_space<vmem>>
        %dma_wait3A_21 = arith.constant 0 : i32
        %dma_wait3A_22 = arith.constant 0 : i32
        %dma_wait3A_23 = tpu.memref_slice %arg10[%dma_wait3A_21, %dma_wait3A_22] : memref<10016x32xf32, #tpu.memory_space<vmem_shared>> -> memref<10016x32xf32, #tpu.memory_space<vmem_shared>>
        tpu.wait_indirect_dma semaphore(%run_scoped3A : memref<!tpu.dma_semaphore, #tpu.memory_space<semaphore_mem>>) src(%dma_wait3A_23 : memref<10016x32xf32, #tpu.memory_space<vmem_shared>>) dst(%arg9 : memref<128x32xf32, #tpu.memory_space<vmem>>)
        tpu.yield
      }) : () -> ()
      "tpu.region"() ({
        %run_scoped3A = tpu.sem_alloc : memref<!tpu.dma_semaphore, #tpu.memory_space<semaphore_mem>>
        %dma_start3A = arith.constant 0 : i32
        %dma_start3A_14 = tpu.memref_slice %arg8[%scan3A_13, %dma_start3A] : memref<80x128xi32, #tpu.memory_space<vmem>> -> memref<1x128xi32, #tpu.memory_space<vmem>>
        %dma_start3A_15 = tpu.memref_squeeze %dma_start3A_14 : memref<1x128xi32, #tpu.memory_space<vmem>> -> memref<128xi32, #tpu.memory_space<vmem>>
        %dma_start3A_16 = arith.constant 0 : i32
        %dma_start3A_17 = arith.constant 0 : i32
        %dma_start3A_18 = tpu.memref_slice %arg11[%dma_start3A_16, %dma_start3A_17] : memref<10016x32xf32, #tpu.memory_space<vmem_shared>> -> memref<10016x32xf32, #tpu.memory_space<vmem_shared>>
        tpu.enqueue_indirect_dma source(%arg9 : memref<128x32xf32, #tpu.memory_space<vmem>>) target(%dma_start3A_18 : memref<10016x32xf32, #tpu.memory_space<vmem_shared>>) offsets(%dma_start3A_15 : memref<128xi32, #tpu.memory_space<vmem>>) semaphore(%run_scoped3A : memref<!tpu.dma_semaphore, #tpu.memory_space<semaphore_mem>>) {add = true}
        %dma_wait3A = arith.constant 0 : i32
        %dma_wait3A_19 = tpu.memref_slice %arg8[%scan3A_13, %dma_wait3A] : memref<80x128xi32, #tpu.memory_space<vmem>> -> memref<1x128xi32, #tpu.memory_space<vmem>>
        %dma_wait3A_20 = tpu.memref_squeeze %dma_wait3A_19 : memref<1x128xi32, #tpu.memory_space<vmem>> -> memref<128xi32, #tpu.memory_space<vmem>>
        %dma_wait3A_21 = arith.constant 0 : i32
        %dma_wait3A_22 = arith.constant 0 : i32
        %dma_wait3A_23 = tpu.memref_slice %arg11[%dma_wait3A_21, %dma_wait3A_22] : memref<10016x32xf32, #tpu.memory_space<vmem_shared>> -> memref<10016x32xf32, #tpu.memory_space<vmem_shared>>
        tpu.wait_indirect_dma semaphore(%run_scoped3A : memref<!tpu.dma_semaphore, #tpu.memory_space<semaphore_mem>>) src(%arg9 : memref<128x32xf32, #tpu.memory_space<vmem>>) dst(%dma_wait3A_23 : memref<10016x32xf32, #tpu.memory_space<vmem_shared>>)
        tpu.yield
      }) : () -> ()
    }
    %scan3A_11 = arith.constant 80 : i32
    %barrier3A_12 = arith.constant 0 : index
    tpu.barrier barrier_id(%barrier3A_12)
    "tpu.region"() ({
      %run_scoped3A = tpu.sem_alloc : memref<!tpu.dma_semaphore, #tpu.memory_space<semaphore_mem>>
      %dma_start3A = arith.constant 0 : i32
      %dma_start3A_13 = tpu.memref_slice %arg6[%arg0, %mul3A_2, %dma_start3A] : memref<2x10016x32xf32, #tpu.memory_space<hbm>> -> memref<1x626x32xf32, #tpu.memory_space<hbm>>
      %dma_start3A_14 = tpu.memref_squeeze %dma_start3A_13 : memref<1x626x32xf32, #tpu.memory_space<hbm>> -> memref<626x32xf32, #tpu.memory_space<hbm>>
      %dma_start3A_15 = arith.constant 0 : i32
      %dma_start3A_16 = tpu.memref_slice %arg11[%mul3A_2, %dma_start3A_15] : memref<10016x32xf32, #tpu.memory_space<vmem_shared>> -> memref<626x32xf32, #tpu.memory_space<vmem_shared>>
      tpu.enqueue_dma source(%dma_start3A_16 : memref<626x32xf32, #tpu.memory_space<vmem_shared>>) target(%dma_start3A_14 : memref<626x32xf32, #tpu.memory_space<hbm>>) target_semaphore(%run_scoped3A : memref<!tpu.dma_semaphore, #tpu.memory_space<semaphore_mem>>)
      %dma_wait3A = arith.constant 0 : i32
      %dma_wait3A_17 = tpu.memref_slice %arg6[%arg0, %mul3A_2, %dma_wait3A] : memref<2x10016x32xf32, #tpu.memory_space<hbm>> -> memref<1x626x32xf32, #tpu.memory_space<hbm>>
      %dma_wait3A_18 = tpu.memref_squeeze %dma_wait3A_17 : memref<1x626x32xf32, #tpu.memory_space<hbm>> -> memref<626x32xf32, #tpu.memory_space<hbm>>
      %dma_wait3A_19 = arith.constant 0 : i32
      %dma_wait3A_20 = tpu.memref_slice %arg11[%mul3A_2, %dma_wait3A_19] : memref<10016x32xf32, #tpu.memory_space<vmem_shared>> -> memref<626x32xf32, #tpu.memory_space<vmem_shared>>
      tpu.wait_dma2 semaphore(%run_scoped3A : memref<!tpu.dma_semaphore, #tpu.memory_space<semaphore_mem>>) src(%dma_wait3A_20 : memref<626x32xf32, #tpu.memory_space<vmem_shared>>) dst(%dma_wait3A_18 : memref<626x32xf32, #tpu.memory_space<hbm>>)
      tpu.yield
    }) : () -> ()
    return
  }
}

#map = affine_map<(d0, d1) -> (0, 0)>
#map1 = affine_map<(d0, d1) -> (0, 0, 0)>
module attributes {stable_mosaic.version = 14 : i64} {
  func.func @_sc_agg_body(%arg0: i32, %arg1: i32, %arg2: memref<10000x32xf32, #tpu.memory_space<hbm>>, %arg3: memref<32x80x128xi32, #tpu.memory_space<hbm>>, %arg4: memref<32x80x128xi32, #tpu.memory_space<hbm>>, %arg5: memref<10016x32xf32, #tpu.memory_space<hbm>>, %arg6: memref<2x10016x32xf32, #tpu.memory_space<hbm>>, %arg7: memref<80x128xi32, #tpu.memory_space<vmem>>, %arg8: memref<80x128xi32, #tpu.memory_space<vmem>>, %arg9: memref<128x32xf32, #tpu.memory_space<vmem>>, %arg10: memref<10016x32xf32, #tpu.memory_space<vmem_shared>>, %arg11: memref<10016x32xf32, #tpu.memory_space<vmem_shared>>) attributes {dimension_semantics = [#tpu.dimension_semantics<core_parallel>, #tpu.dimension_semantics<subcore_parallel>], iteration_bounds = array<i64: 2, 16>, scalar_prefetch = 0 : i64, scratch_operands = 5 : i64, tpu.core_type = #tpu.core_type<sc_vector_subcore>, window_params = [{transform_indices = #map}, {transform_indices = #map1}, {transform_indices = #map1}, {transform_indices = #map}, {transform_indices = #map1}]} {
    %mul3A = arith.constant 2 : i32
    %mul3A_0 = arith.muli %arg1, %mul3A : i32
    %add3A = arith.addi %mul3A_0, %arg0 : i32
    %mul3A_1 = arith.constant 626 : i32
    %mul3A_2 = arith.muli %arg1, %mul3A_1 : i32
    "tpu.region"() ({
      %run_scoped3A = tpu.sem_alloc : memref<!tpu.dma_semaphore, #tpu.memory_space<semaphore_mem>>
      %dma_start3A = arith.constant 0 : i32
      %dma_start3A_13 = tpu.memref_slice %arg11[%mul3A_2, %dma_start3A] : memref<10016x32xf32, #tpu.memory_space<vmem_shared>> -> memref<626x32xf32, #tpu.memory_space<vmem_shared>>
      %dma_start3A_14 = arith.constant 0 : i32
      %dma_start3A_15 = tpu.memref_slice %arg5[%mul3A_2, %dma_start3A_14] : memref<10016x32xf32, #tpu.memory_space<hbm>> -> memref<626x32xf32, #tpu.memory_space<hbm>>
      tpu.enqueue_dma source(%dma_start3A_15 : memref<626x32xf32, #tpu.memory_space<hbm>>) target(%dma_start3A_13 : memref<626x32xf32, #tpu.memory_space<vmem_shared>>) target_semaphore(%run_scoped3A : memref<!tpu.dma_semaphore, #tpu.memory_space<semaphore_mem>>)
      %dma_wait3A = arith.constant 0 : i32
      %dma_wait3A_16 = tpu.memref_slice %arg11[%mul3A_2, %dma_wait3A] : memref<10016x32xf32, #tpu.memory_space<vmem_shared>> -> memref<626x32xf32, #tpu.memory_space<vmem_shared>>
      %dma_wait3A_17 = arith.constant 0 : i32
      %dma_wait3A_18 = tpu.memref_slice %arg5[%mul3A_2, %dma_wait3A_17] : memref<10016x32xf32, #tpu.memory_space<hbm>> -> memref<626x32xf32, #tpu.memory_space<hbm>>
      tpu.wait_dma2 semaphore(%run_scoped3A : memref<!tpu.dma_semaphore, #tpu.memory_space<semaphore_mem>>) src(%dma_wait3A_18 : memref<626x32xf32, #tpu.memory_space<hbm>>) dst(%dma_wait3A_16 : memref<626x32xf32, #tpu.memory_space<vmem_shared>>)
      tpu.yield
    }) : () -> ()
    %mul3A_3 = arith.constant 625 : i32
    %mul3A_4 = arith.muli %arg1, %mul3A_3 : i32
    %mul3A_5 = arith.constant 625 : i32
    %mul3A_6 = arith.muli %arg1, %mul3A_5 : i32
    "tpu.region"() ({
      %run_scoped3A = tpu.sem_alloc : memref<!tpu.dma_semaphore, #tpu.memory_space<semaphore_mem>>
      %dma_start3A = arith.constant 0 : i32
      %dma_start3A_13 = tpu.memref_slice %arg10[%mul3A_6, %dma_start3A] : memref<10016x32xf32, #tpu.memory_space<vmem_shared>> -> memref<625x32xf32, #tpu.memory_space<vmem_shared>>
      %dma_start3A_14 = arith.constant 0 : i32
      %dma_start3A_15 = tpu.memref_slice %arg2[%mul3A_4, %dma_start3A_14] : memref<10000x32xf32, #tpu.memory_space<hbm>> -> memref<625x32xf32, #tpu.memory_space<hbm>>
      tpu.enqueue_dma source(%dma_start3A_15 : memref<625x32xf32, #tpu.memory_space<hbm>>) target(%dma_start3A_13 : memref<625x32xf32, #tpu.memory_space<vmem_shared>>) target_semaphore(%run_scoped3A : memref<!tpu.dma_semaphore, #tpu.memory_space<semaphore_mem>>)
      %dma_wait3A = arith.constant 0 : i32
      %dma_wait3A_16 = tpu.memref_slice %arg10[%mul3A_6, %dma_wait3A] : memref<10016x32xf32, #tpu.memory_space<vmem_shared>> -> memref<625x32xf32, #tpu.memory_space<vmem_shared>>
      %dma_wait3A_17 = arith.constant 0 : i32
      %dma_wait3A_18 = tpu.memref_slice %arg2[%mul3A_4, %dma_wait3A_17] : memref<10000x32xf32, #tpu.memory_space<hbm>> -> memref<625x32xf32, #tpu.memory_space<hbm>>
      tpu.wait_dma2 semaphore(%run_scoped3A : memref<!tpu.dma_semaphore, #tpu.memory_space<semaphore_mem>>) src(%dma_wait3A_18 : memref<625x32xf32, #tpu.memory_space<hbm>>) dst(%dma_wait3A_16 : memref<625x32xf32, #tpu.memory_space<vmem_shared>>)
      tpu.yield
    }) : () -> ()
    "tpu.region"() ({
      %run_scoped3A = tpu.sem_alloc : memref<!tpu.dma_semaphore, #tpu.memory_space<semaphore_mem>>
      %dma_start3A = arith.constant 0 : i32
      %dma_start3A_13 = arith.constant 0 : i32
      %dma_start3A_14 = tpu.memref_slice %arg3[%add3A, %dma_start3A, %dma_start3A_13] : memref<32x80x128xi32, #tpu.memory_space<hbm>> -> memref<1x80x128xi32, #tpu.memory_space<hbm>>
      %dma_start3A_15 = tpu.memref_squeeze %dma_start3A_14 : memref<1x80x128xi32, #tpu.memory_space<hbm>> -> memref<80x128xi32, #tpu.memory_space<hbm>>
      %dma_start3A_16 = arith.constant 0 : i32
      %dma_start3A_17 = arith.constant 0 : i32
      %dma_start3A_18 = tpu.memref_slice %arg3[%add3A, %dma_start3A_16, %dma_start3A_17] : memref<32x80x128xi32, #tpu.memory_space<hbm>> -> memref<1x80x128xi32, #tpu.memory_space<hbm>>
      %dma_start3A_19 = tpu.memref_squeeze %dma_start3A_18 : memref<1x80x128xi32, #tpu.memory_space<hbm>> -> memref<80x128xi32, #tpu.memory_space<hbm>>
      tpu.enqueue_dma source(%dma_start3A_19 : memref<80x128xi32, #tpu.memory_space<hbm>>) target(%arg7 : memref<80x128xi32, #tpu.memory_space<vmem>>) target_semaphore(%run_scoped3A : memref<!tpu.dma_semaphore, #tpu.memory_space<semaphore_mem>>)
      %dma_wait3A = arith.constant 0 : i32
      %dma_wait3A_20 = arith.constant 0 : i32
      %dma_wait3A_21 = tpu.memref_slice %arg3[%add3A, %dma_wait3A, %dma_wait3A_20] : memref<32x80x128xi32, #tpu.memory_space<hbm>> -> memref<1x80x128xi32, #tpu.memory_space<hbm>>
      %dma_wait3A_22 = tpu.memref_squeeze %dma_wait3A_21 : memref<1x80x128xi32, #tpu.memory_space<hbm>> -> memref<80x128xi32, #tpu.memory_space<hbm>>
      %dma_wait3A_23 = arith.constant 0 : i32
      %dma_wait3A_24 = arith.constant 0 : i32
      %dma_wait3A_25 = tpu.memref_slice %arg3[%add3A, %dma_wait3A_23, %dma_wait3A_24] : memref<32x80x128xi32, #tpu.memory_space<hbm>> -> memref<1x80x128xi32, #tpu.memory_space<hbm>>
      %dma_wait3A_26 = tpu.memref_squeeze %dma_wait3A_25 : memref<1x80x128xi32, #tpu.memory_space<hbm>> -> memref<80x128xi32, #tpu.memory_space<hbm>>
      tpu.wait_dma2 semaphore(%run_scoped3A : memref<!tpu.dma_semaphore, #tpu.memory_space<semaphore_mem>>) src(%dma_wait3A_26 : memref<80x128xi32, #tpu.memory_space<hbm>>) dst(%arg7 : memref<80x128xi32, #tpu.memory_space<vmem>>)
      tpu.yield
    }) : () -> ()
    "tpu.region"() ({
      %run_scoped3A = tpu.sem_alloc : memref<!tpu.dma_semaphore, #tpu.memory_space<semaphore_mem>>
      %dma_start3A = arith.constant 0 : i32
      %dma_start3A_13 = arith.constant 0 : i32
      %dma_start3A_14 = tpu.memref_slice %arg4[%add3A, %dma_start3A, %dma_start3A_13] : memref<32x80x128xi32, #tpu.memory_space<hbm>> -> memref<1x80x128xi32, #tpu.memory_space<hbm>>
      %dma_start3A_15 = tpu.memref_squeeze %dma_start3A_14 : memref<1x80x128xi32, #tpu.memory_space<hbm>> -> memref<80x128xi32, #tpu.memory_space<hbm>>
      %dma_start3A_16 = arith.constant 0 : i32
      %dma_start3A_17 = arith.constant 0 : i32
      %dma_start3A_18 = tpu.memref_slice %arg4[%add3A, %dma_start3A_16, %dma_start3A_17] : memref<32x80x128xi32, #tpu.memory_space<hbm>> -> memref<1x80x128xi32, #tpu.memory_space<hbm>>
      %dma_start3A_19 = tpu.memref_squeeze %dma_start3A_18 : memref<1x80x128xi32, #tpu.memory_space<hbm>> -> memref<80x128xi32, #tpu.memory_space<hbm>>
      tpu.enqueue_dma source(%dma_start3A_19 : memref<80x128xi32, #tpu.memory_space<hbm>>) target(%arg8 : memref<80x128xi32, #tpu.memory_space<vmem>>) target_semaphore(%run_scoped3A : memref<!tpu.dma_semaphore, #tpu.memory_space<semaphore_mem>>)
      %dma_wait3A = arith.constant 0 : i32
      %dma_wait3A_20 = arith.constant 0 : i32
      %dma_wait3A_21 = tpu.memref_slice %arg4[%add3A, %dma_wait3A, %dma_wait3A_20] : memref<32x80x128xi32, #tpu.memory_space<hbm>> -> memref<1x80x128xi32, #tpu.memory_space<hbm>>
      %dma_wait3A_22 = tpu.memref_squeeze %dma_wait3A_21 : memref<1x80x128xi32, #tpu.memory_space<hbm>> -> memref<80x128xi32, #tpu.memory_space<hbm>>
      %dma_wait3A_23 = arith.constant 0 : i32
      %dma_wait3A_24 = arith.constant 0 : i32
      %dma_wait3A_25 = tpu.memref_slice %arg4[%add3A, %dma_wait3A_23, %dma_wait3A_24] : memref<32x80x128xi32, #tpu.memory_space<hbm>> -> memref<1x80x128xi32, #tpu.memory_space<hbm>>
      %dma_wait3A_26 = tpu.memref_squeeze %dma_wait3A_25 : memref<1x80x128xi32, #tpu.memory_space<hbm>> -> memref<80x128xi32, #tpu.memory_space<hbm>>
      tpu.wait_dma2 semaphore(%run_scoped3A : memref<!tpu.dma_semaphore, #tpu.memory_space<semaphore_mem>>) src(%dma_wait3A_26 : memref<80x128xi32, #tpu.memory_space<hbm>>) dst(%arg8 : memref<80x128xi32, #tpu.memory_space<vmem>>)
      tpu.yield
    }) : () -> ()
    %barrier3A = arith.constant 0 : index
    tpu.barrier barrier_id(%barrier3A)
    %scan3A = arith.constant 0 : i32
    %scan3A_7 = arith.constant 0 : i32
    %scan3A_8 = arith.constant 80 : i32
    %scan3A_9 = arith.addi %scan3A_7, %scan3A_8 : i32
    %scan3A_10 = arith.constant 1 : i32
    scf.for %scan3A_13 = %scan3A_7 to %scan3A_9 step %scan3A_10  : i32 {
      "tpu.region"() ({
        %run_scoped3A = tpu.sem_alloc : memref<!tpu.dma_semaphore, #tpu.memory_space<semaphore_mem>>
        %dma_start3A = arith.constant 0 : i32
        %dma_start3A_14 = tpu.memref_slice %arg7[%scan3A_13, %dma_start3A] : memref<80x128xi32, #tpu.memory_space<vmem>> -> memref<1x128xi32, #tpu.memory_space<vmem>>
        %dma_start3A_15 = tpu.memref_squeeze %dma_start3A_14 : memref<1x128xi32, #tpu.memory_space<vmem>> -> memref<128xi32, #tpu.memory_space<vmem>>
        %dma_start3A_16 = arith.constant 0 : i32
        %dma_start3A_17 = arith.constant 0 : i32
        %dma_start3A_18 = tpu.memref_slice %arg10[%dma_start3A_16, %dma_start3A_17] : memref<10016x32xf32, #tpu.memory_space<vmem_shared>> -> memref<10016x32xf32, #tpu.memory_space<vmem_shared>>
        tpu.enqueue_indirect_dma source(%dma_start3A_18 : memref<10016x32xf32, #tpu.memory_space<vmem_shared>>) target(%arg9 : memref<128x32xf32, #tpu.memory_space<vmem>>) offsets(%dma_start3A_15 : memref<128xi32, #tpu.memory_space<vmem>>) semaphore(%run_scoped3A : memref<!tpu.dma_semaphore, #tpu.memory_space<semaphore_mem>>)
        %dma_wait3A = arith.constant 0 : i32
        %dma_wait3A_19 = tpu.memref_slice %arg7[%scan3A_13, %dma_wait3A] : memref<80x128xi32, #tpu.memory_space<vmem>> -> memref<1x128xi32, #tpu.memory_space<vmem>>
        %dma_wait3A_20 = tpu.memref_squeeze %dma_wait3A_19 : memref<1x128xi32, #tpu.memory_space<vmem>> -> memref<128xi32, #tpu.memory_space<vmem>>
        %dma_wait3A_21 = arith.constant 0 : i32
        %dma_wait3A_22 = arith.constant 0 : i32
        %dma_wait3A_23 = tpu.memref_slice %arg10[%dma_wait3A_21, %dma_wait3A_22] : memref<10016x32xf32, #tpu.memory_space<vmem_shared>> -> memref<10016x32xf32, #tpu.memory_space<vmem_shared>>
        tpu.wait_indirect_dma semaphore(%run_scoped3A : memref<!tpu.dma_semaphore, #tpu.memory_space<semaphore_mem>>) src(%dma_wait3A_23 : memref<10016x32xf32, #tpu.memory_space<vmem_shared>>) dst(%arg9 : memref<128x32xf32, #tpu.memory_space<vmem>>)
        tpu.yield
      }) : () -> ()
      "tpu.region"() ({
        %run_scoped3A = tpu.sem_alloc : memref<!tpu.dma_semaphore, #tpu.memory_space<semaphore_mem>>
        %dma_start3A = arith.constant 0 : i32
        %dma_start3A_14 = tpu.memref_slice %arg8[%scan3A_13, %dma_start3A] : memref<80x128xi32, #tpu.memory_space<vmem>> -> memref<1x128xi32, #tpu.memory_space<vmem>>
        %dma_start3A_15 = tpu.memref_squeeze %dma_start3A_14 : memref<1x128xi32, #tpu.memory_space<vmem>> -> memref<128xi32, #tpu.memory_space<vmem>>
        %dma_start3A_16 = arith.constant 0 : i32
        %dma_start3A_17 = arith.constant 0 : i32
        %dma_start3A_18 = tpu.memref_slice %arg11[%dma_start3A_16, %dma_start3A_17] : memref<10016x32xf32, #tpu.memory_space<vmem_shared>> -> memref<10016x32xf32, #tpu.memory_space<vmem_shared>>
        tpu.enqueue_indirect_dma source(%arg9 : memref<128x32xf32, #tpu.memory_space<vmem>>) target(%dma_start3A_18 : memref<10016x32xf32, #tpu.memory_space<vmem_shared>>) offsets(%dma_start3A_15 : memref<128xi32, #tpu.memory_space<vmem>>) semaphore(%run_scoped3A : memref<!tpu.dma_semaphore, #tpu.memory_space<semaphore_mem>>) {add = true}
        %dma_wait3A = arith.constant 0 : i32
        %dma_wait3A_19 = tpu.memref_slice %arg8[%scan3A_13, %dma_wait3A] : memref<80x128xi32, #tpu.memory_space<vmem>> -> memref<1x128xi32, #tpu.memory_space<vmem>>
        %dma_wait3A_20 = tpu.memref_squeeze %dma_wait3A_19 : memref<1x128xi32, #tpu.memory_space<vmem>> -> memref<128xi32, #tpu.memory_space<vmem>>
        %dma_wait3A_21 = arith.constant 0 : i32
        %dma_wait3A_22 = arith.constant 0 : i32
        %dma_wait3A_23 = tpu.memref_slice %arg11[%dma_wait3A_21, %dma_wait3A_22] : memref<10016x32xf32, #tpu.memory_space<vmem_shared>> -> memref<10016x32xf32, #tpu.memory_space<vmem_shared>>
        tpu.wait_indirect_dma semaphore(%run_scoped3A : memref<!tpu.dma_semaphore, #tpu.memory_space<semaphore_mem>>) src(%arg9 : memref<128x32xf32, #tpu.memory_space<vmem>>) dst(%dma_wait3A_23 : memref<10016x32xf32, #tpu.memory_space<vmem_shared>>)
        tpu.yield
      }) : () -> ()
    }
    %scan3A_11 = arith.constant 80 : i32
    %barrier3A_12 = arith.constant 0 : index
    tpu.barrier barrier_id(%barrier3A_12)
    "tpu.region"() ({
      %run_scoped3A = tpu.sem_alloc : memref<!tpu.dma_semaphore, #tpu.memory_space<semaphore_mem>>
      %dma_start3A = arith.constant 0 : i32
      %dma_start3A_13 = tpu.memref_slice %arg6[%arg0, %mul3A_2, %dma_start3A] : memref<2x10016x32xf32, #tpu.memory_space<hbm>> -> memref<1x626x32xf32, #tpu.memory_space<hbm>>
      %dma_start3A_14 = tpu.memref_squeeze %dma_start3A_13 : memref<1x626x32xf32, #tpu.memory_space<hbm>> -> memref<626x32xf32, #tpu.memory_space<hbm>>
      %dma_start3A_15 = arith.constant 0 : i32
      %dma_start3A_16 = tpu.memref_slice %arg11[%mul3A_2, %dma_start3A_15] : memref<10016x32xf32, #tpu.memory_space<vmem_shared>> -> memref<626x32xf32, #tpu.memory_space<vmem_shared>>
      tpu.enqueue_dma source(%dma_start3A_16 : memref<626x32xf32, #tpu.memory_space<vmem_shared>>) target(%dma_start3A_14 : memref<626x32xf32, #tpu.memory_space<hbm>>) target_semaphore(%run_scoped3A : memref<!tpu.dma_semaphore, #tpu.memory_space<semaphore_mem>>)
      %dma_wait3A = arith.constant 0 : i32
      %dma_wait3A_17 = tpu.memref_slice %arg6[%arg0, %mul3A_2, %dma_wait3A] : memref<2x10016x32xf32, #tpu.memory_space<hbm>> -> memref<1x626x32xf32, #tpu.memory_space<hbm>>
      %dma_wait3A_18 = tpu.memref_squeeze %dma_wait3A_17 : memref<1x626x32xf32, #tpu.memory_space<hbm>> -> memref<626x32xf32, #tpu.memory_space<hbm>>
      %dma_wait3A_19 = arith.constant 0 : i32
      %dma_wait3A_20 = tpu.memref_slice %arg11[%mul3A_2, %dma_wait3A_19] : memref<10016x32xf32, #tpu.memory_space<vmem_shared>> -> memref<626x32xf32, #tpu.memory_space<vmem_shared>>
      tpu.wait_dma2 semaphore(%run_scoped3A : memref<!tpu.dma_semaphore, #tpu.memory_space<semaphore_mem>>) src(%dma_wait3A_20 : memref<626x32xf32, #tpu.memory_space<vmem_shared>>) dst(%dma_wait3A_18 : memref<626x32xf32, #tpu.memory_space<hbm>>)
      tpu.yield
    }) : () -> ()
    return
  }
}

#map = affine_map<(d0, d1) -> (0, 0)>
#map1 = affine_map<(d0, d1) -> (0, 0, 0)>
#map2 = affine_map<(d0, d1) -> (0, 0, 0, 0)>
module attributes {stable_mosaic.version = 14 : i64} {
  func.func @_sc_cnt_body(%arg0: i32, %arg1: i32, %arg2: memref<128x8xf32, #tpu.memory_space<hbm>>, %arg3: memref<32x80x128xi32, #tpu.memory_space<hbm>>, %arg4: memref<32x80x128xi32, #tpu.memory_space<hbm>>, %arg5: memref<10016x8xf32, #tpu.memory_space<hbm>>, %arg6: memref<2x2x10016x8xf32, #tpu.memory_space<hbm>>, %arg7: memref<80x128xi32, #tpu.memory_space<vmem>>, %arg8: memref<80x128xi32, #tpu.memory_space<vmem>>, %arg9: memref<128x8xf32, #tpu.memory_space<vmem>>, %arg10: memref<10016x8xf32, #tpu.memory_space<vmem_shared>>, %arg11: memref<10016x8xf32, #tpu.memory_space<vmem_shared>>, %arg12: memref<!tpu.dma_semaphore, #tpu.memory_space<semaphore_mem>>) attributes {dimension_semantics = [#tpu.dimension_semantics<core_parallel>, #tpu.dimension_semantics<subcore_parallel>], iteration_bounds = array<i64: 2, 16>, scalar_prefetch = 0 : i64, scratch_operands = 6 : i64, tpu.core_type = #tpu.core_type<sc_vector_subcore>, window_params = [{transform_indices = #map}, {transform_indices = #map1}, {transform_indices = #map1}, {transform_indices = #map}, {transform_indices = #map2}]} {
    %mul3A = arith.constant 2 : i32
    %mul3A_0 = arith.muli %arg1, %mul3A : i32
    %add3A = arith.addi %mul3A_0, %arg0 : i32
    %mul3A_1 = arith.constant 626 : i32
    %mul3A_2 = arith.muli %arg1, %mul3A_1 : i32
    "tpu.region"() ({
      %run_scoped3A_10 = tpu.sem_alloc : memref<!tpu.dma_semaphore, #tpu.memory_space<semaphore_mem>>
      %dma_start3A = arith.constant 0 : i32
      %dma_start3A_11 = tpu.memref_slice %arg10[%mul3A_2, %dma_start3A] : memref<10016x8xf32, #tpu.memory_space<vmem_shared>> -> memref<626x8xf32, #tpu.memory_space<vmem_shared>>
      %dma_start3A_12 = arith.constant 0 : i32
      %dma_start3A_13 = tpu.memref_slice %arg5[%mul3A_2, %dma_start3A_12] : memref<10016x8xf32, #tpu.memory_space<hbm>> -> memref<626x8xf32, #tpu.memory_space<hbm>>
      tpu.enqueue_dma source(%dma_start3A_13 : memref<626x8xf32, #tpu.memory_space<hbm>>) target(%dma_start3A_11 : memref<626x8xf32, #tpu.memory_space<vmem_shared>>) target_semaphore(%run_scoped3A_10 : memref<!tpu.dma_semaphore, #tpu.memory_space<semaphore_mem>>)
      %dma_wait3A = arith.constant 0 : i32
      %dma_wait3A_14 = tpu.memref_slice %arg10[%mul3A_2, %dma_wait3A] : memref<10016x8xf32, #tpu.memory_space<vmem_shared>> -> memref<626x8xf32, #tpu.memory_space<vmem_shared>>
      %dma_wait3A_15 = arith.constant 0 : i32
      %dma_wait3A_16 = tpu.memref_slice %arg5[%mul3A_2, %dma_wait3A_15] : memref<10016x8xf32, #tpu.memory_space<hbm>> -> memref<626x8xf32, #tpu.memory_space<hbm>>
      tpu.wait_dma2 semaphore(%run_scoped3A_10 : memref<!tpu.dma_semaphore, #tpu.memory_space<semaphore_mem>>) src(%dma_wait3A_16 : memref<626x8xf32, #tpu.memory_space<hbm>>) dst(%dma_wait3A_14 : memref<626x8xf32, #tpu.memory_space<vmem_shared>>)
      tpu.yield
    }) : () -> ()
    "tpu.region"() ({
      %run_scoped3A_10 = tpu.sem_alloc : memref<!tpu.dma_semaphore, #tpu.memory_space<semaphore_mem>>
      %dma_start3A = arith.constant 0 : i32
      %dma_start3A_11 = tpu.memref_slice %arg11[%mul3A_2, %dma_start3A] : memref<10016x8xf32, #tpu.memory_space<vmem_shared>> -> memref<626x8xf32, #tpu.memory_space<vmem_shared>>
      %dma_start3A_12 = arith.constant 0 : i32
      %dma_start3A_13 = tpu.memref_slice %arg5[%mul3A_2, %dma_start3A_12] : memref<10016x8xf32, #tpu.memory_space<hbm>> -> memref<626x8xf32, #tpu.memory_space<hbm>>
      tpu.enqueue_dma source(%dma_start3A_13 : memref<626x8xf32, #tpu.memory_space<hbm>>) target(%dma_start3A_11 : memref<626x8xf32, #tpu.memory_space<vmem_shared>>) target_semaphore(%run_scoped3A_10 : memref<!tpu.dma_semaphore, #tpu.memory_space<semaphore_mem>>)
      %dma_wait3A = arith.constant 0 : i32
      %dma_wait3A_14 = tpu.memref_slice %arg11[%mul3A_2, %dma_wait3A] : memref<10016x8xf32, #tpu.memory_space<vmem_shared>> -> memref<626x8xf32, #tpu.memory_space<vmem_shared>>
      %dma_wait3A_15 = arith.constant 0 : i32
      %dma_wait3A_16 = tpu.memref_slice %arg5[%mul3A_2, %dma_wait3A_15] : memref<10016x8xf32, #tpu.memory_space<hbm>> -> memref<626x8xf32, #tpu.memory_space<hbm>>
      tpu.wait_dma2 semaphore(%run_scoped3A_10 : memref<!tpu.dma_semaphore, #tpu.memory_space<semaphore_mem>>) src(%dma_wait3A_16 : memref<626x8xf32, #tpu.memory_space<hbm>>) dst(%dma_wait3A_14 : memref<626x8xf32, #tpu.memory_space<vmem_shared>>)
      tpu.yield
    }) : () -> ()
    "tpu.region"() ({
      %run_scoped3A_10 = tpu.sem_alloc : memref<!tpu.dma_semaphore, #tpu.memory_space<semaphore_mem>>
      %dma_start3A = arith.constant 0 : i32
      %dma_start3A_11 = arith.constant 0 : i32
      %dma_start3A_12 = tpu.memref_slice %arg3[%add3A, %dma_start3A, %dma_start3A_11] : memref<32x80x128xi32, #tpu.memory_space<hbm>> -> memref<1x80x128xi32, #tpu.memory_space<hbm>>
      %dma_start3A_13 = tpu.memref_squeeze %dma_start3A_12 : memref<1x80x128xi32, #tpu.memory_space<hbm>> -> memref<80x128xi32, #tpu.memory_space<hbm>>
      %dma_start3A_14 = arith.constant 0 : i32
      %dma_start3A_15 = arith.constant 0 : i32
      %dma_start3A_16 = tpu.memref_slice %arg3[%add3A, %dma_start3A_14, %dma_start3A_15] : memref<32x80x128xi32, #tpu.memory_space<hbm>> -> memref<1x80x128xi32, #tpu.memory_space<hbm>>
      %dma_start3A_17 = tpu.memref_squeeze %dma_start3A_16 : memref<1x80x128xi32, #tpu.memory_space<hbm>> -> memref<80x128xi32, #tpu.memory_space<hbm>>
      tpu.enqueue_dma source(%dma_start3A_17 : memref<80x128xi32, #tpu.memory_space<hbm>>) target(%arg7 : memref<80x128xi32, #tpu.memory_space<vmem>>) target_semaphore(%run_scoped3A_10 : memref<!tpu.dma_semaphore, #tpu.memory_space<semaphore_mem>>)
      %dma_wait3A = arith.constant 0 : i32
      %dma_wait3A_18 = arith.constant 0 : i32
      %dma_wait3A_19 = tpu.memref_slice %arg3[%add3A, %dma_wait3A, %dma_wait3A_18] : memref<32x80x128xi32, #tpu.memory_space<hbm>> -> memref<1x80x128xi32, #tpu.memory_space<hbm>>
      %dma_wait3A_20 = tpu.memref_squeeze %dma_wait3A_19 : memref<1x80x128xi32, #tpu.memory_space<hbm>> -> memref<80x128xi32, #tpu.memory_space<hbm>>
      %dma_wait3A_21 = arith.constant 0 : i32
      %dma_wait3A_22 = arith.constant 0 : i32
      %dma_wait3A_23 = tpu.memref_slice %arg3[%add3A, %dma_wait3A_21, %dma_wait3A_22] : memref<32x80x128xi32, #tpu.memory_space<hbm>> -> memref<1x80x128xi32, #tpu.memory_space<hbm>>
      %dma_wait3A_24 = tpu.memref_squeeze %dma_wait3A_23 : memref<1x80x128xi32, #tpu.memory_space<hbm>> -> memref<80x128xi32, #tpu.memory_space<hbm>>
      tpu.wait_dma2 semaphore(%run_scoped3A_10 : memref<!tpu.dma_semaphore, #tpu.memory_space<semaphore_mem>>) src(%dma_wait3A_24 : memref<80x128xi32, #tpu.memory_space<hbm>>) dst(%arg7 : memref<80x128xi32, #tpu.memory_space<vmem>>)
      tpu.yield
    }) : () -> ()
    "tpu.region"() ({
      %run_scoped3A_10 = tpu.sem_alloc : memref<!tpu.dma_semaphore, #tpu.memory_space<semaphore_mem>>
      %dma_start3A = arith.constant 0 : i32
      %dma_start3A_11 = arith.constant 0 : i32
      %dma_start3A_12 = tpu.memref_slice %arg4[%add3A, %dma_start3A, %dma_start3A_11] : memref<32x80x128xi32, #tpu.memory_space<hbm>> -> memref<1x80x128xi32, #tpu.memory_space<hbm>>
      %dma_start3A_13 = tpu.memref_squeeze %dma_start3A_12 : memref<1x80x128xi32, #tpu.memory_space<hbm>> -> memref<80x128xi32, #tpu.memory_space<hbm>>
      %dma_start3A_14 = arith.constant 0 : i32
      %dma_start3A_15 = arith.constant 0 : i32
      %dma_start3A_16 = tpu.memref_slice %arg4[%add3A, %dma_start3A_14, %dma_start3A_15] : memref<32x80x128xi32, #tpu.memory_space<hbm>> -> memref<1x80x128xi32, #tpu.memory_space<hbm>>
      %dma_start3A_17 = tpu.memref_squeeze %dma_start3A_16 : memref<1x80x128xi32, #tpu.memory_space<hbm>> -> memref<80x128xi32, #tpu.memory_space<hbm>>
      tpu.enqueue_dma source(%dma_start3A_17 : memref<80x128xi32, #tpu.memory_space<hbm>>) target(%arg8 : memref<80x128xi32, #tpu.memory_space<vmem>>) target_semaphore(%run_scoped3A_10 : memref<!tpu.dma_semaphore, #tpu.memory_space<semaphore_mem>>)
      %dma_wait3A = arith.constant 0 : i32
      %dma_wait3A_18 = arith.constant 0 : i32
      %dma_wait3A_19 = tpu.memref_slice %arg4[%add3A, %dma_wait3A, %dma_wait3A_18] : memref<32x80x128xi32, #tpu.memory_space<hbm>> -> memref<1x80x128xi32, #tpu.memory_space<hbm>>
      %dma_wait3A_20 = tpu.memref_squeeze %dma_wait3A_19 : memref<1x80x128xi32, #tpu.memory_space<hbm>> -> memref<80x128xi32, #tpu.memory_space<hbm>>
      %dma_wait3A_21 = arith.constant 0 : i32
      %dma_wait3A_22 = arith.constant 0 : i32
      %dma_wait3A_23 = tpu.memref_slice %arg4[%add3A, %dma_wait3A_21, %dma_wait3A_22] : memref<32x80x128xi32, #tpu.memory_space<hbm>> -> memref<1x80x128xi32, #tpu.memory_space<hbm>>
      %dma_wait3A_24 = tpu.memref_squeeze %dma_wait3A_23 : memref<1x80x128xi32, #tpu.memory_space<hbm>> -> memref<80x128xi32, #tpu.memory_space<hbm>>
      tpu.wait_dma2 semaphore(%run_scoped3A_10 : memref<!tpu.dma_semaphore, #tpu.memory_space<semaphore_mem>>) src(%dma_wait3A_24 : memref<80x128xi32, #tpu.memory_space<hbm>>) dst(%arg8 : memref<80x128xi32, #tpu.memory_space<vmem>>)
      tpu.yield
    }) : () -> ()
    "tpu.region"() ({
      %run_scoped3A_10 = tpu.sem_alloc : memref<!tpu.dma_semaphore, #tpu.memory_space<semaphore_mem>>
      tpu.enqueue_dma source(%arg2 : memref<128x8xf32, #tpu.memory_space<hbm>>) target(%arg9 : memref<128x8xf32, #tpu.memory_space<vmem>>) target_semaphore(%run_scoped3A_10 : memref<!tpu.dma_semaphore, #tpu.memory_space<semaphore_mem>>)
      tpu.wait_dma2 semaphore(%run_scoped3A_10 : memref<!tpu.dma_semaphore, #tpu.memory_space<semaphore_mem>>) src(%arg2 : memref<128x8xf32, #tpu.memory_space<hbm>>) dst(%arg9 : memref<128x8xf32, #tpu.memory_space<vmem>>)
      tpu.yield
    }) : () -> ()
    %barrier3A = arith.constant 0 : index
    tpu.barrier barrier_id(%barrier3A)
    %scan3A = arith.constant 0 : i32
    %scan3A_3 = arith.constant 0 : i32
    %scan3A_4 = arith.constant 80 : i32
    %scan3A_5 = arith.addi %scan3A_3, %scan3A_4 : i32
    %scan3A_6 = arith.constant 1 : i32
    scf.for %scan3A_10 = %scan3A_3 to %scan3A_5 step %scan3A_6  : i32 {
      %dma_start3A = arith.constant 0 : i32
      %dma_start3A_11 = tpu.memref_slice %arg8[%scan3A_10, %dma_start3A] : memref<80x128xi32, #tpu.memory_space<vmem>> -> memref<1x128xi32, #tpu.memory_space<vmem>>
      %dma_start3A_12 = tpu.memref_squeeze %dma_start3A_11 : memref<1x128xi32, #tpu.memory_space<vmem>> -> memref<128xi32, #tpu.memory_space<vmem>>
      %dma_start3A_13 = arith.constant 0 : i32
      %dma_start3A_14 = arith.constant 0 : i32
      %dma_start3A_15 = tpu.memref_slice %arg10[%dma_start3A_13, %dma_start3A_14] : memref<10016x8xf32, #tpu.memory_space<vmem_shared>> -> memref<10016x8xf32, #tpu.memory_space<vmem_shared>>
      tpu.enqueue_indirect_dma source(%arg9 : memref<128x8xf32, #tpu.memory_space<vmem>>) target(%dma_start3A_15 : memref<10016x8xf32, #tpu.memory_space<vmem_shared>>) offsets(%dma_start3A_12 : memref<128xi32, #tpu.memory_space<vmem>>) semaphore(%arg12 : memref<!tpu.dma_semaphore, #tpu.memory_space<semaphore_mem>>) {add = true}
      %dma_start3A_16 = arith.constant 0 : i32
      %dma_start3A_17 = tpu.memref_slice %arg7[%scan3A_10, %dma_start3A_16] : memref<80x128xi32, #tpu.memory_space<vmem>> -> memref<1x128xi32, #tpu.memory_space<vmem>>
      %dma_start3A_18 = tpu.memref_squeeze %dma_start3A_17 : memref<1x128xi32, #tpu.memory_space<vmem>> -> memref<128xi32, #tpu.memory_space<vmem>>
      %dma_start3A_19 = arith.constant 0 : i32
      %dma_start3A_20 = arith.constant 0 : i32
      %dma_start3A_21 = tpu.memref_slice %arg11[%dma_start3A_19, %dma_start3A_20] : memref<10016x8xf32, #tpu.memory_space<vmem_shared>> -> memref<10016x8xf32, #tpu.memory_space<vmem_shared>>
      tpu.enqueue_indirect_dma source(%arg9 : memref<128x8xf32, #tpu.memory_space<vmem>>) target(%dma_start3A_21 : memref<10016x8xf32, #tpu.memory_space<vmem_shared>>) offsets(%dma_start3A_18 : memref<128xi32, #tpu.memory_space<vmem>>) semaphore(%arg12 : memref<!tpu.dma_semaphore, #tpu.memory_space<semaphore_mem>>) {add = true}
      %dma_wait3A = arith.constant 0 : i32
      %dma_wait3A_22 = tpu.memref_slice %arg8[%scan3A_10, %dma_wait3A] : memref<80x128xi32, #tpu.memory_space<vmem>> -> memref<1x128xi32, #tpu.memory_space<vmem>>
      %dma_wait3A_23 = tpu.memref_squeeze %dma_wait3A_22 : memref<1x128xi32, #tpu.memory_space<vmem>> -> memref<128xi32, #tpu.memory_space<vmem>>
      %dma_wait3A_24 = arith.constant 0 : i32
      %dma_wait3A_25 = arith.constant 0 : i32
      %dma_wait3A_26 = tpu.memref_slice %arg10[%dma_wait3A_24, %dma_wait3A_25] : memref<10016x8xf32, #tpu.memory_space<vmem_shared>> -> memref<10016x8xf32, #tpu.memory_space<vmem_shared>>
      tpu.wait_indirect_dma semaphore(%arg12 : memref<!tpu.dma_semaphore, #tpu.memory_space<semaphore_mem>>) src(%arg9 : memref<128x8xf32, #tpu.memory_space<vmem>>) dst(%dma_wait3A_26 : memref<10016x8xf32, #tpu.memory_space<vmem_shared>>)
      %dma_wait3A_27 = arith.constant 0 : i32
      %dma_wait3A_28 = tpu.memref_slice %arg7[%scan3A_10, %dma_wait3A_27] : memref<80x128xi32, #tpu.memory_space<vmem>> -> memref<1x128xi32, #tpu.memory_space<vmem>>
      %dma_wait3A_29 = tpu.memref_squeeze %dma_wait3A_28 : memref<1x128xi32, #tpu.memory_space<vmem>> -> memref<128xi32, #tpu.memory_space<vmem>>
      %dma_wait3A_30 = arith.constant 0 : i32
      %dma_wait3A_31 = arith.constant 0 : i32
      %dma_wait3A_32 = tpu.memref_slice %arg11[%dma_wait3A_30, %dma_wait3A_31] : memref<10016x8xf32, #tpu.memory_space<vmem_shared>> -> memref<10016x8xf32, #tpu.memory_space<vmem_shared>>
      tpu.wait_indirect_dma semaphore(%arg12 : memref<!tpu.dma_semaphore, #tpu.memory_space<semaphore_mem>>) src(%arg9 : memref<128x8xf32, #tpu.memory_space<vmem>>) dst(%dma_wait3A_32 : memref<10016x8xf32, #tpu.memory_space<vmem_shared>>)
    }
    %scan3A_7 = arith.constant 80 : i32
    %barrier3A_8 = arith.constant 0 : index
    tpu.barrier barrier_id(%barrier3A_8)
    %run_scoped3A = arith.constant 0 : i32
    "tpu.region"() ({
      %run_scoped3A_10 = tpu.sem_alloc : memref<!tpu.dma_semaphore, #tpu.memory_space<semaphore_mem>>
      %dma_start3A = arith.constant 0 : i32
      %dma_start3A_11 = tpu.memref_slice %arg6[%arg0, %run_scoped3A, %mul3A_2, %dma_start3A] : memref<2x2x10016x8xf32, #tpu.memory_space<hbm>> -> memref<1x1x626x8xf32, #tpu.memory_space<hbm>>
      %dma_start3A_12 = tpu.memref_squeeze %dma_start3A_11 : memref<1x1x626x8xf32, #tpu.memory_space<hbm>> -> memref<626x8xf32, #tpu.memory_space<hbm>>
      %dma_start3A_13 = arith.constant 0 : i32
      %dma_start3A_14 = tpu.memref_slice %arg10[%mul3A_2, %dma_start3A_13] : memref<10016x8xf32, #tpu.memory_space<vmem_shared>> -> memref<626x8xf32, #tpu.memory_space<vmem_shared>>
      tpu.enqueue_dma source(%dma_start3A_14 : memref<626x8xf32, #tpu.memory_space<vmem_shared>>) target(%dma_start3A_12 : memref<626x8xf32, #tpu.memory_space<hbm>>) target_semaphore(%run_scoped3A_10 : memref<!tpu.dma_semaphore, #tpu.memory_space<semaphore_mem>>)
      %dma_wait3A = arith.constant 0 : i32
      %dma_wait3A_15 = tpu.memref_slice %arg6[%arg0, %run_scoped3A, %mul3A_2, %dma_wait3A] : memref<2x2x10016x8xf32, #tpu.memory_space<hbm>> -> memref<1x1x626x8xf32, #tpu.memory_space<hbm>>
      %dma_wait3A_16 = tpu.memref_squeeze %dma_wait3A_15 : memref<1x1x626x8xf32, #tpu.memory_space<hbm>> -> memref<626x8xf32, #tpu.memory_space<hbm>>
      %dma_wait3A_17 = arith.constant 0 : i32
      %dma_wait3A_18 = tpu.memref_slice %arg10[%mul3A_2, %dma_wait3A_17] : memref<10016x8xf32, #tpu.memory_space<vmem_shared>> -> memref<626x8xf32, #tpu.memory_space<vmem_shared>>
      tpu.wait_dma2 semaphore(%run_scoped3A_10 : memref<!tpu.dma_semaphore, #tpu.memory_space<semaphore_mem>>) src(%dma_wait3A_18 : memref<626x8xf32, #tpu.memory_space<vmem_shared>>) dst(%dma_wait3A_16 : memref<626x8xf32, #tpu.memory_space<hbm>>)
      tpu.yield
    }) : () -> ()
    %run_scoped3A_9 = arith.constant 1 : i32
    "tpu.region"() ({
      %run_scoped3A_10 = tpu.sem_alloc : memref<!tpu.dma_semaphore, #tpu.memory_space<semaphore_mem>>
      %dma_start3A = arith.constant 0 : i32
      %dma_start3A_11 = tpu.memref_slice %arg6[%arg0, %run_scoped3A_9, %mul3A_2, %dma_start3A] : memref<2x2x10016x8xf32, #tpu.memory_space<hbm>> -> memref<1x1x626x8xf32, #tpu.memory_space<hbm>>
      %dma_start3A_12 = tpu.memref_squeeze %dma_start3A_11 : memref<1x1x626x8xf32, #tpu.memory_space<hbm>> -> memref<626x8xf32, #tpu.memory_space<hbm>>
      %dma_start3A_13 = arith.constant 0 : i32
      %dma_start3A_14 = tpu.memref_slice %arg11[%mul3A_2, %dma_start3A_13] : memref<10016x8xf32, #tpu.memory_space<vmem_shared>> -> memref<626x8xf32, #tpu.memory_space<vmem_shared>>
      tpu.enqueue_dma source(%dma_start3A_14 : memref<626x8xf32, #tpu.memory_space<vmem_shared>>) target(%dma_start3A_12 : memref<626x8xf32, #tpu.memory_space<hbm>>) target_semaphore(%run_scoped3A_10 : memref<!tpu.dma_semaphore, #tpu.memory_space<semaphore_mem>>)
      %dma_wait3A = arith.constant 0 : i32
      %dma_wait3A_15 = tpu.memref_slice %arg6[%arg0, %run_scoped3A_9, %mul3A_2, %dma_wait3A] : memref<2x2x10016x8xf32, #tpu.memory_space<hbm>> -> memref<1x1x626x8xf32, #tpu.memory_space<hbm>>
      %dma_wait3A_16 = tpu.memref_squeeze %dma_wait3A_15 : memref<1x1x626x8xf32, #tpu.memory_space<hbm>> -> memref<626x8xf32, #tpu.memory_space<hbm>>
      %dma_wait3A_17 = arith.constant 0 : i32
      %dma_wait3A_18 = tpu.memref_slice %arg11[%mul3A_2, %dma_wait3A_17] : memref<10016x8xf32, #tpu.memory_space<vmem_shared>> -> memref<626x8xf32, #tpu.memory_space<vmem_shared>>
      tpu.wait_dma2 semaphore(%run_scoped3A_10 : memref<!tpu.dma_semaphore, #tpu.memory_space<semaphore_mem>>) src(%dma_wait3A_18 : memref<626x8xf32, #tpu.memory_space<vmem_shared>>) dst(%dma_wait3A_16 : memref<626x8xf32, #tpu.memory_space<hbm>>)
      tpu.yield
    }) : () -> ()
    return
  }
}

#map = affine_map<(d0, d1) -> (0, 0)>
#map1 = affine_map<(d0, d1) -> (0, 0, 0)>
module attributes {stable_mosaic.version = 14 : i64} {
  func.func @_sc_agg_body(%arg0: i32, %arg1: i32, %arg2: memref<10000x32xf32, #tpu.memory_space<hbm>>, %arg3: memref<32x80x128xi32, #tpu.memory_space<hbm>>, %arg4: memref<32x80x128xi32, #tpu.memory_space<hbm>>, %arg5: memref<10016x32xf32, #tpu.memory_space<hbm>>, %arg6: memref<2x10016x32xf32, #tpu.memory_space<hbm>>, %arg7: memref<80x128xi32, #tpu.memory_space<vmem>>, %arg8: memref<80x128xi32, #tpu.memory_space<vmem>>, %arg9: memref<128x32xf32, #tpu.memory_space<vmem>>, %arg10: memref<10016x32xf32, #tpu.memory_space<vmem_shared>>, %arg11: memref<10016x32xf32, #tpu.memory_space<vmem_shared>>) attributes {dimension_semantics = [#tpu.dimension_semantics<core_parallel>, #tpu.dimension_semantics<subcore_parallel>], iteration_bounds = array<i64: 2, 16>, scalar_prefetch = 0 : i64, scratch_operands = 5 : i64, tpu.core_type = #tpu.core_type<sc_vector_subcore>, window_params = [{transform_indices = #map}, {transform_indices = #map1}, {transform_indices = #map1}, {transform_indices = #map}, {transform_indices = #map1}]} {
    %mul3A = arith.constant 2 : i32
    %mul3A_0 = arith.muli %arg1, %mul3A : i32
    %add3A = arith.addi %mul3A_0, %arg0 : i32
    %mul3A_1 = arith.constant 626 : i32
    %mul3A_2 = arith.muli %arg1, %mul3A_1 : i32
    "tpu.region"() ({
      %run_scoped3A = tpu.sem_alloc : memref<!tpu.dma_semaphore, #tpu.memory_space<semaphore_mem>>
      %dma_start3A = arith.constant 0 : i32
      %dma_start3A_13 = tpu.memref_slice %arg11[%mul3A_2, %dma_start3A] : memref<10016x32xf32, #tpu.memory_space<vmem_shared>> -> memref<626x32xf32, #tpu.memory_space<vmem_shared>>
      %dma_start3A_14 = arith.constant 0 : i32
      %dma_start3A_15 = tpu.memref_slice %arg5[%mul3A_2, %dma_start3A_14] : memref<10016x32xf32, #tpu.memory_space<hbm>> -> memref<626x32xf32, #tpu.memory_space<hbm>>
      tpu.enqueue_dma source(%dma_start3A_15 : memref<626x32xf32, #tpu.memory_space<hbm>>) target(%dma_start3A_13 : memref<626x32xf32, #tpu.memory_space<vmem_shared>>) target_semaphore(%run_scoped3A : memref<!tpu.dma_semaphore, #tpu.memory_space<semaphore_mem>>)
      %dma_wait3A = arith.constant 0 : i32
      %dma_wait3A_16 = tpu.memref_slice %arg11[%mul3A_2, %dma_wait3A] : memref<10016x32xf32, #tpu.memory_space<vmem_shared>> -> memref<626x32xf32, #tpu.memory_space<vmem_shared>>
      %dma_wait3A_17 = arith.constant 0 : i32
      %dma_wait3A_18 = tpu.memref_slice %arg5[%mul3A_2, %dma_wait3A_17] : memref<10016x32xf32, #tpu.memory_space<hbm>> -> memref<626x32xf32, #tpu.memory_space<hbm>>
      tpu.wait_dma2 semaphore(%run_scoped3A : memref<!tpu.dma_semaphore, #tpu.memory_space<semaphore_mem>>) src(%dma_wait3A_18 : memref<626x32xf32, #tpu.memory_space<hbm>>) dst(%dma_wait3A_16 : memref<626x32xf32, #tpu.memory_space<vmem_shared>>)
      tpu.yield
    }) : () -> ()
    %mul3A_3 = arith.constant 625 : i32
    %mul3A_4 = arith.muli %arg1, %mul3A_3 : i32
    %mul3A_5 = arith.constant 625 : i32
    %mul3A_6 = arith.muli %arg1, %mul3A_5 : i32
    "tpu.region"() ({
      %run_scoped3A = tpu.sem_alloc : memref<!tpu.dma_semaphore, #tpu.memory_space<semaphore_mem>>
      %dma_start3A = arith.constant 0 : i32
      %dma_start3A_13 = tpu.memref_slice %arg10[%mul3A_6, %dma_start3A] : memref<10016x32xf32, #tpu.memory_space<vmem_shared>> -> memref<625x32xf32, #tpu.memory_space<vmem_shared>>
      %dma_start3A_14 = arith.constant 0 : i32
      %dma_start3A_15 = tpu.memref_slice %arg2[%mul3A_4, %dma_start3A_14] : memref<10000x32xf32, #tpu.memory_space<hbm>> -> memref<625x32xf32, #tpu.memory_space<hbm>>
      tpu.enqueue_dma source(%dma_start3A_15 : memref<625x32xf32, #tpu.memory_space<hbm>>) target(%dma_start3A_13 : memref<625x32xf32, #tpu.memory_space<vmem_shared>>) target_semaphore(%run_scoped3A : memref<!tpu.dma_semaphore, #tpu.memory_space<semaphore_mem>>)
      %dma_wait3A = arith.constant 0 : i32
      %dma_wait3A_16 = tpu.memref_slice %arg10[%mul3A_6, %dma_wait3A] : memref<10016x32xf32, #tpu.memory_space<vmem_shared>> -> memref<625x32xf32, #tpu.memory_space<vmem_shared>>
      %dma_wait3A_17 = arith.constant 0 : i32
      %dma_wait3A_18 = tpu.memref_slice %arg2[%mul3A_4, %dma_wait3A_17] : memref<10000x32xf32, #tpu.memory_space<hbm>> -> memref<625x32xf32, #tpu.memory_space<hbm>>
      tpu.wait_dma2 semaphore(%run_scoped3A : memref<!tpu.dma_semaphore, #tpu.memory_space<semaphore_mem>>) src(%dma_wait3A_18 : memref<625x32xf32, #tpu.memory_space<hbm>>) dst(%dma_wait3A_16 : memref<625x32xf32, #tpu.memory_space<vmem_shared>>)
      tpu.yield
    }) : () -> ()
    "tpu.region"() ({
      %run_scoped3A = tpu.sem_alloc : memref<!tpu.dma_semaphore, #tpu.memory_space<semaphore_mem>>
      %dma_start3A = arith.constant 0 : i32
      %dma_start3A_13 = arith.constant 0 : i32
      %dma_start3A_14 = tpu.memref_slice %arg3[%add3A, %dma_start3A, %dma_start3A_13] : memref<32x80x128xi32, #tpu.memory_space<hbm>> -> memref<1x80x128xi32, #tpu.memory_space<hbm>>
      %dma_start3A_15 = tpu.memref_squeeze %dma_start3A_14 : memref<1x80x128xi32, #tpu.memory_space<hbm>> -> memref<80x128xi32, #tpu.memory_space<hbm>>
      %dma_start3A_16 = arith.constant 0 : i32
      %dma_start3A_17 = arith.constant 0 : i32
      %dma_start3A_18 = tpu.memref_slice %arg3[%add3A, %dma_start3A_16, %dma_start3A_17] : memref<32x80x128xi32, #tpu.memory_space<hbm>> -> memref<1x80x128xi32, #tpu.memory_space<hbm>>
      %dma_start3A_19 = tpu.memref_squeeze %dma_start3A_18 : memref<1x80x128xi32, #tpu.memory_space<hbm>> -> memref<80x128xi32, #tpu.memory_space<hbm>>
      tpu.enqueue_dma source(%dma_start3A_19 : memref<80x128xi32, #tpu.memory_space<hbm>>) target(%arg7 : memref<80x128xi32, #tpu.memory_space<vmem>>) target_semaphore(%run_scoped3A : memref<!tpu.dma_semaphore, #tpu.memory_space<semaphore_mem>>)
      %dma_wait3A = arith.constant 0 : i32
      %dma_wait3A_20 = arith.constant 0 : i32
      %dma_wait3A_21 = tpu.memref_slice %arg3[%add3A, %dma_wait3A, %dma_wait3A_20] : memref<32x80x128xi32, #tpu.memory_space<hbm>> -> memref<1x80x128xi32, #tpu.memory_space<hbm>>
      %dma_wait3A_22 = tpu.memref_squeeze %dma_wait3A_21 : memref<1x80x128xi32, #tpu.memory_space<hbm>> -> memref<80x128xi32, #tpu.memory_space<hbm>>
      %dma_wait3A_23 = arith.constant 0 : i32
      %dma_wait3A_24 = arith.constant 0 : i32
      %dma_wait3A_25 = tpu.memref_slice %arg3[%add3A, %dma_wait3A_23, %dma_wait3A_24] : memref<32x80x128xi32, #tpu.memory_space<hbm>> -> memref<1x80x128xi32, #tpu.memory_space<hbm>>
      %dma_wait3A_26 = tpu.memref_squeeze %dma_wait3A_25 : memref<1x80x128xi32, #tpu.memory_space<hbm>> -> memref<80x128xi32, #tpu.memory_space<hbm>>
      tpu.wait_dma2 semaphore(%run_scoped3A : memref<!tpu.dma_semaphore, #tpu.memory_space<semaphore_mem>>) src(%dma_wait3A_26 : memref<80x128xi32, #tpu.memory_space<hbm>>) dst(%arg7 : memref<80x128xi32, #tpu.memory_space<vmem>>)
      tpu.yield
    }) : () -> ()
    "tpu.region"() ({
      %run_scoped3A = tpu.sem_alloc : memref<!tpu.dma_semaphore, #tpu.memory_space<semaphore_mem>>
      %dma_start3A = arith.constant 0 : i32
      %dma_start3A_13 = arith.constant 0 : i32
      %dma_start3A_14 = tpu.memref_slice %arg4[%add3A, %dma_start3A, %dma_start3A_13] : memref<32x80x128xi32, #tpu.memory_space<hbm>> -> memref<1x80x128xi32, #tpu.memory_space<hbm>>
      %dma_start3A_15 = tpu.memref_squeeze %dma_start3A_14 : memref<1x80x128xi32, #tpu.memory_space<hbm>> -> memref<80x128xi32, #tpu.memory_space<hbm>>
      %dma_start3A_16 = arith.constant 0 : i32
      %dma_start3A_17 = arith.constant 0 : i32
      %dma_start3A_18 = tpu.memref_slice %arg4[%add3A, %dma_start3A_16, %dma_start3A_17] : memref<32x80x128xi32, #tpu.memory_space<hbm>> -> memref<1x80x128xi32, #tpu.memory_space<hbm>>
      %dma_start3A_19 = tpu.memref_squeeze %dma_start3A_18 : memref<1x80x128xi32, #tpu.memory_space<hbm>> -> memref<80x128xi32, #tpu.memory_space<hbm>>
      tpu.enqueue_dma source(%dma_start3A_19 : memref<80x128xi32, #tpu.memory_space<hbm>>) target(%arg8 : memref<80x128xi32, #tpu.memory_space<vmem>>) target_semaphore(%run_scoped3A : memref<!tpu.dma_semaphore, #tpu.memory_space<semaphore_mem>>)
      %dma_wait3A = arith.constant 0 : i32
      %dma_wait3A_20 = arith.constant 0 : i32
      %dma_wait3A_21 = tpu.memref_slice %arg4[%add3A, %dma_wait3A, %dma_wait3A_20] : memref<32x80x128xi32, #tpu.memory_space<hbm>> -> memref<1x80x128xi32, #tpu.memory_space<hbm>>
      %dma_wait3A_22 = tpu.memref_squeeze %dma_wait3A_21 : memref<1x80x128xi32, #tpu.memory_space<hbm>> -> memref<80x128xi32, #tpu.memory_space<hbm>>
      %dma_wait3A_23 = arith.constant 0 : i32
      %dma_wait3A_24 = arith.constant 0 : i32
      %dma_wait3A_25 = tpu.memref_slice %arg4[%add3A, %dma_wait3A_23, %dma_wait3A_24] : memref<32x80x128xi32, #tpu.memory_space<hbm>> -> memref<1x80x128xi32, #tpu.memory_space<hbm>>
      %dma_wait3A_26 = tpu.memref_squeeze %dma_wait3A_25 : memref<1x80x128xi32, #tpu.memory_space<hbm>> -> memref<80x128xi32, #tpu.memory_space<hbm>>
      tpu.wait_dma2 semaphore(%run_scoped3A : memref<!tpu.dma_semaphore, #tpu.memory_space<semaphore_mem>>) src(%dma_wait3A_26 : memref<80x128xi32, #tpu.memory_space<hbm>>) dst(%arg8 : memref<80x128xi32, #tpu.memory_space<vmem>>)
      tpu.yield
    }) : () -> ()
    %barrier3A = arith.constant 0 : index
    tpu.barrier barrier_id(%barrier3A)
    %scan3A = arith.constant 0 : i32
    %scan3A_7 = arith.constant 0 : i32
    %scan3A_8 = arith.constant 80 : i32
    %scan3A_9 = arith.addi %scan3A_7, %scan3A_8 : i32
    %scan3A_10 = arith.constant 1 : i32
    scf.for %scan3A_13 = %scan3A_7 to %scan3A_9 step %scan3A_10  : i32 {
      "tpu.region"() ({
        %run_scoped3A = tpu.sem_alloc : memref<!tpu.dma_semaphore, #tpu.memory_space<semaphore_mem>>
        %dma_start3A = arith.constant 0 : i32
        %dma_start3A_14 = tpu.memref_slice %arg7[%scan3A_13, %dma_start3A] : memref<80x128xi32, #tpu.memory_space<vmem>> -> memref<1x128xi32, #tpu.memory_space<vmem>>
        %dma_start3A_15 = tpu.memref_squeeze %dma_start3A_14 : memref<1x128xi32, #tpu.memory_space<vmem>> -> memref<128xi32, #tpu.memory_space<vmem>>
        %dma_start3A_16 = arith.constant 0 : i32
        %dma_start3A_17 = arith.constant 0 : i32
        %dma_start3A_18 = tpu.memref_slice %arg10[%dma_start3A_16, %dma_start3A_17] : memref<10016x32xf32, #tpu.memory_space<vmem_shared>> -> memref<10016x32xf32, #tpu.memory_space<vmem_shared>>
        tpu.enqueue_indirect_dma source(%dma_start3A_18 : memref<10016x32xf32, #tpu.memory_space<vmem_shared>>) target(%arg9 : memref<128x32xf32, #tpu.memory_space<vmem>>) offsets(%dma_start3A_15 : memref<128xi32, #tpu.memory_space<vmem>>) semaphore(%run_scoped3A : memref<!tpu.dma_semaphore, #tpu.memory_space<semaphore_mem>>)
        %dma_wait3A = arith.constant 0 : i32
        %dma_wait3A_19 = tpu.memref_slice %arg7[%scan3A_13, %dma_wait3A] : memref<80x128xi32, #tpu.memory_space<vmem>> -> memref<1x128xi32, #tpu.memory_space<vmem>>
        %dma_wait3A_20 = tpu.memref_squeeze %dma_wait3A_19 : memref<1x128xi32, #tpu.memory_space<vmem>> -> memref<128xi32, #tpu.memory_space<vmem>>
        %dma_wait3A_21 = arith.constant 0 : i32
        %dma_wait3A_22 = arith.constant 0 : i32
        %dma_wait3A_23 = tpu.memref_slice %arg10[%dma_wait3A_21, %dma_wait3A_22] : memref<10016x32xf32, #tpu.memory_space<vmem_shared>> -> memref<10016x32xf32, #tpu.memory_space<vmem_shared>>
        tpu.wait_indirect_dma semaphore(%run_scoped3A : memref<!tpu.dma_semaphore, #tpu.memory_space<semaphore_mem>>) src(%dma_wait3A_23 : memref<10016x32xf32, #tpu.memory_space<vmem_shared>>) dst(%arg9 : memref<128x32xf32, #tpu.memory_space<vmem>>)
        tpu.yield
      }) : () -> ()
      "tpu.region"() ({
        %run_scoped3A = tpu.sem_alloc : memref<!tpu.dma_semaphore, #tpu.memory_space<semaphore_mem>>
        %dma_start3A = arith.constant 0 : i32
        %dma_start3A_14 = tpu.memref_slice %arg8[%scan3A_13, %dma_start3A] : memref<80x128xi32, #tpu.memory_space<vmem>> -> memref<1x128xi32, #tpu.memory_space<vmem>>
        %dma_start3A_15 = tpu.memref_squeeze %dma_start3A_14 : memref<1x128xi32, #tpu.memory_space<vmem>> -> memref<128xi32, #tpu.memory_space<vmem>>
        %dma_start3A_16 = arith.constant 0 : i32
        %dma_start3A_17 = arith.constant 0 : i32
        %dma_start3A_18 = tpu.memref_slice %arg11[%dma_start3A_16, %dma_start3A_17] : memref<10016x32xf32, #tpu.memory_space<vmem_shared>> -> memref<10016x32xf32, #tpu.memory_space<vmem_shared>>
        tpu.enqueue_indirect_dma source(%arg9 : memref<128x32xf32, #tpu.memory_space<vmem>>) target(%dma_start3A_18 : memref<10016x32xf32, #tpu.memory_space<vmem_shared>>) offsets(%dma_start3A_15 : memref<128xi32, #tpu.memory_space<vmem>>) semaphore(%run_scoped3A : memref<!tpu.dma_semaphore, #tpu.memory_space<semaphore_mem>>) {add = true}
        %dma_wait3A = arith.constant 0 : i32
        %dma_wait3A_19 = tpu.memref_slice %arg8[%scan3A_13, %dma_wait3A] : memref<80x128xi32, #tpu.memory_space<vmem>> -> memref<1x128xi32, #tpu.memory_space<vmem>>
        %dma_wait3A_20 = tpu.memref_squeeze %dma_wait3A_19 : memref<1x128xi32, #tpu.memory_space<vmem>> -> memref<128xi32, #tpu.memory_space<vmem>>
        %dma_wait3A_21 = arith.constant 0 : i32
        %dma_wait3A_22 = arith.constant 0 : i32
        %dma_wait3A_23 = tpu.memref_slice %arg11[%dma_wait3A_21, %dma_wait3A_22] : memref<10016x32xf32, #tpu.memory_space<vmem_shared>> -> memref<10016x32xf32, #tpu.memory_space<vmem_shared>>
        tpu.wait_indirect_dma semaphore(%run_scoped3A : memref<!tpu.dma_semaphore, #tpu.memory_space<semaphore_mem>>) src(%arg9 : memref<128x32xf32, #tpu.memory_space<vmem>>) dst(%dma_wait3A_23 : memref<10016x32xf32, #tpu.memory_space<vmem_shared>>)
        tpu.yield
      }) : () -> ()
    }
    %scan3A_11 = arith.constant 80 : i32
    %barrier3A_12 = arith.constant 0 : index
    tpu.barrier barrier_id(%barrier3A_12)
    "tpu.region"() ({
      %run_scoped3A = tpu.sem_alloc : memref<!tpu.dma_semaphore, #tpu.memory_space<semaphore_mem>>
      %dma_start3A = arith.constant 0 : i32
      %dma_start3A_13 = tpu.memref_slice %arg6[%arg0, %mul3A_2, %dma_start3A] : memref<2x10016x32xf32, #tpu.memory_space<hbm>> -> memref<1x626x32xf32, #tpu.memory_space<hbm>>
      %dma_start3A_14 = tpu.memref_squeeze %dma_start3A_13 : memref<1x626x32xf32, #tpu.memory_space<hbm>> -> memref<626x32xf32, #tpu.memory_space<hbm>>
      %dma_start3A_15 = arith.constant 0 : i32
      %dma_start3A_16 = tpu.memref_slice %arg11[%mul3A_2, %dma_start3A_15] : memref<10016x32xf32, #tpu.memory_space<vmem_shared>> -> memref<626x32xf32, #tpu.memory_space<vmem_shared>>
      tpu.enqueue_dma source(%dma_start3A_16 : memref<626x32xf32, #tpu.memory_space<vmem_shared>>) target(%dma_start3A_14 : memref<626x32xf32, #tpu.memory_space<hbm>>) target_semaphore(%run_scoped3A : memref<!tpu.dma_semaphore, #tpu.memory_space<semaphore_mem>>)
      %dma_wait3A = arith.constant 0 : i32
      %dma_wait3A_17 = tpu.memref_slice %arg6[%arg0, %mul3A_2, %dma_wait3A] : memref<2x10016x32xf32, #tpu.memory_space<hbm>> -> memref<1x626x32xf32, #tpu.memory_space<hbm>>
      %dma_wait3A_18 = tpu.memref_squeeze %dma_wait3A_17 : memref<1x626x32xf32, #tpu.memory_space<hbm>> -> memref<626x32xf32, #tpu.memory_space<hbm>>
      %dma_wait3A_19 = arith.constant 0 : i32
      %dma_wait3A_20 = tpu.memref_slice %arg11[%mul3A_2, %dma_wait3A_19] : memref<10016x32xf32, #tpu.memory_space<vmem_shared>> -> memref<626x32xf32, #tpu.memory_space<vmem_shared>>
      tpu.wait_dma2 semaphore(%run_scoped3A : memref<!tpu.dma_semaphore, #tpu.memory_space<semaphore_mem>>) src(%dma_wait3A_20 : memref<626x32xf32, #tpu.memory_space<vmem_shared>>) dst(%dma_wait3A_18 : memref<626x32xf32, #tpu.memory_space<hbm>>)
      tpu.yield
    }) : () -> ()
    return
  }
}

module attributes {stable_mosaic.version = 14 : i64} {
  func.func @_tc_pre_body(%arg0: i32, %arg1: i32, %arg2: memref<2000x128xf32, #tpu.memory_space<vmem>>, %arg3: memref<2x2x2000x8xf32, #tpu.memory_space<vmem>>, %arg4: memref<128x1xf32, #tpu.memory_space<vmem>>, %arg5: memref<128x1xf32, #tpu.memory_space<vmem>>, %arg6: memref<128x32xf32, #tpu.memory_space<vmem>>, %arg7: memref<1x32xf32, #tpu.memory_space<vmem>>, %arg8: memref<2000x32xf32, #tpu.memory_space<vmem>>, %arg9: memref<2000x1xf32, #tpu.memory_space<vmem>>, %arg10: memref<2000x1xf32, #tpu.memory_space<vmem>>, %arg11: memref<128x8xf32, #tpu.memory_space<vmem>>) attributes {dimension_semantics = [#tpu.dimension_semantics<arbitrary>, #tpu.dimension_semantics<arbitrary>], iteration_bounds = array<i64: 2, 5>, scalar_prefetch = 0 : i64, scratch_operands = 1 : i64, tpu.core_type = #tpu.core_type<tc>, window_params = [{transform_indices = @transform_0, window_bounds = array<i64: 2000, 128>}, {transform_indices = @transform_1, window_bounds = array<i64: 2, 2, 2000, 8>}, {pipeline_mode = #tpu.pipeline_mode<synchronous>, transform_indices = @transform_2, window_bounds = array<i64: 128, 1>}, {pipeline_mode = #tpu.pipeline_mode<synchronous>, transform_indices = @transform_3, window_bounds = array<i64: 128, 1>}, {pipeline_mode = #tpu.pipeline_mode<synchronous>, transform_indices = @transform_4, window_bounds = array<i64: 128, 32>}, {pipeline_mode = #tpu.pipeline_mode<synchronous>, transform_indices = @transform_5, window_bounds = array<i64: 1, 32>}, {transform_indices = @transform_6, window_bounds = array<i64: 2000, 32>}, {transform_indices = @transform_7, window_bounds = array<i64: 2000, 1>}, {transform_indices = @transform_8, window_bounds = array<i64: 2000, 1>}]} {
    %mul3A = arith.constant 2000 : i32
    %mul3A_0 = arith.muli %arg1, %mul3A : i32
    %iota3A = tpu.iota {dimensions = array<i32: 0>} : vector<2000x1xi32>
    %add3A = vector.broadcast %mul3A_0 : i32 to vector<2000x1xi32>
    %add3A_1 = arith.addi %add3A, %iota3A : vector<2000x1xi32>
    %lt3A = arith.constant 10000 : i32
    %lt3A_2 = vector.broadcast %lt3A : i32 to vector<2000x1xi32>
    %lt3A_3 = arith.cmpi slt, %add3A_1, %lt3A_2 : vector<2000x1xi32>
    %convert_element_type3A = arith.extui %lt3A_3 : vector<2000x1xi1> to vector<2000x1xi32>
    %convert_element_type3A_4 = arith.sitofp %convert_element_type3A : vector<2000x1xi32> to vector<2000x1xf32>
    %get3A = arith.constant 0 : index
    %get3A_5 = arith.constant 0 : index
    %get3A_6 = arith.constant 0 : index
    %get3A_7 = arith.constant 0 : index
    %get3A_8 = vector.load %arg3[%get3A, %get3A_5, %get3A_6, %get3A_7] : memref<2x2x2000x8xf32, #tpu.memory_space<vmem>>, vector<1x1x2000x8xf32>
    %get3A_9 = vector.shape_cast %get3A_8 : vector<1x1x2000x8xf32> to vector<2000x8xf32>
    %get3A_10 = arith.constant 1 : index
    %get3A_11 = arith.constant 0 : index
    %get3A_12 = arith.constant 0 : index
    %get3A_13 = arith.constant 0 : index
    %get3A_14 = vector.load %arg3[%get3A_10, %get3A_11, %get3A_12, %get3A_13] : memref<2x2x2000x8xf32, #tpu.memory_space<vmem>>, vector<1x1x2000x8xf32>
    %get3A_15 = vector.shape_cast %get3A_14 : vector<1x1x2000x8xf32> to vector<2000x8xf32>
    %add3A_16 = arith.addf %get3A_9, %get3A_15 : vector<2000x8xf32>
    %slice3A = vector.extract_strided_slice %add3A_16 {offsets = [0, 0], sizes = [2000, 1], strides = [1, 1]} : vector<2000x8xf32> to vector<2000x1xf32>
    %mul3A_17 = arith.mulf %slice3A, %convert_element_type3A_4 : vector<2000x1xf32>
    %get3A_18 = arith.constant 0 : index
    %get3A_19 = arith.constant 1 : index
    %get3A_20 = arith.constant 0 : index
    %get3A_21 = arith.constant 0 : index
    %get3A_22 = vector.load %arg3[%get3A_18, %get3A_19, %get3A_20, %get3A_21] : memref<2x2x2000x8xf32, #tpu.memory_space<vmem>>, vector<1x1x2000x8xf32>
    %get3A_23 = vector.shape_cast %get3A_22 : vector<1x1x2000x8xf32> to vector<2000x8xf32>
    %get3A_24 = arith.constant 1 : index
    %get3A_25 = arith.constant 1 : index
    %get3A_26 = arith.constant 0 : index
    %get3A_27 = arith.constant 0 : index
    %get3A_28 = vector.load %arg3[%get3A_24, %get3A_25, %get3A_26, %get3A_27] : memref<2x2x2000x8xf32, #tpu.memory_space<vmem>>, vector<1x1x2000x8xf32>
    %get3A_29 = vector.shape_cast %get3A_28 : vector<1x1x2000x8xf32> to vector<2000x8xf32>
    %add3A_30 = arith.addf %get3A_23, %get3A_29 : vector<2000x8xf32>
    %slice3A_31 = vector.extract_strided_slice %add3A_30 {offsets = [0, 0], sizes = [2000, 1], strides = [1, 1]} : vector<2000x8xf32> to vector<2000x1xf32>
    %mul3A_32 = arith.mulf %slice3A_31, %convert_element_type3A_4 : vector<2000x1xf32>
    %swap3A = arith.constant 0 : index
    %swap3A_33 = arith.constant 0 : index
    %swap3A_34 = vector.load %arg9[%swap3A, %swap3A_33] : memref<2000x1xf32, #tpu.memory_space<vmem>>, vector<2000x1xf32>
    tpu.vector_store %arg9[%swap3A, %swap3A_33], %mul3A_17 {strides = array<i32>} : memref<2000x1xf32, #tpu.memory_space<vmem>>, vector<2000x1xf32>,
    %swap3A_35 = arith.constant 0 : index
    %swap3A_36 = arith.constant 0 : index
    %swap3A_37 = vector.load %arg10[%swap3A_35, %swap3A_36] : memref<2000x1xf32, #tpu.memory_space<vmem>>, vector<2000x1xf32>
    tpu.vector_store %arg10[%swap3A_35, %swap3A_36], %mul3A_32 {strides = array<i32>} : memref<2000x1xf32, #tpu.memory_space<vmem>>, vector<2000x1xf32>,
    %eq3A = arith.constant 0 : i32
    %eq3A_38 = arith.cmpi eq, %arg0, %eq3A : i32
    %convert_element_type3A_39 = arith.extui %eq3A_38 : i1 to i32
    %cond3A = arith.constant 0 : i32
    %cond3A_40 = arith.cmpi ne, %convert_element_type3A_39, %cond3A : i32
    scf.if %cond3A_40 {
      %get3A_46 = arith.constant 0 : index
      %get3A_47 = arith.constant 0 : index
      %get3A_48 = vector.load %arg2[%get3A_46, %get3A_47] : memref<2000x128xf32, #tpu.memory_space<vmem>>, vector<2000x128xf32>
      %eq3A_49 = arith.constant 0 : i32
      %eq3A_50 = arith.cmpi eq, %arg1, %eq3A_49 : i32
      %convert_element_type3A_51 = arith.extui %eq3A_50 : i1 to i32
      %cond3A_52 = arith.constant 0 : i32
      %cond3A_53 = arith.cmpi ne, %convert_element_type3A_51, %cond3A_52 : i32
      scf.if %cond3A_53 {
        %broadcast_in_dim3A = arith.constant 0.000000e+00 : f32
        %broadcast_in_dim3A_72 = vector.broadcast %broadcast_in_dim3A : f32 to vector<128x8xf32>
        %swap3A_73 = arith.constant 0 : index
        %swap3A_74 = arith.constant 0 : index
        %swap3A_75 = vector.load %arg11[%swap3A_73, %swap3A_74] : memref<128x8xf32, #tpu.memory_space<vmem>>, vector<128x8xf32>
        tpu.vector_store %arg11[%swap3A_73, %swap3A_74], %broadcast_in_dim3A_72 {strides = array<i32>} : memref<128x8xf32, #tpu.memory_space<vmem>>, vector<128x8xf32>,
      } else {
      }
      %dot_general3A = arith.constant dense<0.000000e+00> : vector<128x1xf32>
      %dot_general3A_54 = tpu.matmul %get3A_48, %mul3A_32, %dot_general3A {dimension_numbers = #tpu.dot_dimension_numbers<[0], [0], [1], [1], [0, 1, 1, 1], [], []>, transpose_lhs_hint = false} : vector<2000x128xf32>, vector<2000x1xf32>, vector<128x1xf32> -> vector<128x1xf32>
      %mul3A_55 = arith.mulf %get3A_48, %get3A_48 : vector<2000x128xf32>
      %dot_general3A_56 = arith.constant dense<0.000000e+00> : vector<128x1xf32>
      %dot_general3A_57 = tpu.matmul %mul3A_55, %mul3A_32, %dot_general3A_56 {dimension_numbers = #tpu.dot_dimension_numbers<[0], [0], [1], [1], [0, 1, 1, 1], [], []>, transpose_lhs_hint = false} : vector<2000x128xf32>, vector<2000x1xf32>, vector<128x1xf32> -> vector<128x1xf32>
      %get3A_58 = arith.constant 0 : index
      %get3A_59 = arith.constant 0 : index
      %get3A_60 = vector.load %arg11[%get3A_58, %get3A_59] : memref<128x8xf32, #tpu.memory_space<vmem>>, vector<128x1xf32>
      %add3A_61 = arith.addf %get3A_60, %dot_general3A_54 : vector<128x1xf32>
      %swap3A_62 = arith.constant 0 : index
      %swap3A_63 = arith.constant 0 : index
      %swap3A_64 = vector.load %arg11[%swap3A_62, %swap3A_63] : memref<128x8xf32, #tpu.memory_space<vmem>>, vector<128x1xf32>
      tpu.vector_store %arg11[%swap3A_62, %swap3A_63], %add3A_61 {strides = array<i32>} : memref<128x8xf32, #tpu.memory_space<vmem>>, vector<128x1xf32>,
      %get3A_65 = arith.constant 0 : index
      %get3A_66 = arith.constant 1 : index
      %get3A_67 = vector.load %arg11[%get3A_65, %get3A_66] : memref<128x8xf32, #tpu.memory_space<vmem>>, vector<128x1xf32>
      %add3A_68 = arith.addf %get3A_67, %dot_general3A_57 : vector<128x1xf32>
      %swap3A_69 = arith.constant 0 : index
      %swap3A_70 = arith.constant 1 : index
      %swap3A_71 = vector.load %arg11[%swap3A_69, %swap3A_70] : memref<128x8xf32, #tpu.memory_space<vmem>>, vector<128x1xf32>
      tpu.vector_store %arg11[%swap3A_69, %swap3A_70], %add3A_68 {strides = array<i32>} : memref<128x8xf32, #tpu.memory_space<vmem>>, vector<128x1xf32>,
    } else {
    }
    %eq3A_41 = arith.constant 1 : i32
    %eq3A_42 = arith.cmpi eq, %arg0, %eq3A_41 : i32
    %convert_element_type3A_43 = arith.extui %eq3A_42 : i1 to i32
    %cond3A_44 = arith.constant 0 : i32
    %cond3A_45 = arith.cmpi ne, %convert_element_type3A_43, %cond3A_44 : i32
    scf.if %cond3A_45 {
      %get3A_46 = arith.constant 0 : index
      %get3A_47 = arith.constant 0 : index
      %get3A_48 = vector.load %arg2[%get3A_46, %get3A_47] : memref<2000x128xf32, #tpu.memory_space<vmem>>, vector<2000x128xf32>
      %get3A_49 = arith.constant 0 : index
      %get3A_50 = arith.constant 0 : index
      %get3A_51 = vector.load %arg11[%get3A_49, %get3A_50] : memref<128x8xf32, #tpu.memory_space<vmem>>, vector<128x8xf32>
      %get3A_52 = arith.constant 0 : index
      %get3A_53 = arith.constant 0 : index
      %get3A_54 = vector.load %arg4[%get3A_52, %get3A_53] : memref<128x1xf32, #tpu.memory_space<vmem>>, vector<128x1xf32>
      %get3A_55 = arith.constant 0 : index
      %get3A_56 = arith.constant 0 : index
      %get3A_57 = vector.load %arg5[%get3A_55, %get3A_56] : memref<128x1xf32, #tpu.memory_space<vmem>>, vector<128x1xf32>
      %get3A_58 = arith.constant 0 : index
      %get3A_59 = arith.constant 0 : index
      %get3A_60 = vector.load %arg6[%get3A_58, %get3A_59] : memref<128x32xf32, #tpu.memory_space<vmem>>, vector<128x32xf32>
      %get3A_61 = arith.constant 0 : index
      %get3A_62 = arith.constant 0 : index
      %get3A_63 = vector.load %arg7[%get3A_61, %get3A_62] : memref<1x32xf32, #tpu.memory_space<vmem>>, vector<1x32xf32>
      %slice3A_64 = vector.extract_strided_slice %get3A_51 {offsets = [0, 0], sizes = [128, 1], strides = [1, 1]} : vector<128x8xf32> to vector<128x1xf32>
      %mul3A_65 = arith.constant 3.125000e-06 : f32
      %mul3A_66 = vector.broadcast %mul3A_65 : f32 to vector<128x1xf32>
      %mul3A_67 = arith.mulf %slice3A_64, %mul3A_66 : vector<128x1xf32>
      %slice3A_68 = vector.extract_strided_slice %get3A_51 {offsets = [0, 1], sizes = [128, 1], strides = [1, 1]} : vector<128x8xf32> to vector<128x1xf32>
      %mul3A_69 = arith.constant 3.125000e-06 : f32
      %mul3A_70 = vector.broadcast %mul3A_69 : f32 to vector<128x1xf32>
      %mul3A_71 = arith.mulf %slice3A_68, %mul3A_70 : vector<128x1xf32>
      %mul3A_72 = arith.mulf %mul3A_67, %mul3A_67 : vector<128x1xf32>
      %sub3A = arith.subf %mul3A_71, %mul3A_72 : vector<128x1xf32>
      %add3A_73 = arith.constant 9.99999974E-6 : f32
      %add3A_74 = vector.broadcast %add3A_73 : f32 to vector<128x1xf32>
      %add3A_75 = arith.addf %sub3A, %add3A_74 : vector<128x1xf32>
      %rsqrt3A = math.rsqrt %add3A_75 : vector<128x1xf32>
      %mul3A_76 = arith.mulf %get3A_54, %rsqrt3A : vector<128x1xf32>
      %mul3A_77 = arith.mulf %mul3A_67, %mul3A_76 : vector<128x1xf32>
      %sub3A_78 = arith.subf %get3A_57, %mul3A_77 : vector<128x1xf32>
      %mul3A_79 = vector.broadcast %mul3A_76 : vector<128x1xf32> to vector<128x32xf32>
      %mul3A_80 = arith.mulf %mul3A_79, %get3A_60 : vector<128x32xf32>
      %dot_general3A = arith.constant dense<0.000000e+00> : vector<1x32xf32>
      %dot_general3A_81 = tpu.matmul %sub3A_78, %get3A_60, %dot_general3A {dimension_numbers = #tpu.dot_dimension_numbers<[0], [0], [1], [1], [0, 1, 1, 1], [], []>, transpose_lhs_hint = false} : vector<128x1xf32>, vector<128x32xf32>, vector<1x32xf32> -> vector<1x32xf32>
      %add3A_82 = arith.addf %dot_general3A_81, %get3A_63 : vector<1x32xf32>
      %dot_general3A_83 = arith.constant dense<0.000000e+00> : vector<2000x32xf32>
      %dot_general3A_84 = tpu.matmul %get3A_48, %mul3A_80, %dot_general3A_83 {dimension_numbers = #tpu.dot_dimension_numbers<[1], [0], [0], [1], [0, 0, 1, 1], [], []>, transpose_lhs_hint = false} : vector<2000x128xf32>, vector<128x32xf32>, vector<2000x32xf32> -> vector<2000x32xf32>
      %add3A_85 = vector.broadcast %add3A_82 : vector<1x32xf32> to vector<2000x32xf32>
      %add3A_86 = arith.addf %dot_general3A_84, %add3A_85 : vector<2000x32xf32>
      %mul3A_87 = arith.constant 5.000000e-01 : f32
      %mul3A_88 = vector.broadcast %mul3A_87 : f32 to vector<2000x32xf32>
      %mul3A_89 = arith.mulf %add3A_86, %mul3A_88 : vector<2000x32xf32>
      %mul3A_90 = arith.constant 0.707106769 : f32
      %mul3A_91 = vector.broadcast %mul3A_90 : f32 to vector<2000x32xf32>
      %mul3A_92 = arith.mulf %add3A_86, %mul3A_91 : vector<2000x32xf32>
      %erf3A = math.erf %mul3A_92 : vector<2000x32xf32>
      %add3A_93 = arith.constant 1.000000e+00 : f32
      %add3A_94 = vector.broadcast %add3A_93 : f32 to vector<2000x32xf32>
      %add3A_95 = arith.addf %add3A_94, %erf3A : vector<2000x32xf32>
      %mul3A_96 = arith.mulf %mul3A_89, %add3A_95 : vector<2000x32xf32>
      %swap3A_97 = arith.constant 0 : index
      %swap3A_98 = arith.constant 0 : index
      %swap3A_99 = vector.load %arg8[%swap3A_97, %swap3A_98] : memref<2000x32xf32, #tpu.memory_space<vmem>>, vector<2000x32xf32>
      tpu.vector_store %arg8[%swap3A_97, %swap3A_98], %mul3A_96 {strides = array<i32>} : memref<2000x32xf32, #tpu.memory_space<vmem>>, vector<2000x32xf32>,
    } else {
    }
    return
  }
  func.func @transform_0(%arg0: i32, %arg1: i32) -> (i32, i32) {
    %c0_i32 = arith.constant 0 : i32
    %c0_i32_0 = arith.constant 0 : i32
    return %arg1, %c0_i32 : i32, i32
  }
  func.func @transform_1(%arg0: i32, %arg1: i32) -> (i32, i32, i32, i32) {
    %c0_i32 = arith.constant 0 : i32
    %c0_i32_0 = arith.constant 0 : i32
    %c0_i32_1 = arith.constant 0 : i32
    %c0_i32_2 = arith.constant 0 : i32
    return %c0_i32, %c0_i32_0, %arg1, %c0_i32_1 : i32, i32, i32, i32
  }
  func.func @transform_2(%arg0: i32, %arg1: i32) -> (i32, i32) {
    %c0_i32 = arith.constant 0 : i32
    %c0_i32_0 = arith.constant 0 : i32
    %c0_i32_1 = arith.constant 0 : i32
    return %c0_i32, %c0_i32_0 : i32, i32
  }
  func.func @transform_3(%arg0: i32, %arg1: i32) -> (i32, i32) {
    %c0_i32 = arith.constant 0 : i32
    %c0_i32_0 = arith.constant 0 : i32
    %c0_i32_1 = arith.constant 0 : i32
    return %c0_i32, %c0_i32_0 : i32, i32
  }
  func.func @transform_4(%arg0: i32, %arg1: i32) -> (i32, i32) {
    %c0_i32 = arith.constant 0 : i32
    %c0_i32_0 = arith.constant 0 : i32
    %c0_i32_1 = arith.constant 0 : i32
    return %c0_i32, %c0_i32_0 : i32, i32
  }
  func.func @transform_5(%arg0: i32, %arg1: i32) -> (i32, i32) {
    %c0_i32 = arith.constant 0 : i32
    %c0_i32_0 = arith.constant 0 : i32
    %c0_i32_1 = arith.constant 0 : i32
    return %c0_i32, %c0_i32_0 : i32, i32
  }
  func.func @transform_6(%arg0: i32, %arg1: i32) -> (i32, i32) {
    %mul3A = arith.muli %arg1, %arg0 : i32
    %c0_i32 = arith.constant 0 : i32
    %c0_i32_0 = arith.constant 0 : i32
    return %mul3A, %c0_i32 : i32, i32
  }
  func.func @transform_7(%arg0: i32, %arg1: i32) -> (i32, i32) {
    %c0_i32 = arith.constant 0 : i32
    %c0_i32_0 = arith.constant 0 : i32
    return %arg1, %c0_i32 : i32, i32
  }
  func.func @transform_8(%arg0: i32, %arg1: i32) -> (i32, i32) {
    %c0_i32 = arith.constant 0 : i32
    %c0_i32_0 = arith.constant 0 : i32
    return %arg1, %c0_i32 : i32, i32
  }
}

module attributes {stable_mosaic.version = 14 : i64} {
  func.func @_tc_mid_body(%arg0: i32, %arg1: i32, %arg2: memref<2000x128xf32, #tpu.memory_space<vmem>>, %arg3: memref<2x2000x32xf32, #tpu.memory_space<vmem>>, %arg4: memref<2000x1xf32, #tpu.memory_space<vmem>>, %arg5: memref<2000x1xf32, #tpu.memory_space<vmem>>, %arg6: memref<128x128xf32, #tpu.memory_space<vmem>>, %arg7: memref<32x128xf32, #tpu.memory_space<vmem>>, %arg8: memref<1x128xf32, #tpu.memory_space<vmem>>, %arg9: memref<128x128xf32, #tpu.memory_space<vmem>>, %arg10: memref<1x128xf32, #tpu.memory_space<vmem>>, %arg11: memref<128x1xf32, #tpu.memory_space<vmem>>, %arg12: memref<128x1xf32, #tpu.memory_space<vmem>>, %arg13: memref<128x32xf32, #tpu.memory_space<vmem>>, %arg14: memref<1x32xf32, #tpu.memory_space<vmem>>, %arg15: memref<2000x128xf32, #tpu.memory_space<vmem>>, %arg16: memref<2000x32xf32, #tpu.memory_space<vmem>>, %arg17: memref<128x8xf32, #tpu.memory_space<vmem>>, %arg18: memref<10000x128xf32, #tpu.memory_space<vmem>>) attributes {dimension_semantics = [#tpu.dimension_semantics<arbitrary>, #tpu.dimension_semantics<arbitrary>], iteration_bounds = array<i64: 2, 5>, scalar_prefetch = 0 : i64, scratch_operands = 2 : i64, tpu.core_type = #tpu.core_type<tc>, window_params = [{transform_indices = @transform_0, window_bounds = array<i64: 2000, 128>}, {transform_indices = @transform_1, window_bounds = array<i64: 2, 2000, 32>}, {transform_indices = @transform_2, window_bounds = array<i64: 2000, 1>}, {transform_indices = @transform_3, window_bounds = array<i64: 2000, 1>}, {pipeline_mode = #tpu.pipeline_mode<synchronous>, transform_indices = @transform_4, window_bounds = array<i64: 128, 128>}, {pipeline_mode = #tpu.pipeline_mode<synchronous>, transform_indices = @transform_5, window_bounds = array<i64: 32, 128>}, {pipeline_mode = #tpu.pipeline_mode<synchronous>, transform_indices = @transform_6, window_bounds = array<i64: 1, 128>}, {pipeline_mode = #tpu.pipeline_mode<synchronous>, transform_indices = @transform_7, window_bounds = array<i64: 128, 128>}, {pipeline_mode = #tpu.pipeline_mode<synchronous>, transform_indices = @transform_8, window_bounds = array<i64: 1, 128>}, {pipeline_mode = #tpu.pipeline_mode<synchronous>, transform_indices = @transform_9, window_bounds = array<i64: 128, 1>}, {pipeline_mode = #tpu.pipeline_mode<synchronous>, transform_indices = @transform_10, window_bounds = array<i64: 128, 1>}, {pipeline_mode = #tpu.pipeline_mode<synchronous>, transform_indices = @transform_11, window_bounds = array<i64: 128, 32>}, {pipeline_mode = #tpu.pipeline_mode<synchronous>, transform_indices = @transform_12, window_bounds = array<i64: 1, 32>}, {transform_indices = @transform_13, window_bounds = array<i64: 2000, 128>}, {transform_indices = @transform_14, window_bounds = array<i64: 2000, 32>}]} {
    %eq3A = arith.constant 0 : i32
    %eq3A_0 = arith.cmpi eq, %arg0, %eq3A : i32
    %convert_element_type3A = arith.extui %eq3A_0 : i1 to i32
    %cond3A = arith.constant 0 : i32
    %cond3A_1 = arith.cmpi ne, %convert_element_type3A, %cond3A : i32
    scf.if %cond3A_1 {
      %get3A = arith.constant 0 : index
      %get3A_7 = arith.constant 0 : index
      %get3A_8 = arith.constant 0 : index
      %get3A_9 = vector.load %arg3[%get3A, %get3A_7, %get3A_8] : memref<2x2000x32xf32, #tpu.memory_space<vmem>>, vector<1x2000x32xf32>
      %get3A_10 = vector.shape_cast %get3A_9 : vector<1x2000x32xf32> to vector<2000x32xf32>
      %get3A_11 = arith.constant 1 : index
      %get3A_12 = arith.constant 0 : index
      %get3A_13 = arith.constant 0 : index
      %get3A_14 = vector.load %arg3[%get3A_11, %get3A_12, %get3A_13] : memref<2x2000x32xf32, #tpu.memory_space<vmem>>, vector<1x2000x32xf32>
      %get3A_15 = vector.shape_cast %get3A_14 : vector<1x2000x32xf32> to vector<2000x32xf32>
      %add3A = arith.addf %get3A_10, %get3A_15 : vector<2000x32xf32>
      %get3A_16 = arith.constant 0 : index
      %get3A_17 = arith.constant 0 : index
      %get3A_18 = vector.load %arg2[%get3A_16, %get3A_17] : memref<2000x128xf32, #tpu.memory_space<vmem>>, vector<2000x128xf32>
      %get3A_19 = arith.constant 0 : index
      %get3A_20 = arith.constant 0 : index
      %get3A_21 = vector.load %arg4[%get3A_19, %get3A_20] : memref<2000x1xf32, #tpu.memory_space<vmem>>, vector<2000x1xf32>
      %get3A_22 = arith.constant 0 : index
      %get3A_23 = arith.constant 0 : index
      %get3A_24 = vector.load %arg6[%get3A_22, %get3A_23] : memref<128x128xf32, #tpu.memory_space<vmem>>, vector<128x128xf32>
      %get3A_25 = arith.constant 0 : index
      %get3A_26 = arith.constant 0 : index
      %get3A_27 = vector.load %arg7[%get3A_25, %get3A_26] : memref<32x128xf32, #tpu.memory_space<vmem>>, vector<32x128xf32>
      %get3A_28 = arith.constant 0 : index
      %get3A_29 = arith.constant 0 : index
      %get3A_30 = vector.load %arg8[%get3A_28, %get3A_29] : memref<1x128xf32, #tpu.memory_space<vmem>>, vector<1x128xf32>
      %get3A_31 = arith.constant 0 : index
      %get3A_32 = arith.constant 0 : index
      %get3A_33 = vector.load %arg9[%get3A_31, %get3A_32] : memref<128x128xf32, #tpu.memory_space<vmem>>, vector<128x128xf32>
      %get3A_34 = arith.constant 0 : index
      %get3A_35 = arith.constant 0 : index
      %get3A_36 = vector.load %arg10[%get3A_34, %get3A_35] : memref<1x128xf32, #tpu.memory_space<vmem>>, vector<1x128xf32>
      %max3A = arith.constant 1.000000e+00 : f32
      %max3A_37 = vector.broadcast %max3A : f32 to vector<2000x1xf32>
      %max3A_38 = arith.maximumf %get3A_21, %max3A_37 : vector<2000x1xf32>
      %div3A = vector.broadcast %max3A_38 : vector<2000x1xf32> to vector<2000x32xf32>
      %div3A_39 = arith.divf %add3A, %div3A : vector<2000x32xf32>
      %dot_general3A = arith.constant dense<0.000000e+00> : vector<2000x128xf32>
      %dot_general3A_40 = tpu.matmul %get3A_18, %get3A_24, %dot_general3A {dimension_numbers = #tpu.dot_dimension_numbers<[1], [0], [0], [1], [0, 0, 1, 1], [], []>, transpose_lhs_hint = false} : vector<2000x128xf32>, vector<128x128xf32>, vector<2000x128xf32> -> vector<2000x128xf32>
      %dot_general3A_41 = arith.constant dense<0.000000e+00> : vector<2000x128xf32>
      %dot_general3A_42 = tpu.matmul %div3A_39, %get3A_27, %dot_general3A_41 {dimension_numbers = #tpu.dot_dimension_numbers<[1], [0], [0], [1], [0, 0, 1, 1], [], []>, transpose_lhs_hint = false} : vector<2000x32xf32>, vector<32x128xf32>, vector<2000x128xf32> -> vector<2000x128xf32>
      %add3A_43 = arith.addf %dot_general3A_40, %dot_general3A_42 : vector<2000x128xf32>
      %add3A_44 = vector.broadcast %get3A_30 : vector<1x128xf32> to vector<2000x128xf32>
      %add3A_45 = arith.addf %add3A_43, %add3A_44 : vector<2000x128xf32>
      %max3A_46 = arith.constant 0.000000e+00 : f32
      %max3A_47 = vector.broadcast %max3A_46 : f32 to vector<2000x128xf32>
      %max3A_48 = arith.maximumf %add3A_45, %max3A_47 : vector<2000x128xf32>
      %dot_general3A_49 = arith.constant dense<0.000000e+00> : vector<2000x128xf32>
      %dot_general3A_50 = tpu.matmul %get3A_18, %get3A_33, %dot_general3A_49 {dimension_numbers = #tpu.dot_dimension_numbers<[1], [0], [0], [1], [0, 0, 1, 1], [], []>, transpose_lhs_hint = false} : vector<2000x128xf32>, vector<128x128xf32>, vector<2000x128xf32> -> vector<2000x128xf32>
      %add3A_51 = vector.broadcast %get3A_36 : vector<1x128xf32> to vector<2000x128xf32>
      %add3A_52 = arith.addf %dot_general3A_50, %add3A_51 : vector<2000x128xf32>
      %add3A_53 = arith.addf %add3A_52, %max3A_48 : vector<2000x128xf32>
      %swap3A = arith.constant 0 : index
      %swap3A_54 = arith.constant 0 : index
      %swap3A_55 = vector.load %arg15[%swap3A, %swap3A_54] : memref<2000x128xf32, #tpu.memory_space<vmem>>, vector<2000x128xf32>
      tpu.vector_store %arg15[%swap3A, %swap3A_54], %add3A_53 {strides = array<i32>} : memref<2000x128xf32, #tpu.memory_space<vmem>>, vector<2000x128xf32>,
      %mul3A = arith.constant 2000 : i32
      %mul3A_56 = arith.muli %arg1, %mul3A : i32
      %swap3A_57 = arith.index_cast %mul3A_56 : i32 to index
      %swap3A_58 = arith.constant 0 : index
      %swap3A_59 = vector.load %arg18[%swap3A_57, %swap3A_58] : memref<10000x128xf32, #tpu.memory_space<vmem>>, vector<2000x128xf32>
      tpu.vector_store %arg18[%swap3A_57, %swap3A_58], %add3A_53 {strides = array<i32>} : memref<10000x128xf32, #tpu.memory_space<vmem>>, vector<2000x128xf32>,
      %get3A_60 = arith.constant 0 : index
      %get3A_61 = arith.constant 0 : index
      %get3A_62 = vector.load %arg5[%get3A_60, %get3A_61] : memref<2000x1xf32, #tpu.memory_space<vmem>>, vector<2000x1xf32>
      %eq3A_63 = arith.constant 0 : i32
      %eq3A_64 = arith.cmpi eq, %arg1, %eq3A_63 : i32
      %convert_element_type3A_65 = arith.extui %eq3A_64 : i1 to i32
      %cond3A_66 = arith.constant 0 : i32
      %cond3A_67 = arith.cmpi ne, %convert_element_type3A_65, %cond3A_66 : i32
      scf.if %cond3A_67 {
        %broadcast_in_dim3A = arith.constant 0.000000e+00 : f32
        %broadcast_in_dim3A_87 = vector.broadcast %broadcast_in_dim3A : f32 to vector<128x8xf32>
        %swap3A_88 = arith.constant 0 : index
        %swap3A_89 = arith.constant 0 : index
        %swap3A_90 = vector.load %arg17[%swap3A_88, %swap3A_89] : memref<128x8xf32, #tpu.memory_space<vmem>>, vector<128x8xf32>
        tpu.vector_store %arg17[%swap3A_88, %swap3A_89], %broadcast_in_dim3A_87 {strides = array<i32>} : memref<128x8xf32, #tpu.memory_space<vmem>>, vector<128x8xf32>,
      } else {
      }
      %dot_general3A_68 = arith.constant dense<0.000000e+00> : vector<128x1xf32>
      %dot_general3A_69 = tpu.matmul %add3A_53, %get3A_62, %dot_general3A_68 {dimension_numbers = #tpu.dot_dimension_numbers<[0], [0], [1], [1], [0, 1, 1, 1], [], []>, transpose_lhs_hint = false} : vector<2000x128xf32>, vector<2000x1xf32>, vector<128x1xf32> -> vector<128x1xf32>
      %mul3A_70 = arith.mulf %add3A_53, %add3A_53 : vector<2000x128xf32>
      %dot_general3A_71 = arith.constant dense<0.000000e+00> : vector<128x1xf32>
      %dot_general3A_72 = tpu.matmul %mul3A_70, %get3A_62, %dot_general3A_71 {dimension_numbers = #tpu.dot_dimension_numbers<[0], [0], [1], [1], [0, 1, 1, 1], [], []>, transpose_lhs_hint = false} : vector<2000x128xf32>, vector<2000x1xf32>, vector<128x1xf32> -> vector<128x1xf32>
      %get3A_73 = arith.constant 0 : index
      %get3A_74 = arith.constant 0 : index
      %get3A_75 = vector.load %arg17[%get3A_73, %get3A_74] : memref<128x8xf32, #tpu.memory_space<vmem>>, vector<128x1xf32>
      %add3A_76 = arith.addf %get3A_75, %dot_general3A_69 : vector<128x1xf32>
      %swap3A_77 = arith.constant 0 : index
      %swap3A_78 = arith.constant 0 : index
      %swap3A_79 = vector.load %arg17[%swap3A_77, %swap3A_78] : memref<128x8xf32, #tpu.memory_space<vmem>>, vector<128x1xf32>
      tpu.vector_store %arg17[%swap3A_77, %swap3A_78], %add3A_76 {strides = array<i32>} : memref<128x8xf32, #tpu.memory_space<vmem>>, vector<128x1xf32>,
      %get3A_80 = arith.constant 0 : index
      %get3A_81 = arith.constant 1 : index
      %get3A_82 = vector.load %arg17[%get3A_80, %get3A_81] : memref<128x8xf32, #tpu.memory_space<vmem>>, vector<128x1xf32>
      %add3A_83 = arith.addf %get3A_82, %dot_general3A_72 : vector<128x1xf32>
      %swap3A_84 = arith.constant 0 : index
      %swap3A_85 = arith.constant 1 : index
      %swap3A_86 = vector.load %arg17[%swap3A_84, %swap3A_85] : memref<128x8xf32, #tpu.memory_space<vmem>>, vector<128x1xf32>
      tpu.vector_store %arg17[%swap3A_84, %swap3A_85], %add3A_83 {strides = array<i32>} : memref<128x8xf32, #tpu.memory_space<vmem>>, vector<128x1xf32>,
    } else {
    }
    %eq3A_2 = arith.constant 1 : i32
    %eq3A_3 = arith.cmpi eq, %arg0, %eq3A_2 : i32
    %convert_element_type3A_4 = arith.extui %eq3A_3 : i1 to i32
    %cond3A_5 = arith.constant 0 : i32
    %cond3A_6 = arith.cmpi ne, %convert_element_type3A_4, %cond3A_5 : i32
    scf.if %cond3A_6 {
      %mul3A = arith.constant 2000 : i32
      %mul3A_7 = arith.muli %arg1, %mul3A : i32
      %get3A = arith.index_cast %mul3A_7 : i32 to index
      %get3A_8 = arith.constant 0 : index
      %get3A_9 = vector.load %arg18[%get3A, %get3A_8] : memref<10000x128xf32, #tpu.memory_space<vmem>>, vector<2000x128xf32>
      %get3A_10 = arith.constant 0 : index
      %get3A_11 = arith.constant 0 : index
      %get3A_12 = vector.load %arg17[%get3A_10, %get3A_11] : memref<128x8xf32, #tpu.memory_space<vmem>>, vector<128x8xf32>
      %get3A_13 = arith.constant 0 : index
      %get3A_14 = arith.constant 0 : index
      %get3A_15 = vector.load %arg11[%get3A_13, %get3A_14] : memref<128x1xf32, #tpu.memory_space<vmem>>, vector<128x1xf32>
      %get3A_16 = arith.constant 0 : index
      %get3A_17 = arith.constant 0 : index
      %get3A_18 = vector.load %arg12[%get3A_16, %get3A_17] : memref<128x1xf32, #tpu.memory_space<vmem>>, vector<128x1xf32>
      %get3A_19 = arith.constant 0 : index
      %get3A_20 = arith.constant 0 : index
      %get3A_21 = vector.load %arg13[%get3A_19, %get3A_20] : memref<128x32xf32, #tpu.memory_space<vmem>>, vector<128x32xf32>
      %get3A_22 = arith.constant 0 : index
      %get3A_23 = arith.constant 0 : index
      %get3A_24 = vector.load %arg14[%get3A_22, %get3A_23] : memref<1x32xf32, #tpu.memory_space<vmem>>, vector<1x32xf32>
      %slice3A = vector.extract_strided_slice %get3A_12 {offsets = [0, 0], sizes = [128, 1], strides = [1, 1]} : vector<128x8xf32> to vector<128x1xf32>
      %mul3A_25 = arith.constant 3.125000e-06 : f32
      %mul3A_26 = vector.broadcast %mul3A_25 : f32 to vector<128x1xf32>
      %mul3A_27 = arith.mulf %slice3A, %mul3A_26 : vector<128x1xf32>
      %slice3A_28 = vector.extract_strided_slice %get3A_12 {offsets = [0, 1], sizes = [128, 1], strides = [1, 1]} : vector<128x8xf32> to vector<128x1xf32>
      %mul3A_29 = arith.constant 3.125000e-06 : f32
      %mul3A_30 = vector.broadcast %mul3A_29 : f32 to vector<128x1xf32>
      %mul3A_31 = arith.mulf %slice3A_28, %mul3A_30 : vector<128x1xf32>
      %mul3A_32 = arith.mulf %mul3A_27, %mul3A_27 : vector<128x1xf32>
      %sub3A = arith.subf %mul3A_31, %mul3A_32 : vector<128x1xf32>
      %add3A = arith.constant 9.99999974E-6 : f32
      %add3A_33 = vector.broadcast %add3A : f32 to vector<128x1xf32>
      %add3A_34 = arith.addf %sub3A, %add3A_33 : vector<128x1xf32>
      %rsqrt3A = math.rsqrt %add3A_34 : vector<128x1xf32>
      %mul3A_35 = arith.mulf %get3A_15, %rsqrt3A : vector<128x1xf32>
      %mul3A_36 = arith.mulf %mul3A_27, %mul3A_35 : vector<128x1xf32>
      %sub3A_37 = arith.subf %get3A_18, %mul3A_36 : vector<128x1xf32>
      %mul3A_38 = vector.broadcast %mul3A_35 : vector<128x1xf32> to vector<128x32xf32>
      %mul3A_39 = arith.mulf %mul3A_38, %get3A_21 : vector<128x32xf32>
      %dot_general3A = arith.constant dense<0.000000e+00> : vector<1x32xf32>
      %dot_general3A_40 = tpu.matmul %sub3A_37, %get3A_21, %dot_general3A {dimension_numbers = #tpu.dot_dimension_numbers<[0], [0], [1], [1], [0, 1, 1, 1], [], []>, transpose_lhs_hint = false} : vector<128x1xf32>, vector<128x32xf32>, vector<1x32xf32> -> vector<1x32xf32>
      %add3A_41 = arith.addf %dot_general3A_40, %get3A_24 : vector<1x32xf32>
      %dot_general3A_42 = arith.constant dense<0.000000e+00> : vector<2000x32xf32>
      %dot_general3A_43 = tpu.matmul %get3A_9, %mul3A_39, %dot_general3A_42 {dimension_numbers = #tpu.dot_dimension_numbers<[1], [0], [0], [1], [0, 0, 1, 1], [], []>, transpose_lhs_hint = false} : vector<2000x128xf32>, vector<128x32xf32>, vector<2000x32xf32> -> vector<2000x32xf32>
      %add3A_44 = vector.broadcast %add3A_41 : vector<1x32xf32> to vector<2000x32xf32>
      %add3A_45 = arith.addf %dot_general3A_43, %add3A_44 : vector<2000x32xf32>
      %mul3A_46 = arith.constant 5.000000e-01 : f32
      %mul3A_47 = vector.broadcast %mul3A_46 : f32 to vector<2000x32xf32>
      %mul3A_48 = arith.mulf %add3A_45, %mul3A_47 : vector<2000x32xf32>
      %mul3A_49 = arith.constant 0.707106769 : f32
      %mul3A_50 = vector.broadcast %mul3A_49 : f32 to vector<2000x32xf32>
      %mul3A_51 = arith.mulf %add3A_45, %mul3A_50 : vector<2000x32xf32>
      %erf3A = math.erf %mul3A_51 : vector<2000x32xf32>
      %add3A_52 = arith.constant 1.000000e+00 : f32
      %add3A_53 = vector.broadcast %add3A_52 : f32 to vector<2000x32xf32>
      %add3A_54 = arith.addf %add3A_53, %erf3A : vector<2000x32xf32>
      %mul3A_55 = arith.mulf %mul3A_48, %add3A_54 : vector<2000x32xf32>
      %swap3A = arith.constant 0 : index
      %swap3A_56 = arith.constant 0 : index
      %swap3A_57 = vector.load %arg16[%swap3A, %swap3A_56] : memref<2000x32xf32, #tpu.memory_space<vmem>>, vector<2000x32xf32>
      tpu.vector_store %arg16[%swap3A, %swap3A_56], %mul3A_55 {strides = array<i32>} : memref<2000x32xf32, #tpu.memory_space<vmem>>, vector<2000x32xf32>,
    } else {
    }
    return
  }
  func.func @transform_0(%arg0: i32, %arg1: i32) -> (i32, i32) {
    %sub3A = arith.constant 1 : i32
    %sub3A_0 = arith.subi %sub3A, %arg0 : i32
    %mul3A = arith.muli %arg1, %sub3A_0 : i32
    %mul3A_1 = arith.constant 4 : i32
    %mul3A_2 = arith.muli %mul3A_1, %arg0 : i32
    %add3A = arith.addi %mul3A, %mul3A_2 : i32
    %c0_i32 = arith.constant 0 : i32
    %c0_i32_3 = arith.constant 0 : i32
    return %add3A, %c0_i32 : i32, i32
  }
  func.func @transform_1(%arg0: i32, %arg1: i32) -> (i32, i32, i32) {
    %sub3A = arith.constant 1 : i32
    %sub3A_0 = arith.subi %sub3A, %arg0 : i32
    %mul3A = arith.muli %arg1, %sub3A_0 : i32
    %mul3A_1 = arith.constant 4 : i32
    %mul3A_2 = arith.muli %mul3A_1, %arg0 : i32
    %add3A = arith.addi %mul3A, %mul3A_2 : i32
    %c0_i32 = arith.constant 0 : i32
    %c0_i32_3 = arith.constant 0 : i32
    %c0_i32_4 = arith.constant 0 : i32
    return %c0_i32, %add3A, %c0_i32_3 : i32, i32, i32
  }
  func.func @transform_2(%arg0: i32, %arg1: i32) -> (i32, i32) {
    %sub3A = arith.constant 1 : i32
    %sub3A_0 = arith.subi %sub3A, %arg0 : i32
    %mul3A = arith.muli %arg1, %sub3A_0 : i32
    %mul3A_1 = arith.constant 4 : i32
    %mul3A_2 = arith.muli %mul3A_1, %arg0 : i32
    %add3A = arith.addi %mul3A, %mul3A_2 : i32
    %c0_i32 = arith.constant 0 : i32
    %c0_i32_3 = arith.constant 0 : i32
    return %add3A, %c0_i32 : i32, i32
  }
  func.func @transform_3(%arg0: i32, %arg1: i32) -> (i32, i32) {
    %sub3A = arith.constant 1 : i32
    %sub3A_0 = arith.subi %sub3A, %arg0 : i32
    %mul3A = arith.muli %arg1, %sub3A_0 : i32
    %mul3A_1 = arith.constant 4 : i32
    %mul3A_2 = arith.muli %mul3A_1, %arg0 : i32
    %add3A = arith.addi %mul3A, %mul3A_2 : i32
    %c0_i32 = arith.constant 0 : i32
    %c0_i32_3 = arith.constant 0 : i32
    return %add3A, %c0_i32 : i32, i32
  }
  func.func @transform_4(%arg0: i32, %arg1: i32) -> (i32, i32) {
    %c0_i32 = arith.constant 0 : i32
    %c0_i32_0 = arith.constant 0 : i32
    %c0_i32_1 = arith.constant 0 : i32
    return %c0_i32, %c0_i32_0 : i32, i32
  }
  func.func @transform_5(%arg0: i32, %arg1: i32) -> (i32, i32) {
    %c0_i32 = arith.constant 0 : i32
    %c0_i32_0 = arith.constant 0 : i32
    %c0_i32_1 = arith.constant 0 : i32
    return %c0_i32, %c0_i32_0 : i32, i32
  }
  func.func @transform_6(%arg0: i32, %arg1: i32) -> (i32, i32) {
    %c0_i32 = arith.constant 0 : i32
    %c0_i32_0 = arith.constant 0 : i32
    %c0_i32_1 = arith.constant 0 : i32
    return %c0_i32, %c0_i32_0 : i32, i32
  }
  func.func @transform_7(%arg0: i32, %arg1: i32) -> (i32, i32) {
    %c0_i32 = arith.constant 0 : i32
    %c0_i32_0 = arith.constant 0 : i32
    %c0_i32_1 = arith.constant 0 : i32
    return %c0_i32, %c0_i32_0 : i32, i32
  }
  func.func @transform_8(%arg0: i32, %arg1: i32) -> (i32, i32) {
    %c0_i32 = arith.constant 0 : i32
    %c0_i32_0 = arith.constant 0 : i32
    %c0_i32_1 = arith.constant 0 : i32
    return %c0_i32, %c0_i32_0 : i32, i32
  }
  func.func @transform_9(%arg0: i32, %arg1: i32) -> (i32, i32) {
    %c0_i32 = arith.constant 0 : i32
    %c0_i32_0 = arith.constant 0 : i32
    %c0_i32_1 = arith.constant 0 : i32
    return %c0_i32, %c0_i32_0 : i32, i32
  }
  func.func @transform_10(%arg0: i32, %arg1: i32) -> (i32, i32) {
    %c0_i32 = arith.constant 0 : i32
    %c0_i32_0 = arith.constant 0 : i32
    %c0_i32_1 = arith.constant 0 : i32
    return %c0_i32, %c0_i32_0 : i32, i32
  }
  func.func @transform_11(%arg0: i32, %arg1: i32) -> (i32, i32) {
    %c0_i32 = arith.constant 0 : i32
    %c0_i32_0 = arith.constant 0 : i32
    %c0_i32_1 = arith.constant 0 : i32
    return %c0_i32, %c0_i32_0 : i32, i32
  }
  func.func @transform_12(%arg0: i32, %arg1: i32) -> (i32, i32) {
    %c0_i32 = arith.constant 0 : i32
    %c0_i32_0 = arith.constant 0 : i32
    %c0_i32_1 = arith.constant 0 : i32
    return %c0_i32, %c0_i32_0 : i32, i32
  }
  func.func @transform_13(%arg0: i32, %arg1: i32) -> (i32, i32) {
    %sub3A = arith.constant 1 : i32
    %sub3A_0 = arith.subi %sub3A, %arg0 : i32
    %mul3A = arith.muli %arg1, %sub3A_0 : i32
    %mul3A_1 = arith.constant 4 : i32
    %mul3A_2 = arith.muli %mul3A_1, %arg0 : i32
    %add3A = arith.addi %mul3A, %mul3A_2 : i32
    %c0_i32 = arith.constant 0 : i32
    %c0_i32_3 = arith.constant 0 : i32
    return %add3A, %c0_i32 : i32, i32
  }
  func.func @transform_14(%arg0: i32, %arg1: i32) -> (i32, i32) {
    %mul3A = arith.muli %arg1, %arg0 : i32
    %c0_i32 = arith.constant 0 : i32
    %c0_i32_0 = arith.constant 0 : i32
    return %mul3A, %c0_i32 : i32, i32
  }
}

module attributes {stable_mosaic.version = 14 : i64} {
  func.func @_tc_mid_body(%arg0: i32, %arg1: i32, %arg2: memref<2000x128xf32, #tpu.memory_space<vmem>>, %arg3: memref<2x2000x32xf32, #tpu.memory_space<vmem>>, %arg4: memref<2000x1xf32, #tpu.memory_space<vmem>>, %arg5: memref<2000x1xf32, #tpu.memory_space<vmem>>, %arg6: memref<128x128xf32, #tpu.memory_space<vmem>>, %arg7: memref<32x128xf32, #tpu.memory_space<vmem>>, %arg8: memref<1x128xf32, #tpu.memory_space<vmem>>, %arg9: memref<128x128xf32, #tpu.memory_space<vmem>>, %arg10: memref<1x128xf32, #tpu.memory_space<vmem>>, %arg11: memref<128x1xf32, #tpu.memory_space<vmem>>, %arg12: memref<128x1xf32, #tpu.memory_space<vmem>>, %arg13: memref<128x32xf32, #tpu.memory_space<vmem>>, %arg14: memref<1x32xf32, #tpu.memory_space<vmem>>, %arg15: memref<2000x128xf32, #tpu.memory_space<vmem>>, %arg16: memref<2000x32xf32, #tpu.memory_space<vmem>>, %arg17: memref<128x8xf32, #tpu.memory_space<vmem>>, %arg18: memref<10000x128xf32, #tpu.memory_space<vmem>>) attributes {dimension_semantics = [#tpu.dimension_semantics<arbitrary>, #tpu.dimension_semantics<arbitrary>], iteration_bounds = array<i64: 2, 5>, scalar_prefetch = 0 : i64, scratch_operands = 2 : i64, tpu.core_type = #tpu.core_type<tc>, window_params = [{transform_indices = @transform_0, window_bounds = array<i64: 2000, 128>}, {transform_indices = @transform_1, window_bounds = array<i64: 2, 2000, 32>}, {transform_indices = @transform_2, window_bounds = array<i64: 2000, 1>}, {transform_indices = @transform_3, window_bounds = array<i64: 2000, 1>}, {pipeline_mode = #tpu.pipeline_mode<synchronous>, transform_indices = @transform_4, window_bounds = array<i64: 128, 128>}, {pipeline_mode = #tpu.pipeline_mode<synchronous>, transform_indices = @transform_5, window_bounds = array<i64: 32, 128>}, {pipeline_mode = #tpu.pipeline_mode<synchronous>, transform_indices = @transform_6, window_bounds = array<i64: 1, 128>}, {pipeline_mode = #tpu.pipeline_mode<synchronous>, transform_indices = @transform_7, window_bounds = array<i64: 128, 128>}, {pipeline_mode = #tpu.pipeline_mode<synchronous>, transform_indices = @transform_8, window_bounds = array<i64: 1, 128>}, {pipeline_mode = #tpu.pipeline_mode<synchronous>, transform_indices = @transform_9, window_bounds = array<i64: 128, 1>}, {pipeline_mode = #tpu.pipeline_mode<synchronous>, transform_indices = @transform_10, window_bounds = array<i64: 128, 1>}, {pipeline_mode = #tpu.pipeline_mode<synchronous>, transform_indices = @transform_11, window_bounds = array<i64: 128, 32>}, {pipeline_mode = #tpu.pipeline_mode<synchronous>, transform_indices = @transform_12, window_bounds = array<i64: 1, 32>}, {transform_indices = @transform_13, window_bounds = array<i64: 2000, 128>}, {transform_indices = @transform_14, window_bounds = array<i64: 2000, 32>}]} {
    %eq3A = arith.constant 0 : i32
    %eq3A_0 = arith.cmpi eq, %arg0, %eq3A : i32
    %convert_element_type3A = arith.extui %eq3A_0 : i1 to i32
    %cond3A = arith.constant 0 : i32
    %cond3A_1 = arith.cmpi ne, %convert_element_type3A, %cond3A : i32
    scf.if %cond3A_1 {
      %get3A = arith.constant 0 : index
      %get3A_7 = arith.constant 0 : index
      %get3A_8 = arith.constant 0 : index
      %get3A_9 = vector.load %arg3[%get3A, %get3A_7, %get3A_8] : memref<2x2000x32xf32, #tpu.memory_space<vmem>>, vector<1x2000x32xf32>
      %get3A_10 = vector.shape_cast %get3A_9 : vector<1x2000x32xf32> to vector<2000x32xf32>
      %get3A_11 = arith.constant 1 : index
      %get3A_12 = arith.constant 0 : index
      %get3A_13 = arith.constant 0 : index
      %get3A_14 = vector.load %arg3[%get3A_11, %get3A_12, %get3A_13] : memref<2x2000x32xf32, #tpu.memory_space<vmem>>, vector<1x2000x32xf32>
      %get3A_15 = vector.shape_cast %get3A_14 : vector<1x2000x32xf32> to vector<2000x32xf32>
      %add3A = arith.addf %get3A_10, %get3A_15 : vector<2000x32xf32>
      %get3A_16 = arith.constant 0 : index
      %get3A_17 = arith.constant 0 : index
      %get3A_18 = vector.load %arg2[%get3A_16, %get3A_17] : memref<2000x128xf32, #tpu.memory_space<vmem>>, vector<2000x128xf32>
      %get3A_19 = arith.constant 0 : index
      %get3A_20 = arith.constant 0 : index
      %get3A_21 = vector.load %arg4[%get3A_19, %get3A_20] : memref<2000x1xf32, #tpu.memory_space<vmem>>, vector<2000x1xf32>
      %get3A_22 = arith.constant 0 : index
      %get3A_23 = arith.constant 0 : index
      %get3A_24 = vector.load %arg6[%get3A_22, %get3A_23] : memref<128x128xf32, #tpu.memory_space<vmem>>, vector<128x128xf32>
      %get3A_25 = arith.constant 0 : index
      %get3A_26 = arith.constant 0 : index
      %get3A_27 = vector.load %arg7[%get3A_25, %get3A_26] : memref<32x128xf32, #tpu.memory_space<vmem>>, vector<32x128xf32>
      %get3A_28 = arith.constant 0 : index
      %get3A_29 = arith.constant 0 : index
      %get3A_30 = vector.load %arg8[%get3A_28, %get3A_29] : memref<1x128xf32, #tpu.memory_space<vmem>>, vector<1x128xf32>
      %get3A_31 = arith.constant 0 : index
      %get3A_32 = arith.constant 0 : index
      %get3A_33 = vector.load %arg9[%get3A_31, %get3A_32] : memref<128x128xf32, #tpu.memory_space<vmem>>, vector<128x128xf32>
      %get3A_34 = arith.constant 0 : index
      %get3A_35 = arith.constant 0 : index
      %get3A_36 = vector.load %arg10[%get3A_34, %get3A_35] : memref<1x128xf32, #tpu.memory_space<vmem>>, vector<1x128xf32>
      %max3A = arith.constant 1.000000e+00 : f32
      %max3A_37 = vector.broadcast %max3A : f32 to vector<2000x1xf32>
      %max3A_38 = arith.maximumf %get3A_21, %max3A_37 : vector<2000x1xf32>
      %div3A = vector.broadcast %max3A_38 : vector<2000x1xf32> to vector<2000x32xf32>
      %div3A_39 = arith.divf %add3A, %div3A : vector<2000x32xf32>
      %dot_general3A = arith.constant dense<0.000000e+00> : vector<2000x128xf32>
      %dot_general3A_40 = tpu.matmul %get3A_18, %get3A_24, %dot_general3A {dimension_numbers = #tpu.dot_dimension_numbers<[1], [0], [0], [1], [0, 0, 1, 1], [], []>, transpose_lhs_hint = false} : vector<2000x128xf32>, vector<128x128xf32>, vector<2000x128xf32> -> vector<2000x128xf32>
      %dot_general3A_41 = arith.constant dense<0.000000e+00> : vector<2000x128xf32>
      %dot_general3A_42 = tpu.matmul %div3A_39, %get3A_27, %dot_general3A_41 {dimension_numbers = #tpu.dot_dimension_numbers<[1], [0], [0], [1], [0, 0, 1, 1], [], []>, transpose_lhs_hint = false} : vector<2000x32xf32>, vector<32x128xf32>, vector<2000x128xf32> -> vector<2000x128xf32>
      %add3A_43 = arith.addf %dot_general3A_40, %dot_general3A_42 : vector<2000x128xf32>
      %add3A_44 = vector.broadcast %get3A_30 : vector<1x128xf32> to vector<2000x128xf32>
      %add3A_45 = arith.addf %add3A_43, %add3A_44 : vector<2000x128xf32>
      %dot_general3A_46 = arith.constant dense<0.000000e+00> : vector<2000x128xf32>
      %dot_general3A_47 = tpu.matmul %get3A_18, %get3A_33, %dot_general3A_46 {dimension_numbers = #tpu.dot_dimension_numbers<[1], [0], [0], [1], [0, 0, 1, 1], [], []>, transpose_lhs_hint = false} : vector<2000x128xf32>, vector<128x128xf32>, vector<2000x128xf32> -> vector<2000x128xf32>
      %add3A_48 = vector.broadcast %get3A_36 : vector<1x128xf32> to vector<2000x128xf32>
      %add3A_49 = arith.addf %dot_general3A_47, %add3A_48 : vector<2000x128xf32>
      %add3A_50 = arith.addf %add3A_49, %add3A_45 : vector<2000x128xf32>
      %swap3A = arith.constant 0 : index
      %swap3A_51 = arith.constant 0 : index
      %swap3A_52 = vector.load %arg15[%swap3A, %swap3A_51] : memref<2000x128xf32, #tpu.memory_space<vmem>>, vector<2000x128xf32>
      tpu.vector_store %arg15[%swap3A, %swap3A_51], %add3A_50 {strides = array<i32>} : memref<2000x128xf32, #tpu.memory_space<vmem>>, vector<2000x128xf32>,
      %mul3A = arith.constant 2000 : i32
      %mul3A_53 = arith.muli %arg1, %mul3A : i32
      %swap3A_54 = arith.index_cast %mul3A_53 : i32 to index
      %swap3A_55 = arith.constant 0 : index
      %swap3A_56 = vector.load %arg18[%swap3A_54, %swap3A_55] : memref<10000x128xf32, #tpu.memory_space<vmem>>, vector<2000x128xf32>
      tpu.vector_store %arg18[%swap3A_54, %swap3A_55], %add3A_50 {strides = array<i32>} : memref<10000x128xf32, #tpu.memory_space<vmem>>, vector<2000x128xf32>,
      %get3A_57 = arith.constant 0 : index
      %get3A_58 = arith.constant 0 : index
      %get3A_59 = vector.load %arg5[%get3A_57, %get3A_58] : memref<2000x1xf32, #tpu.memory_space<vmem>>, vector<2000x1xf32>
      %eq3A_60 = arith.constant 0 : i32
      %eq3A_61 = arith.cmpi eq, %arg1, %eq3A_60 : i32
      %convert_element_type3A_62 = arith.extui %eq3A_61 : i1 to i32
      %cond3A_63 = arith.constant 0 : i32
      %cond3A_64 = arith.cmpi ne, %convert_element_type3A_62, %cond3A_63 : i32
      scf.if %cond3A_64 {
        %broadcast_in_dim3A = arith.constant 0.000000e+00 : f32
        %broadcast_in_dim3A_84 = vector.broadcast %broadcast_in_dim3A : f32 to vector<128x8xf32>
        %swap3A_85 = arith.constant 0 : index
        %swap3A_86 = arith.constant 0 : index
        %swap3A_87 = vector.load %arg17[%swap3A_85, %swap3A_86] : memref<128x8xf32, #tpu.memory_space<vmem>>, vector<128x8xf32>
        tpu.vector_store %arg17[%swap3A_85, %swap3A_86], %broadcast_in_dim3A_84 {strides = array<i32>} : memref<128x8xf32, #tpu.memory_space<vmem>>, vector<128x8xf32>,
      } else {
      }
      %dot_general3A_65 = arith.constant dense<0.000000e+00> : vector<128x1xf32>
      %dot_general3A_66 = tpu.matmul %add3A_50, %get3A_59, %dot_general3A_65 {dimension_numbers = #tpu.dot_dimension_numbers<[0], [0], [1], [1], [0, 1, 1, 1], [], []>, transpose_lhs_hint = false} : vector<2000x128xf32>, vector<2000x1xf32>, vector<128x1xf32> -> vector<128x1xf32>
      %mul3A_67 = arith.mulf %add3A_50, %add3A_50 : vector<2000x128xf32>
      %dot_general3A_68 = arith.constant dense<0.000000e+00> : vector<128x1xf32>
      %dot_general3A_69 = tpu.matmul %mul3A_67, %get3A_59, %dot_general3A_68 {dimension_numbers = #tpu.dot_dimension_numbers<[0], [0], [1], [1], [0, 1, 1, 1], [], []>, transpose_lhs_hint = false} : vector<2000x128xf32>, vector<2000x1xf32>, vector<128x1xf32> -> vector<128x1xf32>
      %get3A_70 = arith.constant 0 : index
      %get3A_71 = arith.constant 0 : index
      %get3A_72 = vector.load %arg17[%get3A_70, %get3A_71] : memref<128x8xf32, #tpu.memory_space<vmem>>, vector<128x1xf32>
      %add3A_73 = arith.addf %get3A_72, %dot_general3A_66 : vector<128x1xf32>
      %swap3A_74 = arith.constant 0 : index
      %swap3A_75 = arith.constant 0 : index
      %swap3A_76 = vector.load %arg17[%swap3A_74, %swap3A_75] : memref<128x8xf32, #tpu.memory_space<vmem>>, vector<128x1xf32>
      tpu.vector_store %arg17[%swap3A_74, %swap3A_75], %add3A_73 {strides = array<i32>} : memref<128x8xf32, #tpu.memory_space<vmem>>, vector<128x1xf32>,
      %get3A_77 = arith.constant 0 : index
      %get3A_78 = arith.constant 1 : index
      %get3A_79 = vector.load %arg17[%get3A_77, %get3A_78] : memref<128x8xf32, #tpu.memory_space<vmem>>, vector<128x1xf32>
      %add3A_80 = arith.addf %get3A_79, %dot_general3A_69 : vector<128x1xf32>
      %swap3A_81 = arith.constant 0 : index
      %swap3A_82 = arith.constant 1 : index
      %swap3A_83 = vector.load %arg17[%swap3A_81, %swap3A_82] : memref<128x8xf32, #tpu.memory_space<vmem>>, vector<128x1xf32>
      tpu.vector_store %arg17[%swap3A_81, %swap3A_82], %add3A_80 {strides = array<i32>} : memref<128x8xf32, #tpu.memory_space<vmem>>, vector<128x1xf32>,
    } else {
    }
    %eq3A_2 = arith.constant 1 : i32
    %eq3A_3 = arith.cmpi eq, %arg0, %eq3A_2 : i32
    %convert_element_type3A_4 = arith.extui %eq3A_3 : i1 to i32
    %cond3A_5 = arith.constant 0 : i32
    %cond3A_6 = arith.cmpi ne, %convert_element_type3A_4, %cond3A_5 : i32
    scf.if %cond3A_6 {
      %mul3A = arith.constant 2000 : i32
      %mul3A_7 = arith.muli %arg1, %mul3A : i32
      %get3A = arith.index_cast %mul3A_7 : i32 to index
      %get3A_8 = arith.constant 0 : index
      %get3A_9 = vector.load %arg18[%get3A, %get3A_8] : memref<10000x128xf32, #tpu.memory_space<vmem>>, vector<2000x128xf32>
      %get3A_10 = arith.constant 0 : index
      %get3A_11 = arith.constant 0 : index
      %get3A_12 = vector.load %arg17[%get3A_10, %get3A_11] : memref<128x8xf32, #tpu.memory_space<vmem>>, vector<128x8xf32>
      %get3A_13 = arith.constant 0 : index
      %get3A_14 = arith.constant 0 : index
      %get3A_15 = vector.load %arg11[%get3A_13, %get3A_14] : memref<128x1xf32, #tpu.memory_space<vmem>>, vector<128x1xf32>
      %get3A_16 = arith.constant 0 : index
      %get3A_17 = arith.constant 0 : index
      %get3A_18 = vector.load %arg12[%get3A_16, %get3A_17] : memref<128x1xf32, #tpu.memory_space<vmem>>, vector<128x1xf32>
      %get3A_19 = arith.constant 0 : index
      %get3A_20 = arith.constant 0 : index
      %get3A_21 = vector.load %arg13[%get3A_19, %get3A_20] : memref<128x32xf32, #tpu.memory_space<vmem>>, vector<128x32xf32>
      %get3A_22 = arith.constant 0 : index
      %get3A_23 = arith.constant 0 : index
      %get3A_24 = vector.load %arg14[%get3A_22, %get3A_23] : memref<1x32xf32, #tpu.memory_space<vmem>>, vector<1x32xf32>
      %slice3A = vector.extract_strided_slice %get3A_12 {offsets = [0, 0], sizes = [128, 1], strides = [1, 1]} : vector<128x8xf32> to vector<128x1xf32>
      %mul3A_25 = arith.constant 3.125000e-06 : f32
      %mul3A_26 = vector.broadcast %mul3A_25 : f32 to vector<128x1xf32>
      %mul3A_27 = arith.mulf %slice3A, %mul3A_26 : vector<128x1xf32>
      %slice3A_28 = vector.extract_strided_slice %get3A_12 {offsets = [0, 1], sizes = [128, 1], strides = [1, 1]} : vector<128x8xf32> to vector<128x1xf32>
      %mul3A_29 = arith.constant 3.125000e-06 : f32
      %mul3A_30 = vector.broadcast %mul3A_29 : f32 to vector<128x1xf32>
      %mul3A_31 = arith.mulf %slice3A_28, %mul3A_30 : vector<128x1xf32>
      %mul3A_32 = arith.mulf %mul3A_27, %mul3A_27 : vector<128x1xf32>
      %sub3A = arith.subf %mul3A_31, %mul3A_32 : vector<128x1xf32>
      %add3A = arith.constant 9.99999974E-6 : f32
      %add3A_33 = vector.broadcast %add3A : f32 to vector<128x1xf32>
      %add3A_34 = arith.addf %sub3A, %add3A_33 : vector<128x1xf32>
      %rsqrt3A = math.rsqrt %add3A_34 : vector<128x1xf32>
      %mul3A_35 = arith.mulf %get3A_15, %rsqrt3A : vector<128x1xf32>
      %mul3A_36 = arith.mulf %mul3A_27, %mul3A_35 : vector<128x1xf32>
      %sub3A_37 = arith.subf %get3A_18, %mul3A_36 : vector<128x1xf32>
      %mul3A_38 = vector.broadcast %mul3A_35 : vector<128x1xf32> to vector<128x32xf32>
      %mul3A_39 = arith.mulf %mul3A_38, %get3A_21 : vector<128x32xf32>
      %dot_general3A = arith.constant dense<0.000000e+00> : vector<1x32xf32>
      %dot_general3A_40 = tpu.matmul %sub3A_37, %get3A_21, %dot_general3A {dimension_numbers = #tpu.dot_dimension_numbers<[0], [0], [1], [1], [0, 1, 1, 1], [], []>, transpose_lhs_hint = false} : vector<128x1xf32>, vector<128x32xf32>, vector<1x32xf32> -> vector<1x32xf32>
      %add3A_41 = arith.addf %dot_general3A_40, %get3A_24 : vector<1x32xf32>
      %dot_general3A_42 = arith.constant dense<0.000000e+00> : vector<2000x32xf32>
      %dot_general3A_43 = tpu.matmul %get3A_9, %mul3A_39, %dot_general3A_42 {dimension_numbers = #tpu.dot_dimension_numbers<[1], [0], [0], [1], [0, 0, 1, 1], [], []>, transpose_lhs_hint = false} : vector<2000x128xf32>, vector<128x32xf32>, vector<2000x32xf32> -> vector<2000x32xf32>
      %add3A_44 = vector.broadcast %add3A_41 : vector<1x32xf32> to vector<2000x32xf32>
      %add3A_45 = arith.addf %dot_general3A_43, %add3A_44 : vector<2000x32xf32>
      %mul3A_46 = arith.constant 5.000000e-01 : f32
      %mul3A_47 = vector.broadcast %mul3A_46 : f32 to vector<2000x32xf32>
      %mul3A_48 = arith.mulf %add3A_45, %mul3A_47 : vector<2000x32xf32>
      %mul3A_49 = arith.constant 0.707106769 : f32
      %mul3A_50 = vector.broadcast %mul3A_49 : f32 to vector<2000x32xf32>
      %mul3A_51 = arith.mulf %add3A_45, %mul3A_50 : vector<2000x32xf32>
      %erf3A = math.erf %mul3A_51 : vector<2000x32xf32>
      %add3A_52 = arith.constant 1.000000e+00 : f32
      %add3A_53 = vector.broadcast %add3A_52 : f32 to vector<2000x32xf32>
      %add3A_54 = arith.addf %add3A_53, %erf3A : vector<2000x32xf32>
      %mul3A_55 = arith.mulf %mul3A_48, %add3A_54 : vector<2000x32xf32>
      %swap3A = arith.constant 0 : index
      %swap3A_56 = arith.constant 0 : index
      %swap3A_57 = vector.load %arg16[%swap3A, %swap3A_56] : memref<2000x32xf32, #tpu.memory_space<vmem>>, vector<2000x32xf32>
      tpu.vector_store %arg16[%swap3A, %swap3A_56], %mul3A_55 {strides = array<i32>} : memref<2000x32xf32, #tpu.memory_space<vmem>>, vector<2000x32xf32>,
    } else {
    }
    return
  }
  func.func @transform_0(%arg0: i32, %arg1: i32) -> (i32, i32) {
    %sub3A = arith.constant 1 : i32
    %sub3A_0 = arith.subi %sub3A, %arg0 : i32
    %mul3A = arith.muli %arg1, %sub3A_0 : i32
    %mul3A_1 = arith.constant 4 : i32
    %mul3A_2 = arith.muli %mul3A_1, %arg0 : i32
    %add3A = arith.addi %mul3A, %mul3A_2 : i32
    %c0_i32 = arith.constant 0 : i32
    %c0_i32_3 = arith.constant 0 : i32
    return %add3A, %c0_i32 : i32, i32
  }
  func.func @transform_1(%arg0: i32, %arg1: i32) -> (i32, i32, i32) {
    %sub3A = arith.constant 1 : i32
    %sub3A_0 = arith.subi %sub3A, %arg0 : i32
    %mul3A = arith.muli %arg1, %sub3A_0 : i32
    %mul3A_1 = arith.constant 4 : i32
    %mul3A_2 = arith.muli %mul3A_1, %arg0 : i32
    %add3A = arith.addi %mul3A, %mul3A_2 : i32
    %c0_i32 = arith.constant 0 : i32
    %c0_i32_3 = arith.constant 0 : i32
    %c0_i32_4 = arith.constant 0 : i32
    return %c0_i32, %add3A, %c0_i32_3 : i32, i32, i32
  }
  func.func @transform_2(%arg0: i32, %arg1: i32) -> (i32, i32) {
    %sub3A = arith.constant 1 : i32
    %sub3A_0 = arith.subi %sub3A, %arg0 : i32
    %mul3A = arith.muli %arg1, %sub3A_0 : i32
    %mul3A_1 = arith.constant 4 : i32
    %mul3A_2 = arith.muli %mul3A_1, %arg0 : i32
    %add3A = arith.addi %mul3A, %mul3A_2 : i32
    %c0_i32 = arith.constant 0 : i32
    %c0_i32_3 = arith.constant 0 : i32
    return %add3A, %c0_i32 : i32, i32
  }
  func.func @transform_3(%arg0: i32, %arg1: i32) -> (i32, i32) {
    %sub3A = arith.constant 1 : i32
    %sub3A_0 = arith.subi %sub3A, %arg0 : i32
    %mul3A = arith.muli %arg1, %sub3A_0 : i32
    %mul3A_1 = arith.constant 4 : i32
    %mul3A_2 = arith.muli %mul3A_1, %arg0 : i32
    %add3A = arith.addi %mul3A, %mul3A_2 : i32
    %c0_i32 = arith.constant 0 : i32
    %c0_i32_3 = arith.constant 0 : i32
    return %add3A, %c0_i32 : i32, i32
  }
  func.func @transform_4(%arg0: i32, %arg1: i32) -> (i32, i32) {
    %c0_i32 = arith.constant 0 : i32
    %c0_i32_0 = arith.constant 0 : i32
    %c0_i32_1 = arith.constant 0 : i32
    return %c0_i32, %c0_i32_0 : i32, i32
  }
  func.func @transform_5(%arg0: i32, %arg1: i32) -> (i32, i32) {
    %c0_i32 = arith.constant 0 : i32
    %c0_i32_0 = arith.constant 0 : i32
    %c0_i32_1 = arith.constant 0 : i32
    return %c0_i32, %c0_i32_0 : i32, i32
  }
  func.func @transform_6(%arg0: i32, %arg1: i32) -> (i32, i32) {
    %c0_i32 = arith.constant 0 : i32
    %c0_i32_0 = arith.constant 0 : i32
    %c0_i32_1 = arith.constant 0 : i32
    return %c0_i32, %c0_i32_0 : i32, i32
  }
  func.func @transform_7(%arg0: i32, %arg1: i32) -> (i32, i32) {
    %c0_i32 = arith.constant 0 : i32
    %c0_i32_0 = arith.constant 0 : i32
    %c0_i32_1 = arith.constant 0 : i32
    return %c0_i32, %c0_i32_0 : i32, i32
  }
  func.func @transform_8(%arg0: i32, %arg1: i32) -> (i32, i32) {
    %c0_i32 = arith.constant 0 : i32
    %c0_i32_0 = arith.constant 0 : i32
    %c0_i32_1 = arith.constant 0 : i32
    return %c0_i32, %c0_i32_0 : i32, i32
  }
  func.func @transform_9(%arg0: i32, %arg1: i32) -> (i32, i32) {
    %c0_i32 = arith.constant 0 : i32
    %c0_i32_0 = arith.constant 0 : i32
    %c0_i32_1 = arith.constant 0 : i32
    return %c0_i32, %c0_i32_0 : i32, i32
  }
  func.func @transform_10(%arg0: i32, %arg1: i32) -> (i32, i32) {
    %c0_i32 = arith.constant 0 : i32
    %c0_i32_0 = arith.constant 0 : i32
    %c0_i32_1 = arith.constant 0 : i32
    return %c0_i32, %c0_i32_0 : i32, i32
  }
  func.func @transform_11(%arg0: i32, %arg1: i32) -> (i32, i32) {
    %c0_i32 = arith.constant 0 : i32
    %c0_i32_0 = arith.constant 0 : i32
    %c0_i32_1 = arith.constant 0 : i32
    return %c0_i32, %c0_i32_0 : i32, i32
  }
  func.func @transform_12(%arg0: i32, %arg1: i32) -> (i32, i32) {
    %c0_i32 = arith.constant 0 : i32
    %c0_i32_0 = arith.constant 0 : i32
    %c0_i32_1 = arith.constant 0 : i32
    return %c0_i32, %c0_i32_0 : i32, i32
  }
  func.func @transform_13(%arg0: i32, %arg1: i32) -> (i32, i32) {
    %sub3A = arith.constant 1 : i32
    %sub3A_0 = arith.subi %sub3A, %arg0 : i32
    %mul3A = arith.muli %arg1, %sub3A_0 : i32
    %mul3A_1 = arith.constant 4 : i32
    %mul3A_2 = arith.muli %mul3A_1, %arg0 : i32
    %add3A = arith.addi %mul3A, %mul3A_2 : i32
    %c0_i32 = arith.constant 0 : i32
    %c0_i32_3 = arith.constant 0 : i32
    return %add3A, %c0_i32 : i32, i32
  }
  func.func @transform_14(%arg0: i32, %arg1: i32) -> (i32, i32) {
    %mul3A = arith.muli %arg1, %arg0 : i32
    %c0_i32 = arith.constant 0 : i32
    %c0_i32_0 = arith.constant 0 : i32
    return %mul3A, %c0_i32 : i32, i32
  }
}

module attributes {stable_mosaic.version = 14 : i64} {
  func.func @_tc_fin_body(%arg0: i32, %arg1: memref<2000x128xf32, #tpu.memory_space<vmem>>, %arg2: memref<2x2000x32xf32, #tpu.memory_space<vmem>>, %arg3: memref<2000x1xf32, #tpu.memory_space<vmem>>, %arg4: memref<128x1xf32, #tpu.memory_space<vmem>>, %arg5: memref<32x1xf32, #tpu.memory_space<vmem>>, %arg6: memref<1x1xf32, #tpu.memory_space<vmem>>, %arg7: memref<128x1xf32, #tpu.memory_space<vmem>>, %arg8: memref<1x1xf32, #tpu.memory_space<vmem>>, %arg9: memref<2000x1xf32, #tpu.memory_space<vmem>>) attributes {dimension_semantics = [#tpu.dimension_semantics<arbitrary>], iteration_bounds = array<i64: 5>, scalar_prefetch = 0 : i64, scratch_operands = 0 : i64, tpu.core_type = #tpu.core_type<tc>, window_params = [{transform_indices = @transform_0, window_bounds = array<i64: 2000, 128>}, {transform_indices = @transform_1, window_bounds = array<i64: 2, 2000, 32>}, {transform_indices = @transform_2, window_bounds = array<i64: 2000, 1>}, {pipeline_mode = #tpu.pipeline_mode<synchronous>, transform_indices = @transform_3, window_bounds = array<i64: 128, 1>}, {pipeline_mode = #tpu.pipeline_mode<synchronous>, transform_indices = @transform_4, window_bounds = array<i64: 32, 1>}, {pipeline_mode = #tpu.pipeline_mode<synchronous>, transform_indices = @transform_5, window_bounds = array<i64: 1, 1>}, {pipeline_mode = #tpu.pipeline_mode<synchronous>, transform_indices = @transform_6, window_bounds = array<i64: 128, 1>}, {pipeline_mode = #tpu.pipeline_mode<synchronous>, transform_indices = @transform_7, window_bounds = array<i64: 1, 1>}, {transform_indices = @transform_8, window_bounds = array<i64: 2000, 1>}]} {
    %get3A = arith.constant 0 : index
    %get3A_0 = arith.constant 0 : index
    %get3A_1 = arith.constant 0 : index
    %get3A_2 = vector.load %arg2[%get3A, %get3A_0, %get3A_1] : memref<2x2000x32xf32, #tpu.memory_space<vmem>>, vector<1x2000x32xf32>
    %get3A_3 = vector.shape_cast %get3A_2 : vector<1x2000x32xf32> to vector<2000x32xf32>
    %get3A_4 = arith.constant 1 : index
    %get3A_5 = arith.constant 0 : index
    %get3A_6 = arith.constant 0 : index
    %get3A_7 = vector.load %arg2[%get3A_4, %get3A_5, %get3A_6] : memref<2x2000x32xf32, #tpu.memory_space<vmem>>, vector<1x2000x32xf32>
    %get3A_8 = vector.shape_cast %get3A_7 : vector<1x2000x32xf32> to vector<2000x32xf32>
    %add3A = arith.addf %get3A_3, %get3A_8 : vector<2000x32xf32>
    %get3A_9 = arith.constant 0 : index
    %get3A_10 = arith.constant 0 : index
    %get3A_11 = vector.load %arg1[%get3A_9, %get3A_10] : memref<2000x128xf32, #tpu.memory_space<vmem>>, vector<2000x128xf32>
    %get3A_12 = arith.constant 0 : index
    %get3A_13 = arith.constant 0 : index
    %get3A_14 = vector.load %arg3[%get3A_12, %get3A_13] : memref<2000x1xf32, #tpu.memory_space<vmem>>, vector<2000x1xf32>
    %get3A_15 = arith.constant 0 : index
    %get3A_16 = arith.constant 0 : index
    %get3A_17 = vector.load %arg4[%get3A_15, %get3A_16] : memref<128x1xf32, #tpu.memory_space<vmem>>, vector<128x1xf32>
    %get3A_18 = arith.constant 0 : index
    %get3A_19 = arith.constant 0 : index
    %get3A_20 = vector.load %arg5[%get3A_18, %get3A_19] : memref<32x1xf32, #tpu.memory_space<vmem>>, vector<32x1xf32>
    %get3A_21 = arith.constant 0 : index
    %get3A_22 = arith.constant 0 : index
    %get3A_23 = vector.load %arg6[%get3A_21, %get3A_22] : memref<1x1xf32, #tpu.memory_space<vmem>>, vector<1x1xf32>
    %get3A_24 = arith.constant 0 : index
    %get3A_25 = arith.constant 0 : index
    %get3A_26 = vector.load %arg7[%get3A_24, %get3A_25] : memref<128x1xf32, #tpu.memory_space<vmem>>, vector<128x1xf32>
    %get3A_27 = arith.constant 0 : index
    %get3A_28 = arith.constant 0 : index
    %get3A_29 = vector.load %arg8[%get3A_27, %get3A_28] : memref<1x1xf32, #tpu.memory_space<vmem>>, vector<1x1xf32>
    %max3A = arith.constant 1.000000e+00 : f32
    %max3A_30 = vector.broadcast %max3A : f32 to vector<2000x1xf32>
    %max3A_31 = arith.maximumf %get3A_14, %max3A_30 : vector<2000x1xf32>
    %div3A = vector.broadcast %max3A_31 : vector<2000x1xf32> to vector<2000x32xf32>
    %div3A_32 = arith.divf %add3A, %div3A : vector<2000x32xf32>
    %dot_general3A = arith.constant dense<0.000000e+00> : vector<2000x1xf32>
    %dot_general3A_33 = tpu.matmul %get3A_11, %get3A_17, %dot_general3A {dimension_numbers = #tpu.dot_dimension_numbers<[1], [0], [0], [1], [0, 0, 1, 1], [], []>, transpose_lhs_hint = false} : vector<2000x128xf32>, vector<128x1xf32>, vector<2000x1xf32> -> vector<2000x1xf32>
    %dot_general3A_34 = arith.constant dense<0.000000e+00> : vector<2000x1xf32>
    %dot_general3A_35 = tpu.matmul %div3A_32, %get3A_20, %dot_general3A_34 {dimension_numbers = #tpu.dot_dimension_numbers<[1], [0], [0], [1], [0, 0, 1, 1], [], []>, transpose_lhs_hint = false} : vector<2000x32xf32>, vector<32x1xf32>, vector<2000x1xf32> -> vector<2000x1xf32>
    %add3A_36 = arith.addf %dot_general3A_33, %dot_general3A_35 : vector<2000x1xf32>
    %add3A_37 = vector.broadcast %get3A_23 : vector<1x1xf32> to vector<2000x1xf32>
    %add3A_38 = arith.addf %add3A_36, %add3A_37 : vector<2000x1xf32>
    %dot_general3A_39 = arith.constant dense<0.000000e+00> : vector<2000x1xf32>
    %dot_general3A_40 = tpu.matmul %get3A_11, %get3A_26, %dot_general3A_39 {dimension_numbers = #tpu.dot_dimension_numbers<[1], [0], [0], [1], [0, 0, 1, 1], [], []>, transpose_lhs_hint = false} : vector<2000x128xf32>, vector<128x1xf32>, vector<2000x1xf32> -> vector<2000x1xf32>
    %add3A_41 = vector.broadcast %get3A_29 : vector<1x1xf32> to vector<2000x1xf32>
    %add3A_42 = arith.addf %dot_general3A_40, %add3A_41 : vector<2000x1xf32>
    %add3A_43 = arith.addf %add3A_42, %add3A_38 : vector<2000x1xf32>
    %swap3A = arith.constant 0 : index
    %swap3A_44 = arith.constant 0 : index
    %swap3A_45 = vector.load %arg9[%swap3A, %swap3A_44] : memref<2000x1xf32, #tpu.memory_space<vmem>>, vector<2000x1xf32>
    tpu.vector_store %arg9[%swap3A, %swap3A_44], %add3A_43 {strides = array<i32>} : memref<2000x1xf32, #tpu.memory_space<vmem>>, vector<2000x1xf32>,
    return
  }
  func.func @transform_0(%arg0: i32) -> (i32, i32) {
    %c0_i32 = arith.constant 0 : i32
    %c0_i32_0 = arith.constant 0 : i32
    return %arg0, %c0_i32 : i32, i32
  }
  func.func @transform_1(%arg0: i32) -> (i32, i32, i32) {
    %c0_i32 = arith.constant 0 : i32
    %c0_i32_0 = arith.constant 0 : i32
    %c0_i32_1 = arith.constant 0 : i32
    return %c0_i32, %arg0, %c0_i32_0 : i32, i32, i32
  }
  func.func @transform_2(%arg0: i32) -> (i32, i32) {
    %c0_i32 = arith.constant 0 : i32
    %c0_i32_0 = arith.constant 0 : i32
    return %arg0, %c0_i32 : i32, i32
  }
  func.func @transform_3(%arg0: i32) -> (i32, i32) {
    %c0_i32 = arith.constant 0 : i32
    %c0_i32_0 = arith.constant 0 : i32
    %c0_i32_1 = arith.constant 0 : i32
    return %c0_i32, %c0_i32_0 : i32, i32
  }
  func.func @transform_4(%arg0: i32) -> (i32, i32) {
    %c0_i32 = arith.constant 0 : i32
    %c0_i32_0 = arith.constant 0 : i32
    %c0_i32_1 = arith.constant 0 : i32
    return %c0_i32, %c0_i32_0 : i32, i32
  }
  func.func @transform_5(%arg0: i32) -> (i32, i32) {
    %c0_i32 = arith.constant 0 : i32
    %c0_i32_0 = arith.constant 0 : i32
    %c0_i32_1 = arith.constant 0 : i32
    return %c0_i32, %c0_i32_0 : i32, i32
  }
  func.func @transform_6(%arg0: i32) -> (i32, i32) {
    %c0_i32 = arith.constant 0 : i32
    %c0_i32_0 = arith.constant 0 : i32
    %c0_i32_1 = arith.constant 0 : i32
    return %c0_i32, %c0_i32_0 : i32, i32
  }
  func.func @transform_7(%arg0: i32) -> (i32, i32) {
    %c0_i32 = arith.constant 0 : i32
    %c0_i32_0 = arith.constant 0 : i32
    %c0_i32_1 = arith.constant 0 : i32
    return %c0_i32, %c0_i32_0 : i32, i32
  }
  func.func @transform_8(%arg0: i32) -> (i32, i32) {
    %c0_i32 = arith.constant 0 : i32
    %c0_i32_0 = arith.constant 0 : i32
    return %arg0, %c0_i32 : i32, i32
  }
}

</mosaic_0001>

<sc_bundles>
// kernel: kernel.10.cloned.1.call-start
scs
__scs_entry_jumppad:
0x0: {  	(pc) =	sbr.rel $0x88, $3  }
0x1: {  	(tag) =	ssettag $0x0;
	lr =	simm.s32 $0x1  }
0x2: {  	[smem:$0x3F87] =	sst lr;
	_ =	strace $0xD0000000  }
0x3: {  	_ = 	snop  }
0x4: {  	_ = 	snop  }
0x5: {  	_ = 	snop  }
0x6: {  	_ = 	snop  }
0x7: {  	_ = 	snop  }
__scs_overlays_trampoline_lowered:
0x8: {  	[smem:$0x3F96] =	sst s0  }
0x9: {  	[smem:$0x3F97] =	sst s1  }
0xa: {  	[smem:$0x3F98] =	sst s2  }
0xb: {  	[smem:$0x3F99] =	sst s3  }
0xc: {  	[smem:$0x3F9A] =	sst s4  }
0xd: {  	[smem:$0x3F9B] =	sst s5  }
0xe: {  	[smem:$0x3F9C] =	sst s6  }
0xf: {  	[smem:$0x3F9D] =	sst s7  }
0x10: {  	[smem:$0x3F9E] =	sst s8  }
0x11: {  	[smem:$0x3F9F] =	sst s9;
	s0 =	simm.s32 @!p0 $0x0  }
0x12: {  	s1 =	sld [smem:$0x3F85];
	s0 =	simm.s32 @p0 $0x1  }
0x13: {  	[smem:$0x3FA0] =	sst s0;
	s0 =	simm.s32 @!p1 $0x0  }
0x14: {  	s2 =	sld [smem:$0x3F84];
	s0 =	simm.s32 @p1 $0x1  }
0x15: {  	[smem:$0x3FA1] =	sst s0;
	s0 =	simm.s32 @!p2 $0x0  }
0x16: {  	s3 =	sld [smem:$0x3FDB];
	s0 =	simm.s32 @p2 $0x1  }
0x17: {  	s4 =	simm.s32 $0x1BF5;
	[smem:$0x3FA3] =	sst s0  }
0x18: {  	s0 =	sld [smem:$0x3F86];
	_ =	swait.ge [sflag:s4], $0x0  }
0x19: {  	s7 =	sld [smem:$0x3F87]  }
0x1a: {  	s8 =	sadd.s32 $0xFFFFE003, lr  }
0x1b: {  	s9 =	sadd.s32 $0xFFFFFEF7, lr;
	s5 =	simm.s32 $0xFFFFFFFF;
	p2 =	slt.u32 s8, $0xFFFFF086  }
0x1c: {  	p1 =	slt.u32 s9, $0xF7A;
	s5 =	simm.s32 @!p2 $0x0  }
0x1d: {  	s5 =	simm.s32 @p1 $0x1;
	p0 =	seq.s32 s7, s2  }
0x1e: {  	s7 =	smul.u32 @!p0 $0xF7A, s2;
	p2 =	seq.s32 @!p0 s5, $0x0  }
0x1f: {  	s9 =	smul.u32 $0xF7A, s1;
	s8 =	simm.s32 @!p0 $0x1BF5;
	p2 =	por !p2, p0  }
0x20: {  	[sflag:s8] =	ssyncset.s32 @!p0 $0xFFFFF086;
	s6 =	sadd.s32 @!p0 s3, s7;
	s7 =	simm.s32 @!p0 $0x108  }
0x21: {  	s3 =	sadd.s32 s3, s9;
	s6 =	sadd.s32 @!p0 $0x88, s6;
	s7 =	simm.s32 @p2 $0x1082  }
0x22: {  	[simem:s7], [sflag:s8] =	dma.local @!p0 [hbm:s6], $0xF7A  }
0x23: {  	s9 =	sor.u32 $0xD0000000, s2;
	s6 =	simm.s32 $0x108;
	_ =	swait.ge @!p0 [sflag:s8], $0x0  }
0x24: {  	s3 =	sadd.s32 $0x88, s3;
	s6 =	simm.s32 @!p1 $0x1082;
	[sflag:s4] =	ssyncset.s32 $0xFFFFF086  }
0x25: {  	[simem:s6], [sflag:s4] =	dma.local [hbm:s3], $0xF7A  }
0x26: {  	[smem:$0x3F87] =	sst s1;
	(tag) =	ssettag s2;
	_ =	strace s9  }
0x27: {  	s1 =	sld [smem:$0x3F97]  }
0x28: {  	s2 =	sld [smem:$0x3F98]  }
0x29: {  	s4 =	sld [smem:$0x3F9A]  }
0x2a: {  	p0 =	seq.s32 s5, $0x0;
	s5 =	sld [smem:$0x3F9B]  }
0x2b: {  	s6 =	sld [smem:$0x3F9C]  }
0x2c: {  	s7 =	sld [smem:$0x3F9D]  }
0x2d: {  	s3 =	simm.s32 $0x108;
	s8 =	sld [smem:$0x3F9E]  }
0x2e: {  	s3 =	simm.s32 @!p0 $0x1082;
	s9 =	sld [smem:$0x3F9F]  }
0x2f: {  	lr =	sadd.s32 s0, s3;
	s0 =	sld [smem:$0x3F96]  }
0x30: {  	s3 =	sld [smem:$0x3F99]  }
0x31: {  	[smem:$0x3FA2] =	sst s10  }
0x32: {  	s10 =	sld [smem:$0x3FA0];
	_ =	sdelay $0x3  }
0x33: {  	p0 =	seq.s32 s10, $0x1;
	s10 =	sld [smem:$0x3FA2];
	_ =	sdelay $0x3  }
0x34: {  	[smem:$0x3FA2] =	sst s10  }
0x35: {  	s10 =	sld [smem:$0x3FA1];
	_ =	sdelay $0x3  }
0x36: {  	p1 =	seq.s32 s10, $0x1;
	s10 =	sld [smem:$0x3FA2];
	_ =	sdelay $0x3  }
0x37: {  	[smem:$0x3FA2] =	sst s10  }
0x38: {  	s10 =	sld [smem:$0x3FA3]  }
0x39: {  	_ = 	snop;
	(pc) =	sbr.ind lr, $3  }
0x3a: {  	_ = 	snop  }
0x3b: {  	_ = 	snop  }
0x3c: {  	p2 =	seq.s32 s10, $0x1;
	s10 =	sld [smem:$0x3FA2]  }
0x3d: {  	_ =	shalt  }
0x3e: {  	_ =	shalt  }
0x3f: {  	_ =	shalt  }
0x40: {  	_ =	shalt  }
0x41: {  	_ =	shalt  }
0x42: {  	_ =	shalt  }
0x43: {  	_ =	shalt  }
0x44: {  	_ =	shalt  }
0x45: {  	_ =	shalt  }
0x46: {  	_ =	shalt  }
0x47: {  	_ =	shalt  }
0x48: {  	_ =	shalt  }
0x49: {  	_ =	shalt  }
0x4a: {  	_ =	shalt  }
0x4b: {  	_ =	shalt  }
0x4c: {  	_ =	shalt  }
0x4d: {  	_ =	shalt  }
0x4e: {  	_ =	shalt  }
0x4f: {  	_ =	shalt  }
0x50: {  	_ =	shalt  }
0x51: {  	_ =	shalt  }
0x52: {  	_ =	shalt  }
0x53: {  	_ =	shalt  }
0x54: {  	_ =	shalt  }
0x55: {  	_ =	shalt  }
0x56: {  	_ =	shalt  }
0x57: {  	_ =	shalt  }
0x58: {  	_ =	shalt  }
0x59: {  	_ =	shalt  }
0x5a: {  	_ =	shalt  }
0x5b: {  	_ =	shalt  }
0x5c: {  	_ =	shalt  }
0x5d: {  	_ =	shalt  }
0x5e: {  	_ =	shalt  }
0x5f: {  	_ =	shalt  }
0x60: {  	_ =	shalt  }
0x61: {  	_ =	shalt  }
0x62: {  	_ =	shalt  }
0x63: {  	_ =	shalt  }
0x64: {  	_ =	shalt  }
0x65: {  	_ =	shalt  }
0x66: {  	_ =	shalt  }
0x67: {  	_ =	shalt  }
0x68: {  	_ =	shalt  }
0x69: {  	_ =	shalt  }
0x6a: {  	_ =	shalt  }
0x6b: {  	_ =	shalt  }
0x6c: {  	_ =	shalt  }
0x6d: {  	_ =	shalt  }
0x6e: {  	_ =	shalt  }
0x6f: {  	_ =	shalt  }
0x70: {  	_ =	shalt  }
0x71: {  	_ =	shalt  }
0x72: {  	_ =	shalt  }
0x73: {  	_ =	shalt  }
0x74: {  	_ =	shalt  }
0x75: {  	_ =	shalt  }
0x76: {  	_ =	shalt  }
0x77: {  	_ =	shalt  }
0x78: {  	_ =	shalt  }
0x79: {  	_ =	shalt  }
0x7a: {  	_ =	shalt  }
0x7b: {  	_ =	shalt  }
0x7c: {  	_ =	shalt  }
0x7d: {  	_ =	shalt  }
0x7e: {  	_ =	shalt  }
0x7f: {  	_ =	shalt  }
0x80: {  	_ =	shalt  }
0x81: {  	_ =	shalt  }
0x82: {  	_ =	shalt  }
0x83: {  	_ =	shalt  }
0x84: {  	_ =	shalt  }
0x85: {  	_ =	shalt  }
0x86: {  	_ =	shalt  }
0x87: {  	_ =	shalt  }
.Lfunc_end0:
.L_simem_size_0:
called_computation_lowered:
.L_overlay_start_0:
0x88: {  	s2 =	sld [smem:$0x3FD9]  }
0x89: {  	s3 =	sld [smem:$0x3FFE];
	_ =	sdelay $0x1  }
0x8a: {  	s1 =	srdreg.scid  }
0x8b: {  	s0 =	sand.u32 $0x1, s1  }
0x8c: {  	s17 =	sshll.u32 s0, $0xA;
	s2 =	sadd.s32 s3, s2  }
0x8d: {  	s2 =	sadd.s32 s2, s17  }
0x8e: {  	[smem:$0x3FAE] =	sst s2  }
0x8f: {  	_ = 	snop  }
0x90: {  	s2 =	sld [smem:$0x3FD0];
	(tm) =	ssettm $0x1  }
0x91: {  	s18 =	sld [smem:$0x3FFB];
	_ =	sdelay $0x3  }
0x92: {  	_ =	strace s18  }
0x93: {  	s3 =	sld [smem:$0x3FFC];
	_ =	sdelay $0x3  }
0x94: {  	_ =	strace s3  }
0x95: {  	s3 =	sld [smem:$0x3FFD];
	_ =	sdelay $0x3  }
0x96: {  	_ =	strace s3  }
0x97: {  	_ =	strace $0x8FFFFFFF  }
0x98: {  	s19 =	sld [smem:$0x3FDB];
	_ =	sdelay $0x1  }
0x99: {  	s4 =	simm.s32 $_scs_section_size  }
0x9a: {  	s5 =	simm.s32 $_size__tile_overlayer_lowered;
	s6 =	simm.s32 $_tile_overlayer_lowered  }
0x9b: {  	s22 =	simm.s32 $0x1BFF;
	s21 =	sshll.u32 s6, $0x1;
	s3 =	sadd.s32 s4, s19  }
0x9c: {  	s7 =	simm.s32 $0x0;
	s20 =	sshll.u32 s5, $0x1;
	s5 =	sadd.s32 s21, s3  }
0x9d: {  	[timem:s7], [sflag:s22] =	dma.local [hbm:s5], s20  }
0x9e: {  	_ =	swait.ge [sflag:s22], s20  }
0x9f: {  	s4 =	ssub.s32 $0x0, s20;
	[sflag:s22] =	ssyncset.done $0x0  }
0xa0: {  	[sflag:s22] =	ssyncadd.s32 s4;
	_ =	sdelay $0x1  }
0xa1: {  	s23 =	simm.s32 $0x1B8B  }
0xa2: {  	_ =	swait.ge [sflag:s23], $0x1  }
0xa3: {  	[sflag:s23] =	ssyncset.done $0x0  }
0xa4: {  	s25 =	simm.s32 $0x1B8E;
	s24 =	sld [smem:$0x3FFE];
	[sflag:s23] =	ssyncadd.s32 $0xFFFFFFFF  }
0xa5: {  	s26 =	simm.s32 $execute0_lowered;
	[smem:$0x3FD2] =	sst s25  }
0xa6: {  	s5 =	sshll.u32 s26, $0x1;
	_ =	strace $0x80000046;
	[dreg:$0x1] =	wrdreg $0xFFFFFFFF  }
0xa7: {  	s28 =	simm.s32 $_size_execute0_lowered;
	s3 =	sadd.s32 s3, s5;
	[dreg:$0x0] =	wrdreg $0x0  }
0xa8: {  	s5 =	sshll.u32 s28, $0x1;
	[dreg:$0x2] =	wrdreg s3  }
0xa9: {  	[dreg:$0x3] =	wrdreg s5  }
0xaa: {  	[dreg:$0x4] =	wrdreg $0xC0  }
0xab: {  	_ =	task [dreg:s7], $0x5FFFF  }
0xac: {  	[dreg:$0x1] =	wrdreg $0xFFFFFFFF  }
0xad: {  	[dreg:$0x0] =	wrdreg $0x60  }
0xae: {  	[dreg:$0x2] =	wrdreg s2  }
0xaf: {  	[dreg:$0x3] =	wrdreg s24  }
0xb0: {  	[dreg:$0x4] =	wrdreg $0x54000  }
0xb1: {  	[dreg:$0x5] =	wrdreg $0x67900  }
0xb2: {  	[dreg:$0x6] =	wrdreg $0x9  }
0xb3: {  	_ =	task.clear_ibuf [dreg:s7], $0x7FFFF;
	_ =	strace $0x90000046  }
0xb4: {  	s29 =	simm.s32 $0x9;
	_ =	strace $0x80000048  }
0xb5: {  	_ =	swait.ge [sflag:s29], $0x1  }
0xb6: {  	[sflag:s29] =	ssyncadd.s32 $0xFFFFFFFF  }
0xb7: {  	_ =	strace $0x90000048  }
0xb8: {  	_ =	sfence  }
0xb9: {  	s30 =	sld [smem:$0x0];
	_ =	sdelay $0x2  }
0xba: {  	s31 =	sshll.u32 s1, $0xD;
	s1 =	sshrl.u32 s1, $0x2  }
0xbb: {  	s3 =	sand.u32 $0x4000, s31;
	s1 =	sadd.s32 s1, s30  }
0xbc: {  	s0 =	sor.u32 s3, s0;
	s1 =	sshll.u32 s1, $0x11  }
0xbd: {  	s0 =	sor.u32 s1, s0  }
0xbe: {  	s0 =	sadd.s32 $0x8F2B, s0  }
0xbf: {  	[sflag:s0] =	ssyncadd.remote.s32 $0x1  }
0xc0: {  	_ =	sfence.sel $0xFFFF  }
0xc1: {  	[dreg:$0x0] =	wrdreg $0xFFFFFFFF;
	(pc) =	sbr.abs _section_cstart, $3  }
0xc2: {  	[dreg:$0x1] =	wrdreg $0xFFFFFFFF  }
0xc3: {  	_ =	task.clear_ibuf [dreg:s7], $0x2FFFF;
	_ =	strace $0x9FFFFFFF  }
0xc4: {  	(tm) =	ssettm $0x7FFFFFFF  }
0xc5: {  	_ =	shalt  }
tec
execute0_lowered:
.L_overlay_start_1:
0x0: {  	(tag) =	ssettag $0x1  }
0x1: {  	s1 =	rddreg [dreg:$0x0]  }
0x2: {  	s6 =	rddreg [dreg:$0x1]  }
0x3: {  	s2 =	srdreg.scid;
	s3 =	rddreg [dreg:$0x2]  }
0x4: {  	s0 =	stileid.u32;
	s4 =	rddreg [dreg:$0x3];
	s5 =	simm.s32 $0x0  }
0x5: {  	s16 =	simm.s32 $0x2800;
	s17 =	simm.s32 $0x5000;
	s18 =	simm.s32 $0x80  }
0x6: {  	s19 =	simm.s32 $0x1;
	s20 =	simm.s32 $0x0;
	s7 =	sand.u32 $0x1, s2  }
0x7: {  	s28 =	sshll.u32 s0, $0x1;
	s9 =	smul.u32 $0x1390, s0;
	[smem:$0x7FF] =	sst s5  }
0x8: {  	s31 =	sshll.u32 s0, $0x6;
	s2 =	sor.u32 s7, s28;
	s10 =	smul.u32 $0x27200, s7  }
0x9: {  	s7 =	ssub.s32 $0x2, s7;
	s8 =	smul.u32 $0x500, s2;
	s2 =	rddreg [dreg:$0x4]  }
0xa: {  	_ =	strace $0x80000047;
	s30 =	sshrl.u32 s9, $0x3;
	s12 =	sshrl.u32 s7, $0x1  }
0xb: {  	s14 =	sadd.s32 s9, s3;
	s15 =	sadd.s32 s9, s4;
	s29 =	sadd.s32 s9, s10  }
0xc: {  	s10 =	sadd.s32 s30, s6;
	s12 =	ssub.s32 s7, s12;
	s7 =	sor.u32 $0x1C02, s31  }
0xd: {  	s15 =	sshrl.u32 s15, $0x3;
	s11 =	sadd.s32 s8, s6;
	s8 =	sshrl.u32 s29, $0x3  }
0xe: {  	s12 =	smax.u32 s12, $0x1;
	s13 =	sadd.s32 s8, s6;
	s6 =	sadd.s32 $0x18C00, s10  }
0xf: {  	s8 =	sadd.s32 $0xEC00, s11;
	s9 =	sadd.s32 $0x4C00, s11;
	s10 =	sadd.s32 $0x1B400, s13  }
0x10: {  	s11 =	sadd.s32 $0x1DB20, s13;
	s13 =	sshrl.u32 s14, $0x3;
	s14 =	simm.s32 $0x2  }
.LBB2_1:
0x11: {  	[spmem:s13], [sflag:s7] =	dma.local [hbm:s6], $0x272  }
0x12: {  	_ =	swait.ge [sflag:s14], $0x272  }
0x13: {  	[sflag:s14] =	ssyncset.done $0x0  }
0x14: {  	[sflag:s14] =	ssyncadd.s32 $0xFFFFFD8E  }
0x15: {  	[spmem:s15], [sflag:s7] =	dma.local [hbm:s6], $0x272  }
0x16: {  	_ =	swait.ge [sflag:s14], $0x272  }
0x17: {  	[sflag:s14] =	ssyncset.done $0x0  }
0x18: {  	[sflag:s14] =	ssyncadd.s32 $0xFFFFFD8E  }
0x19: {  	[tilespmem:s5], [sflag:$0x2] =	stream.linear.gather [hbm4b:s8+s5], $0x2800, $0x38;
	[tilespmem:$0x7B20] =	vst v63  }
0x1a: {  	_ =	swait.ge [sflag:s14], $0x2800  }
0x1b: {  	[sflag:s14] =	ssyncset.done $0x0  }
0x1c: {  	[sflag:s14] =	ssyncadd.s32 $0xFFFFD800  }
0x1d: {  	[tilespmem:s16], [sflag:$0x2] =	stream.linear.gather [hbm4b:s9+s5], $0x2800, $0x38;
	[tilespmem:$0x7B20] =	vst v63  }
0x1e: {  	_ =	swait.ge [sflag:s14], $0x2800  }
0x1f: {  	[sflag:s14] =	ssyncset.done $0x0  }
0x20: {  	[sflag:s14] =	ssyncadd.s32 $0xFFFFD800  }
0x21: {  	[tilespmem:s17], [sflag:$0x2] =	stream.linear.gather [hbm4b:s1+s5], $0x400, $0x38;
	[tilespmem:$0x7B20] =	vst v63  }
0x22: {  	_ =	swait.ge [sflag:s14], $0x400  }
0x23: {  	[sflag:s14] =	ssyncset.done $0x0  }
0x24: {  	[sflag:s14] =	ssyncadd.s32 $0xFFFFFC00  }
0x25: {  	s21 =	simm.s32 $0x2800;
	[bflag:$0x0] =	sbarrier.arrive $0xFFFF  }
0x26: {  	[spmem:s3] =	stream.indirect.scatter.add.f32 [tilespmem:s17], [sflag:$0x1], $0x8, s21, s18, $0xb8;
	[tilespmem:$0x7B20] =	vst v63  }
0x27: {  	s31 =	simm.s32 $0x0  }
0x28: {  	[spmem:s4] =	stream.indirect.scatter.add.f32 [tilespmem:s17], [sflag:$0x1], $0x8, s31, s18, $0xb8;
	[tilespmem:$0x7B20] =	vst v63  }
0x29: {  	_ =	swait.ge [sflag:s19], $0x400  }
0x2a: {  	[sflag:s19] =	ssyncset.done $0x0  }
0x2b: {  	[sflag:s19] =	ssyncadd.s32 $0xFFFFFC00  }
0x2c: {  	_ =	swait.ge [sflag:s19], $0x400  }
0x2d: {  	s22 =	simm.s32 $0x400;
	s21 =	simm.s32 $0x80;
	[sflag:s19] =	ssyncset.done $0x0  }
.LBB2_2:
0x2e: {  	s23 =	sadd.s32 $0x2800, s21  }
0x2f: {  	[sflag:s19] =	ssyncadd.s32 $0xFFFFFC00;
	s24 =	smov.u32 s22;
	s25 =	sadd.s32 $0x200, s22  }
0x30: {  	[spmem:s3] =	stream.indirect.scatter.add.f32 [tilespmem:s17], [sflag:$0x1], $0x8, s23, s18, $0xb8;
	[tilespmem:$0x7B20] =	vst v63  }
0x31: {  	p0 =	sne.s32 s22, $0x9E00  }
0x32: {  	[spmem:s4] =	stream.indirect.scatter.add.f32 [tilespmem:s17], [sflag:$0x1], $0x8, s21, s18, $0xb8;
	[tilespmem:$0x7B20] =	vst v63  }
.Ltmp0:
0x33: {  	_ =	swait.ge [sflag:s19], $0x400;
	(pc) =	sbr.rel @p0 .LBB2_2-.Ltmp0, $4  }
0x34: {  	[sflag:s19] =	ssyncset.done $0x0  }
0x35: {  	[sflag:s19] =	ssyncadd.s32 $0xFFFFFC00  }
0x36: {  	_ =	swait.ge [sflag:s19], $0x400  }
0x37: {  	s22 =	smov.u32 s25;
	s21 =	sshra.s32 s24, $0x2;
	[sflag:s19] =	ssyncset.done $0x0  }
0x38: {  	s22 =	sadd.s32 $0x2800, s21;
	[sflag:s19] =	ssyncadd.s32 $0xFFFFFC00  }
0x39: {  	[spmem:s3] =	stream.indirect.scatter.add.f32 [tilespmem:s17], [sflag:$0x1], $0x8, s22, s18, $0xb8;
	[tilespmem:$0x7B20] =	vst v63  }
0x3a: {  	_ = 	snop  }
0x3b: {  	[spmem:s4] =	stream.indirect.scatter.add.f32 [tilespmem:s17], [sflag:$0x1], $0x8, s21, s18, $0xb8;
	[tilespmem:$0x7B20] =	vst v63  }
0x3c: {  	_ =	swait.ge [sflag:s19], $0x400  }
0x3d: {  	[sflag:s19] =	ssyncset.done $0x0  }
0x3e: {  	[sflag:s19] =	ssyncadd.s32 $0xFFFFFC00  }
0x3f: {  	_ =	swait.ge [sflag:s19], $0x400  }
0x40: {  	[sflag:s19] =	ssyncset.done $0x0  }
0x41: {  	[sflag:s19] =	ssyncadd.s32 $0xFFFFFC00  }
0x42: {  	[bflag:$0x0] =	sbarrier.arrive $0xFFFF  }
0x43: {  	[hbm:s10], [sflag:s7] =	dma.local [spmem:s13], $0x272  }
0x44: {  	s20 =	sadd.s32 $0x1, s20;
	_ =	swait.ge [sflag:s14], $0x272  }
0x45: {  	p0 =	sne.s32 s20, s12;
	[sflag:s14] =	ssyncset.done $0x0  }
.Ltmp1:
0x46: {  	[sflag:s14] =	ssyncadd.s32 $0xFFFFFD8E;
	(pc) =	sbr.rel @p0 .LBB2_1-.Ltmp1, $4  }
0x47: {  	[hbm:s11], [sflag:s7] =	dma.local [spmem:s15], $0x272  }
0x48: {  	_ =	swait.ge [sflag:s14], $0x272  }
0x49: {  	[sflag:s14] =	ssyncset.done $0x0  }
0x4a: {  	[sflag:s14] =	ssyncadd.s32 $0xFFFFFD8E  }
0x4b: {  	_ =	sfence.sel $0x180000  }
0x4c: {  	[bflag:$0x0] =	sbarrier.arrive $0xFFFF  }
0x4d: {  	p0 =	sne.s32 s0, $0x0;
	_ =	strace $0x90000047  }
0x4e: {  	s0 =	sadd.s32 @!p0 $0x100000, s2;
	[bflag:$0x2] =	sbarrier.arrive $0xFFFF  }
0x4f: {  	[sflag:s0] =	ssyncadd.tile.s32 @!p0 $0x1;
	_ =	shalt  }
.Lfunc_end2:
_tile_overlayer_lowered:
.L_overlay_start_2:
0x50: {  	(tag) =	ssettag $0x2  }
0x51: {  	s0 =	rddreg [dreg:$0x0];
	s2 =	stileid.u32  }
0x52: {  	s1 =	rddreg [dreg:$0x1];
	p0 =	sne.s32 s2, $0x0  }
0x53: {  	s3 =	rddreg [dreg:$0x2];
	[bflag:$0x3] =	sbarrier.arrive $0xFFFF;
	s2 =	simm.s32 @!p0 $0x1C02  }
0x54: {  	[timem:s3], [sflag:s2] =	dma.local @!p0 [hbm:s0], s1  }
0x55: {  	s0 =	simm.s32 @!p0 $0x2  }
0x56: {  	_ =	swait.ge @!p0 [sflag:s0], s1  }
0x57: {  	s1 =	ssub.s32 @!p0 $0x0, s1;
	[sflag:s0] =	ssyncset.done @!p0 $0x0  }
0x58: {  	[sflag:s0] =	ssyncadd.s32 @!p0 s1  }
0x59: {  	[bflag:$0x3] =	sbarrier.arrive $0xFFFF  }
0x5a: {  	_ =	shalt  }

// kernel: kernel.13.cloned.1.call-start
scs
__scs_entry_jumppad:
0x0: {  	(pc) =	sbr.rel $0x88, $3  }
0x1: {  	(tag) =	ssettag $0x0;
	lr =	simm.s32 $0x1  }
0x2: {  	[smem:$0x3F87] =	sst lr;
	_ =	strace $0xD0000000  }
0x3: {  	_ = 	snop  }
0x4: {  	_ = 	snop  }
0x5: {  	_ = 	snop  }
0x6: {  	_ = 	snop  }
0x7: {  	_ = 	snop  }
__scs_overlays_trampoline_lowered:
0x8: {  	[smem:$0x3F96] =	sst s0  }
0x9: {  	[smem:$0x3F97] =	sst s1  }
0xa: {  	[smem:$0x3F98] =	sst s2  }
0xb: {  	[smem:$0x3F99] =	sst s3  }
0xc: {  	[smem:$0x3F9A] =	sst s4  }
0xd: {  	[smem:$0x3F9B] =	sst s5  }
0xe: {  	[smem:$0x3F9C] =	sst s6  }
0xf: {  	[smem:$0x3F9D] =	sst s7  }
0x10: {  	[smem:$0x3F9E] =	sst s8  }
0x11: {  	[smem:$0x3F9F] =	sst s9;
	s0 =	simm.s32 @!p0 $0x0  }
0x12: {  	s1 =	sld [smem:$0x3F85];
	s0 =	simm.s32 @p0 $0x1  }
0x13: {  	[smem:$0x3FA0] =	sst s0;
	s0 =	simm.s32 @!p1 $0x0  }
0x14: {  	s2 =	sld [smem:$0x3F84];
	s0 =	simm.s32 @p1 $0x1  }
0x15: {  	[smem:$0x3FA1] =	sst s0;
	s0 =	simm.s32 @!p2 $0x0  }
0x16: {  	s3 =	sld [smem:$0x3FDB];
	s0 =	simm.s32 @p2 $0x1  }
0x17: {  	s4 =	simm.s32 $0x1BF5;
	[smem:$0x3FA3] =	sst s0  }
0x18: {  	s0 =	sld [smem:$0x3F86];
	_ =	swait.ge [sflag:s4], $0x0  }
0x19: {  	s7 =	sld [smem:$0x3F87]  }
0x1a: {  	s8 =	sadd.s32 $0xFFFFE003, lr  }
0x1b: {  	s9 =	sadd.s32 $0xFFFFFEF7, lr;
	s5 =	simm.s32 $0xFFFFFFFF;
	p2 =	slt.u32 s8, $0xFFFFF086  }
0x1c: {  	p1 =	slt.u32 s9, $0xF7A;
	s5 =	simm.s32 @!p2 $0x0  }
0x1d: {  	s5 =	simm.s32 @p1 $0x1;
	p0 =	seq.s32 s7, s2  }
0x1e: {  	s7 =	smul.u32 @!p0 $0xF7A, s2;
	p2 =	seq.s32 @!p0 s5, $0x0  }
0x1f: {  	s9 =	smul.u32 $0xF7A, s1;
	s8 =	simm.s32 @!p0 $0x1BF5;
	p2 =	por !p2, p0  }
0x20: {  	[sflag:s8] =	ssyncset.s32 @!p0 $0xFFFFF086;
	s6 =	sadd.s32 @!p0 s3, s7;
	s7 =	simm.s32 @!p0 $0x108  }
0x21: {  	s3 =	sadd.s32 s3, s9;
	s6 =	sadd.s32 @!p0 $0x88, s6;
	s7 =	simm.s32 @p2 $0x1082  }
0x22: {  	[simem:s7], [sflag:s8] =	dma.local @!p0 [hbm:s6], $0xF7A  }
0x23: {  	s9 =	sor.u32 $0xD0000000, s2;
	s6 =	simm.s32 $0x108;
	_ =	swait.ge @!p0 [sflag:s8], $0x0  }
0x24: {  	s3 =	sadd.s32 $0x88, s3;
	s6 =	simm.s32 @!p1 $0x1082;
	[sflag:s4] =	ssyncset.s32 $0xFFFFF086  }
0x25: {  	[simem:s6], [sflag:s4] =	dma.local [hbm:s3], $0xF7A  }
0x26: {  	[smem:$0x3F87] =	sst s1;
	(tag) =	ssettag s2;
	_ =	strace s9  }
0x27: {  	s1 =	sld [smem:$0x3F97]  }
0x28: {  	s2 =	sld [smem:$0x3F98]  }
0x29: {  	s4 =	sld [smem:$0x3F9A]  }
0x2a: {  	p0 =	seq.s32 s5, $0x0;
	s5 =	sld [smem:$0x3F9B]  }
0x2b: {  	s6 =	sld [smem:$0x3F9C]  }
0x2c: {  	s7 =	sld [smem:$0x3F9D]  }
0x2d: {  	s3 =	simm.s32 $0x108;
	s8 =	sld [smem:$0x3F9E]  }
0x2e: {  	s3 =	simm.s32 @!p0 $0x1082;
	s9 =	sld [smem:$0x3F9F]  }
0x2f: {  	lr =	sadd.s32 s0, s3;
	s0 =	sld [smem:$0x3F96]  }
0x30: {  	s3 =	sld [smem:$0x3F99]  }
0x31: {  	[smem:$0x3FA2] =	sst s10  }
0x32: {  	s10 =	sld [smem:$0x3FA0];
	_ =	sdelay $0x3  }
0x33: {  	p0 =	seq.s32 s10, $0x1;
	s10 =	sld [smem:$0x3FA2];
	_ =	sdelay $0x3  }
0x34: {  	[smem:$0x3FA2] =	sst s10  }
0x35: {  	s10 =	sld [smem:$0x3FA1];
	_ =	sdelay $0x3  }
0x36: {  	p1 =	seq.s32 s10, $0x1;
	s10 =	sld [smem:$0x3FA2];
	_ =	sdelay $0x3  }
0x37: {  	[smem:$0x3FA2] =	sst s10  }
0x38: {  	s10 =	sld [smem:$0x3FA3]  }
0x39: {  	_ = 	snop;
	(pc) =	sbr.ind lr, $3  }
0x3a: {  	_ = 	snop  }
0x3b: {  	_ = 	snop  }
0x3c: {  	p2 =	seq.s32 s10, $0x1;
	s10 =	sld [smem:$0x3FA2]  }
0x3d: {  	_ =	shalt  }
0x3e: {  	_ =	shalt  }
0x3f: {  	_ =	shalt  }
0x40: {  	_ =	shalt  }
0x41: {  	_ =	shalt  }
0x42: {  	_ =	shalt  }
0x43: {  	_ =	shalt  }
0x44: {  	_ =	shalt  }
0x45: {  	_ =	shalt  }
0x46: {  	_ =	shalt  }
0x47: {  	_ =	shalt  }
0x48: {  	_ =	shalt  }
0x49: {  	_ =	shalt  }
0x4a: {  	_ =	shalt  }
0x4b: {  	_ =	shalt  }
0x4c: {  	_ =	shalt  }
0x4d: {  	_ =	shalt  }
0x4e: {  	_ =	shalt  }
0x4f: {  	_ =	shalt  }
0x50: {  	_ =	shalt  }
0x51: {  	_ =	shalt  }
0x52: {  	_ =	shalt  }
0x53: {  	_ =	shalt  }
0x54: {  	_ =	shalt  }
0x55: {  	_ =	shalt  }
0x56: {  	_ =	shalt  }
0x57: {  	_ =	shalt  }
0x58: {  	_ =	shalt  }
0x59: {  	_ =	shalt  }
0x5a: {  	_ =	shalt  }
0x5b: {  	_ =	shalt  }
0x5c: {  	_ =	shalt  }
0x5d: {  	_ =	shalt  }
0x5e: {  	_ =	shalt  }
0x5f: {  	_ =	shalt  }
0x60: {  	_ =	shalt  }
0x61: {  	_ =	shalt  }
0x62: {  	_ =	shalt  }
0x63: {  	_ =	shalt  }
0x64: {  	_ =	shalt  }
0x65: {  	_ =	shalt  }
0x66: {  	_ =	shalt  }
0x67: {  	_ =	shalt  }
0x68: {  	_ =	shalt  }
0x69: {  	_ =	shalt  }
0x6a: {  	_ =	shalt  }
0x6b: {  	_ =	shalt  }
0x6c: {  	_ =	shalt  }
0x6d: {  	_ =	shalt  }
0x6e: {  	_ =	shalt  }
0x6f: {  	_ =	shalt  }
0x70: {  	_ =	shalt  }
0x71: {  	_ =	shalt  }
0x72: {  	_ =	shalt  }
0x73: {  	_ =	shalt  }
0x74: {  	_ =	shalt  }
0x75: {  	_ =	shalt  }
0x76: {  	_ =	shalt  }
0x77: {  	_ =	shalt  }
0x78: {  	_ =	shalt  }
0x79: {  	_ =	shalt  }
0x7a: {  	_ =	shalt  }
0x7b: {  	_ =	shalt  }
0x7c: {  	_ =	shalt  }
0x7d: {  	_ =	shalt  }
0x7e: {  	_ =	shalt  }
0x7f: {  	_ =	shalt  }
0x80: {  	_ =	shalt  }
0x81: {  	_ =	shalt  }
0x82: {  	_ =	shalt  }
0x83: {  	_ =	shalt  }
0x84: {  	_ =	shalt  }
0x85: {  	_ =	shalt  }
0x86: {  	_ =	shalt  }
0x87: {  	_ =	shalt  }
.Lfunc_end0:
.L_simem_size_0:
called_computation.1_lowered:
.L_overlay_start_0:
0x88: {  	s2 =	sld [smem:$0x3FD9]  }
0x89: {  	s3 =	sld [smem:$0x3FFE];
	_ =	sdelay $0x1  }
0x8a: {  	s1 =	srdreg.scid  }
0x8b: {  	s0 =	sand.u32 $0x1, s1  }
0x8c: {  	s16 =	sshll.u32 s0, $0xA;
	s2 =	sadd.s32 s3, s2  }
0x8d: {  	s2 =	sadd.s32 s2, s16  }
0x8e: {  	[smem:$0x3FAE] =	sst s2  }
0x8f: {  	_ = 	snop  }
0x90: {  	(tm) =	ssettm $0x1  }
0x91: {  	s17 =	sld [smem:$0x3FFB];
	_ =	sdelay $0x3  }
0x92: {  	_ =	strace s17  }
0x93: {  	s2 =	sld [smem:$0x3FFC];
	_ =	sdelay $0x3  }
0x94: {  	_ =	strace s2  }
0x95: {  	s2 =	sld [smem:$0x3FFD];
	_ =	sdelay $0x3  }
0x96: {  	_ =	strace s2  }
0x97: {  	_ =	strace $0x8FFFFFFF  }
0x98: {  	s18 =	sld [smem:$0x3FDB];
	_ =	sdelay $0x1  }
0x99: {  	s19 =	simm.s32 $_scs_section_size  }
0x9a: {  	s4 =	simm.s32 $_size__tile_overlayer_lowered;
	s5 =	simm.s32 $_tile_overlayer_lowered  }
0x9b: {  	s22 =	simm.s32 $0x1BFF;
	s21 =	sshll.u32 s5, $0x1;
	s2 =	sadd.s32 s19, s18  }
0x9c: {  	s6 =	simm.s32 $0x0;
	s20 =	sshll.u32 s4, $0x1;
	s4 =	sadd.s32 s21, s2  }
0x9d: {  	[timem:s6], [sflag:s22] =	dma.local [hbm:s4], s20  }
0x9e: {  	_ =	swait.ge [sflag:s22], s20  }
0x9f: {  	s3 =	ssub.s32 $0x0, s20;
	[sflag:s22] =	ssyncset.done $0x0  }
0xa0: {  	[sflag:s22] =	ssyncadd.s32 s3;
	_ =	sdelay $0x1  }
0xa1: {  	s23 =	simm.s32 $0x1B8B  }
0xa2: {  	_ =	swait.ge [sflag:s23], $0x1  }
0xa3: {  	[sflag:s23] =	ssyncset.done $0x0  }
0xa4: {  	s25 =	simm.s32 $0x1B8E;
	s24 =	sld [smem:$0x3FFE];
	[sflag:s23] =	ssyncadd.s32 $0xFFFFFFFF  }
0xa5: {  	s26 =	simm.s32 $execute0_lowered;
	[smem:$0x3FD2] =	sst s25  }
0xa6: {  	s4 =	sshll.u32 s26, $0x1;
	_ =	strace $0x80000049;
	[dreg:$0x1] =	wrdreg $0xFFFFFFFF  }
0xa7: {  	s28 =	simm.s32 $_size_execute0_lowered;
	s2 =	sadd.s32 s2, s4;
	[dreg:$0x0] =	wrdreg $0x0  }
0xa8: {  	s4 =	sshll.u32 s28, $0x1;
	[dreg:$0x2] =	wrdreg s2  }
0xa9: {  	[dreg:$0x3] =	wrdreg s4  }
0xaa: {  	[dreg:$0x4] =	wrdreg $0xC0  }
0xab: {  	_ =	task [dreg:s6], $0x5FFFF  }
0xac: {  	[dreg:$0x1] =	wrdreg $0xFFFFFFFF  }
0xad: {  	[dreg:$0x0] =	wrdreg $0x60  }
0xae: {  	[dreg:$0x2] =	wrdreg s24  }
0xaf: {  	[dreg:$0x3] =	wrdreg $0xAE400  }
0xb0: {  	[dreg:$0x4] =	wrdreg $0x60000  }
0xb1: {  	[dreg:$0x5] =	wrdreg $0x9  }
0xb2: {  	_ =	task.clear_ibuf [dreg:s6], $0x6FFFF;
	_ =	strace $0x90000049  }
0xb3: {  	s29 =	simm.s32 $0x9;
	_ =	strace $0x8000004B  }
0xb4: {  	_ =	swait.ge [sflag:s29], $0x1  }
0xb5: {  	[sflag:s29] =	ssyncadd.s32 $0xFFFFFFFF  }
0xb6: {  	_ =	strace $0x9000004B  }
0xb7: {  	_ =	sfence  }
0xb8: {  	s30 =	sld [smem:$0x0];
	_ =	sdelay $0x2  }
0xb9: {  	s31 =	sshll.u32 s1, $0xD;
	s1 =	sshrl.u32 s1, $0x2  }
0xba: {  	s3 =	sand.u32 $0x4000, s31;
	s1 =	sadd.s32 s1, s30  }
0xbb: {  	s0 =	sor.u32 s3, s0;
	s1 =	sshll.u32 s1, $0x11  }
0xbc: {  	s0 =	sor.u32 s1, s0  }
0xbd: {  	s0 =	sadd.s32 $0x8F2B, s0  }
0xbe: {  	[sflag:s0] =	ssyncadd.remote.s32 $0x1  }
0xbf: {  	_ =	sfence.sel $0xFFFF  }
0xc0: {  	[dreg:$0x0] =	wrdreg $0xFFFFFFFF;
	(pc) =	sbr.abs _section_cstart, $3  }
0xc1: {  	[dreg:$0x1] =	wrdreg $0xFFFFFFFF  }
0xc2: {  	_ =	task.clear_ibuf [dreg:s6], $0x2FFFF;
	_ =	strace $0x9FFFFFFF  }
0xc3: {  	(tm) =	ssettm $0x7FFFFFFF  }
tec
execute0_lowered:
.L_overlay_start_1:
0x0: {  	(tag) =	ssettag $0x1  }
0x1: {  	s5 =	rddreg [dreg:$0x0]  }
0x2: {  	s0 =	stileid.u32;
	s2 =	rddreg [dreg:$0x1]  }
0x3: {  	s1 =	srdreg.scid;
	s3 =	rddreg [dreg:$0x2]  }
0x4: {  	s4 =	simm.s32 $0x0;
	s17 =	simm.s32 $0x5000;
	s18 =	simm.s32 $0x0  }
0x5: {  	s6 =	sand.u32 $0x1, s1;
	s26 =	sshll.u32 s0, $0x1;
	s7 =	smul.u32 $0x4E20, s0  }
0x6: {  	s9 =	smul.u32 $0x4E40, s0;
	[smem:$0x7FF] =	sst s4;
	s31 =	sshll.u32 s0, $0x6  }
0x7: {  	s1 =	sor.u32 s6, s26;
	s10 =	smul.u32 $0x4E400, s6;
	s6 =	ssub.s32 $0x2, s6  }
0x8: {  	s8 =	smul.u32 $0x500, s1;
	s1 =	rddreg [dreg:$0x3];
	_ =	strace $0x8000004A  }
0x9: {  	s11 =	sshrl.u32 s7, $0x3;
	s29 =	sshrl.u32 s9, $0x3;
	s30 =	sshrl.u32 s6, $0x1  }
0xa: {  	s15 =	sadd.s32 s9, s2;
	s16 =	sadd.s32 s7, s3;
	s11 =	sadd.s32 s11, s5  }
0xb: {  	s28 =	sadd.s32 s9, s10;
	s10 =	sadd.s32 s29, s5;
	s14 =	ssub.s32 s6, s30  }
0xc: {  	s6 =	sor.u32 $0x1C01, s31;
	s12 =	sadd.s32 s8, s5;
	s8 =	sshrl.u32 s28, $0x3  }
0xd: {  	s7 =	sadd.s32 $0xEC00, s11;
	s11 =	smax.u32 s14, $0x1;
	s14 =	sshrl.u32 s16, $0x3  }
0xe: {  	s16 =	simm.s32 $0x80;
	s13 =	sadd.s32 s8, s5;
	s5 =	sadd.s32 $0x18A00, s10  }
0xf: {  	s8 =	sadd.s32 $0x25200, s12;
	s9 =	sadd.s32 $0x4C00, s12;
	s12 =	sshrl.u32 s15, $0x3  }
0x10: {  	s15 =	simm.s32 $0x2800;
	s10 =	sadd.s32 $0x56400, s13;
	s13 =	simm.s32 $0x1  }
.LBB2_1:
0x11: {  	[spmem:s12], [sflag:s6] =	dma.local [hbm:s5], $0x9C8  }
0x12: {  	_ =	swait.ge [sflag:s13], $0x9C8  }
0x13: {  	[sflag:s13] =	ssyncset.done $0x0  }
0x14: {  	[sflag:s13] =	ssyncadd.s32 $0xFFFFF638  }
0x15: {  	[spmem:s14], [sflag:s6] =	dma.local [hbm:s7], $0x9C4  }
0x16: {  	_ =	swait.ge [sflag:s13], $0x9C4  }
0x17: {  	[sflag:s13] =	ssyncset.done $0x0  }
0x18: {  	[sflag:s13] =	ssyncadd.s32 $0xFFFFF63C  }
0x19: {  	[tilespmem:s4], [sflag:$0x1] =	stream.linear.gather [hbm4b:s8+s4], $0x2800, $0x38;
	[tilespmem:$0xFC80] =	vst v63  }
0x1a: {  	_ =	swait.ge [sflag:s13], $0x2800  }
0x1b: {  	[sflag:s13] =	ssyncset.done $0x0  }
0x1c: {  	[sflag:s13] =	ssyncadd.s32 $0xFFFFD800  }
0x1d: {  	[tilespmem:s15], [sflag:$0x1] =	stream.linear.gather [hbm4b:s9+s4], $0x2800, $0x38;
	[tilespmem:$0xFC80] =	vst v63  }
0x1e: {  	_ =	swait.ge [sflag:s13], $0x2800  }
0x1f: {  	[sflag:s13] =	ssyncset.done $0x0  }
0x20: {  	[sflag:s13] =	ssyncadd.s32 $0xFFFFD800  }
0x21: {  	s19 =	simm.s32 $0x0;
	[bflag:$0x0] =	sbarrier.arrive $0xFFFF  }
0x22: {  	[tilespmem:s17], [sflag:$0x1] =	stream.indirect.gather [spmem:s3], $0x20, s19, s16, $0xb8;
	[tilespmem:$0xFC80] =	vst v63  }
0x23: {  	_ =	swait.ge [sflag:s13], $0x1000  }
0x24: {  	[sflag:s13] =	ssyncset.done $0x0  }
0x25: {  	s31 =	simm.s32 $0x2800;
	[sflag:s13] =	ssyncadd.s32 $0xFFFFF000  }
0x26: {  	[spmem:s2] =	stream.indirect.scatter.add.f32 [tilespmem:s17], [sflag:$0x1], $0x20, s31, s16, $0xb8;
	[tilespmem:$0xFC80] =	vst v63  }
0x27: {  	_ =	swait.ge [sflag:s13], $0x1000  }
0x28: {  	s20 =	simm.s32 $0x400;
	s19 =	simm.s32 $0x200;
	[sflag:s13] =	ssyncset.done $0x0  }
.LBB2_2:
0x29: {  	s21 =	sshra.s32 s19, $0x2  }
0x2a: {  	[sflag:s13] =	ssyncadd.s32 $0xFFFFF000;
	s19 =	smov.u32 s20;
	s22 =	sadd.s32 $0x200, s20  }
0x2b: {  	[tilespmem:s17], [sflag:$0x1] =	stream.indirect.gather [spmem:s3], $0x20, s21, s16, $0xb8;
	[tilespmem:$0xFC80] =	vst v63  }
0x2c: {  	p0 =	sne.s32 s20, $0x9E00;
	_ =	swait.ge [sflag:s13], $0x1000  }
.Ltmp0:
0x2d: {  	[sflag:s13] =	ssyncset.done $0x0;
	(pc) =	sbr.rel @p0 .LBB2_2-.Ltmp0, $4  }
0x2e: {  	s20 =	sadd.s32 $0x2800, s21;
	[sflag:s13] =	ssyncadd.s32 $0xFFFFF000  }
0x2f: {  	[spmem:s2] =	stream.indirect.scatter.add.f32 [tilespmem:s17], [sflag:$0x1], $0x20, s20, s16, $0xb8;
	[tilespmem:$0xFC80] =	vst v63  }
0x30: {  	_ =	swait.ge [sflag:s13], $0x1000  }
0x31: {  	s20 =	smov.u32 s22;
	[sflag:s13] =	ssyncset.done $0x0  }
0x32: {  	s19 =	sshra.s32 s19, $0x2;
	[sflag:s13] =	ssyncadd.s32 $0xFFFFF000  }
0x33: {  	[tilespmem:s17], [sflag:$0x1] =	stream.indirect.gather [spmem:s3], $0x20, s19, s16, $0xb8;
	[tilespmem:$0xFC80] =	vst v63  }
0x34: {  	_ =	swait.ge [sflag:s13], $0x1000  }
0x35: {  	[sflag:s13] =	ssyncset.done $0x0  }
0x36: {  	s19 =	sadd.s32 $0x2800, s19;
	[sflag:s13] =	ssyncadd.s32 $0xFFFFF000  }
0x37: {  	[spmem:s2] =	stream.indirect.scatter.add.f32 [tilespmem:s17], [sflag:$0x1], $0x20, s19, s16, $0xb8;
	[tilespmem:$0xFC80] =	vst v63  }
0x38: {  	_ =	swait.ge [sflag:s13], $0x1000  }
0x39: {  	s18 =	sadd.s32 $0x1, s18;
	[sflag:s13] =	ssyncset.done $0x0  }
0x3a: {  	p0 =	sne.s32 s18, s11;
	[sflag:s13] =	ssyncadd.s32 $0xFFFFF000  }
.Ltmp1:
0x3b: {  	[bflag:$0x0] =	sbarrier.arrive $0xFFFF;
	(pc) =	sbr.rel @p0 .LBB2_1-.Ltmp1, $4  }
0x3c: {  	[hbm:s10], [sflag:s6] =	dma.local [spmem:s12], $0x9C8  }
0x3d: {  	_ =	swait.ge [sflag:s13], $0x9C8  }
0x3e: {  	[sflag:s13] =	ssyncset.done $0x0  }
0x3f: {  	[sflag:s13] =	ssyncadd.s32 $0xFFFFF638  }
0x40: {  	_ =	sfence.sel $0x180000  }
0x41: {  	[bflag:$0x0] =	sbarrier.arrive $0xFFFF  }
0x42: {  	p0 =	sne.s32 s0, $0x0;
	_ =	strace $0x9000004A  }
0x43: {  	s0 =	sadd.s32 @!p0 $0x100000, s1;
	[bflag:$0x2] =	sbarrier.arrive $0xFFFF  }
0x44: {  	[sflag:s0] =	ssyncadd.tile.s32 @!p0 $0x1;
	_ =	shalt  }
.Lfunc_end2:
_tile_overlayer_lowered:
.L_overlay_start_2:
0x45: {  	(tag) =	ssettag $0x2  }
0x46: {  	s0 =	rddreg [dreg:$0x0];
	s2 =	stileid.u32  }
0x47: {  	s1 =	rddreg [dreg:$0x1];
	p0 =	sne.s32 s2, $0x0  }
0x48: {  	s3 =	rddreg [dreg:$0x2];
	[bflag:$0x3] =	sbarrier.arrive $0xFFFF;
	s2 =	simm.s32 @!p0 $0x1C01  }
0x49: {  	[timem:s3], [sflag:s2] =	dma.local @!p0 [hbm:s0], s1  }
0x4a: {  	s0 =	simm.s32 @!p0 $0x1  }
0x4b: {  	_ =	swait.ge @!p0 [sflag:s0], s1  }
0x4c: {  	s1 =	ssub.s32 @!p0 $0x0, s1;
	[sflag:s0] =	ssyncset.done @!p0 $0x0  }
0x4d: {  	[sflag:s0] =	ssyncadd.s32 @!p0 s1  }
0x4e: {  	[bflag:$0x3] =	sbarrier.arrive $0xFFFF  }
0x4f: {  	_ =	shalt  }

// kernel: kernel.16.cloned.1.call-start
scs
__scs_entry_jumppad:
0x0: {  	(pc) =	sbr.rel $0x88, $3  }
0x1: {  	(tag) =	ssettag $0x0;
	lr =	simm.s32 $0x1  }
0x2: {  	[smem:$0x3F87] =	sst lr;
	_ =	strace $0xD0000000  }
0x3: {  	_ = 	snop  }
0x4: {  	_ = 	snop  }
0x5: {  	_ = 	snop  }
0x6: {  	_ = 	snop  }
0x7: {  	_ = 	snop  }
__scs_overlays_trampoline_lowered:
0x8: {  	[smem:$0x3F96] =	sst s0  }
0x9: {  	[smem:$0x3F97] =	sst s1  }
0xa: {  	[smem:$0x3F98] =	sst s2  }
0xb: {  	[smem:$0x3F99] =	sst s3  }
0xc: {  	[smem:$0x3F9A] =	sst s4  }
0xd: {  	[smem:$0x3F9B] =	sst s5  }
0xe: {  	[smem:$0x3F9C] =	sst s6  }
0xf: {  	[smem:$0x3F9D] =	sst s7  }
0x10: {  	[smem:$0x3F9E] =	sst s8  }
0x11: {  	[smem:$0x3F9F] =	sst s9;
	s0 =	simm.s32 @!p0 $0x0  }
0x12: {  	s1 =	sld [smem:$0x3F85];
	s0 =	simm.s32 @p0 $0x1  }
0x13: {  	[smem:$0x3FA0] =	sst s0;
	s0 =	simm.s32 @!p1 $0x0  }
0x14: {  	s2 =	sld [smem:$0x3F84];
	s0 =	simm.s32 @p1 $0x1  }
0x15: {  	[smem:$0x3FA1] =	sst s0;
	s0 =	simm.s32 @!p2 $0x0  }
0x16: {  	s3 =	sld [smem:$0x3FDB];
	s0 =	simm.s32 @p2 $0x1  }
0x17: {  	s4 =	simm.s32 $0x1BF5;
	[smem:$0x3FA3] =	sst s0  }
0x18: {  	s0 =	sld [smem:$0x3F86];
	_ =	swait.ge [sflag:s4], $0x0  }
0x19: {  	s7 =	sld [smem:$0x3F87]  }
0x1a: {  	s8 =	sadd.s32 $0xFFFFE003, lr  }
0x1b: {  	s9 =	sadd.s32 $0xFFFFFEF7, lr;
	s5 =	simm.s32 $0xFFFFFFFF;
	p2 =	slt.u32 s8, $0xFFFFF086  }
0x1c: {  	p1 =	slt.u32 s9, $0xF7A;
	s5 =	simm.s32 @!p2 $0x0  }
0x1d: {  	s5 =	simm.s32 @p1 $0x1;
	p0 =	seq.s32 s7, s2  }
0x1e: {  	s7 =	smul.u32 @!p0 $0xF7A, s2;
	p2 =	seq.s32 @!p0 s5, $0x0  }
0x1f: {  	s9 =	smul.u32 $0xF7A, s1;
	s8 =	simm.s32 @!p0 $0x1BF5;
	p2 =	por !p2, p0  }
0x20: {  	[sflag:s8] =	ssyncset.s32 @!p0 $0xFFFFF086;
	s6 =	sadd.s32 @!p0 s3, s7;
	s7 =	simm.s32 @!p0 $0x108  }
0x21: {  	s3 =	sadd.s32 s3, s9;
	s6 =	sadd.s32 @!p0 $0x88, s6;
	s7 =	simm.s32 @p2 $0x1082  }
0x22: {  	[simem:s7], [sflag:s8] =	dma.local @!p0 [hbm:s6], $0xF7A  }
0x23: {  	s9 =	sor.u32 $0xD0000000, s2;
	s6 =	simm.s32 $0x108;
	_ =	swait.ge @!p0 [sflag:s8], $0x0  }
0x24: {  	s3 =	sadd.s32 $0x88, s3;
	s6 =	simm.s32 @!p1 $0x1082;
	[sflag:s4] =	ssyncset.s32 $0xFFFFF086  }
0x25: {  	[simem:s6], [sflag:s4] =	dma.local [hbm:s3], $0xF7A  }
0x26: {  	[smem:$0x3F87] =	sst s1;
	(tag) =	ssettag s2;
	_ =	strace s9  }
0x27: {  	s1 =	sld [smem:$0x3F97]  }
0x28: {  	s2 =	sld [smem:$0x3F98]  }
0x29: {  	s4 =	sld [smem:$0x3F9A]  }
0x2a: {  	p0 =	seq.s32 s5, $0x0;
	s5 =	sld [smem:$0x3F9B]  }
0x2b: {  	s6 =	sld [smem:$0x3F9C]  }
0x2c: {  	s7 =	sld [smem:$0x3F9D]  }
0x2d: {  	s3 =	simm.s32 $0x108;
	s8 =	sld [smem:$0x3F9E]  }
0x2e: {  	s3 =	simm.s32 @!p0 $0x1082;
	s9 =	sld [smem:$0x3F9F]  }
0x2f: {  	lr =	sadd.s32 s0, s3;
	s0 =	sld [smem:$0x3F96]  }
0x30: {  	s3 =	sld [smem:$0x3F99]  }
0x31: {  	[smem:$0x3FA2] =	sst s10  }
0x32: {  	s10 =	sld [smem:$0x3FA0];
	_ =	sdelay $0x3  }
0x33: {  	p0 =	seq.s32 s10, $0x1;
	s10 =	sld [smem:$0x3FA2];
	_ =	sdelay $0x3  }
0x34: {  	[smem:$0x3FA2] =	sst s10  }
0x35: {  	s10 =	sld [smem:$0x3FA1];
	_ =	sdelay $0x3  }
0x36: {  	p1 =	seq.s32 s10, $0x1;
	s10 =	sld [smem:$0x3FA2];
	_ =	sdelay $0x3  }
0x37: {  	[smem:$0x3FA2] =	sst s10  }
0x38: {  	s10 =	sld [smem:$0x3FA3]  }
0x39: {  	_ = 	snop;
	(pc) =	sbr.ind lr, $3  }
0x3a: {  	_ = 	snop  }
0x3b: {  	_ = 	snop  }
0x3c: {  	p2 =	seq.s32 s10, $0x1;
	s10 =	sld [smem:$0x3FA2]  }
0x3d: {  	_ =	shalt  }
0x3e: {  	_ =	shalt  }
0x3f: {  	_ =	shalt  }
0x40: {  	_ =	shalt  }
0x41: {  	_ =	shalt  }
0x42: {  	_ =	shalt  }
0x43: {  	_ =	shalt  }
0x44: {  	_ =	shalt  }
0x45: {  	_ =	shalt  }
0x46: {  	_ =	shalt  }
0x47: {  	_ =	shalt  }
0x48: {  	_ =	shalt  }
0x49: {  	_ =	shalt  }
0x4a: {  	_ =	shalt  }
0x4b: {  	_ =	shalt  }
0x4c: {  	_ =	shalt  }
0x4d: {  	_ =	shalt  }
0x4e: {  	_ =	shalt  }
0x4f: {  	_ =	shalt  }
0x50: {  	_ =	shalt  }
0x51: {  	_ =	shalt  }
0x52: {  	_ =	shalt  }
0x53: {  	_ =	shalt  }
0x54: {  	_ =	shalt  }
0x55: {  	_ =	shalt  }
0x56: {  	_ =	shalt  }
0x57: {  	_ =	shalt  }
0x58: {  	_ =	shalt  }
0x59: {  	_ =	shalt  }
0x5a: {  	_ =	shalt  }
0x5b: {  	_ =	shalt  }
0x5c: {  	_ =	shalt  }
0x5d: {  	_ =	shalt  }
0x5e: {  	_ =	shalt  }
0x5f: {  	_ =	shalt  }
0x60: {  	_ =	shalt  }
0x61: {  	_ =	shalt  }
0x62: {  	_ =	shalt  }
0x63: {  	_ =	shalt  }
0x64: {  	_ =	shalt  }
0x65: {  	_ =	shalt  }
0x66: {  	_ =	shalt  }
0x67: {  	_ =	shalt  }
0x68: {  	_ =	shalt  }
0x69: {  	_ =	shalt  }
0x6a: {  	_ =	shalt  }
0x6b: {  	_ =	shalt  }
0x6c: {  	_ =	shalt  }
0x6d: {  	_ =	shalt  }
0x6e: {  	_ =	shalt  }
0x6f: {  	_ =	shalt  }
0x70: {  	_ =	shalt  }
0x71: {  	_ =	shalt  }
0x72: {  	_ =	shalt  }
0x73: {  	_ =	shalt  }
0x74: {  	_ =	shalt  }
0x75: {  	_ =	shalt  }
0x76: {  	_ =	shalt  }
0x77: {  	_ =	shalt  }
0x78: {  	_ =	shalt  }
0x79: {  	_ =	shalt  }
0x7a: {  	_ =	shalt  }
0x7b: {  	_ =	shalt  }
0x7c: {  	_ =	shalt  }
0x7d: {  	_ =	shalt  }
0x7e: {  	_ =	shalt  }
0x7f: {  	_ =	shalt  }
0x80: {  	_ =	shalt  }
0x81: {  	_ =	shalt  }
0x82: {  	_ =	shalt  }
0x83: {  	_ =	shalt  }
0x84: {  	_ =	shalt  }
0x85: {  	_ =	shalt  }
0x86: {  	_ =	shalt  }
0x87: {  	_ =	shalt  }
.Lfunc_end0:
.L_simem_size_0:
called_computation.2_lowered:
.L_overlay_start_0:
0x88: {  	s2 =	sld [smem:$0x3FD9]  }
0x89: {  	s3 =	sld [smem:$0x3FFE];
	_ =	sdelay $0x1  }
0x8a: {  	s1 =	srdreg.scid  }
0x8b: {  	s0 =	sand.u32 $0x1, s1  }
0x8c: {  	s16 =	sshll.u32 s0, $0xA;
	s2 =	sadd.s32 s3, s2  }
0x8d: {  	s2 =	sadd.s32 s2, s16  }
0x8e: {  	[smem:$0x3FAE] =	sst s2  }
0x8f: {  	_ = 	snop  }
0x90: {  	(tm) =	ssettm $0x1  }
0x91: {  	s17 =	sld [smem:$0x3FFB];
	_ =	sdelay $0x3  }
0x92: {  	_ =	strace s17  }
0x93: {  	s2 =	sld [smem:$0x3FFC];
	_ =	sdelay $0x3  }
0x94: {  	_ =	strace s2  }
0x95: {  	s2 =	sld [smem:$0x3FFD];
	_ =	sdelay $0x3  }
0x96: {  	_ =	strace s2  }
0x97: {  	_ =	strace $0x8FFFFFFF  }
0x98: {  	s18 =	sld [smem:$0x3FDB];
	_ =	sdelay $0x1  }
0x99: {  	s19 =	simm.s32 $_scs_section_size  }
0x9a: {  	s4 =	simm.s32 $_size__tile_overlayer_lowered;
	s5 =	simm.s32 $_tile_overlayer_lowered  }
0x9b: {  	s22 =	simm.s32 $0x1BFF;
	s21 =	sshll.u32 s5, $0x1;
	s2 =	sadd.s32 s19, s18  }
0x9c: {  	s6 =	simm.s32 $0x0;
	s20 =	sshll.u32 s4, $0x1;
	s4 =	sadd.s32 s21, s2  }
0x9d: {  	[timem:s6], [sflag:s22] =	dma.local [hbm:s4], s20  }
0x9e: {  	_ =	swait.ge [sflag:s22], s20  }
0x9f: {  	s3 =	ssub.s32 $0x0, s20;
	[sflag:s22] =	ssyncset.done $0x0  }
0xa0: {  	[sflag:s22] =	ssyncadd.s32 s3;
	_ =	sdelay $0x1  }
0xa1: {  	s23 =	simm.s32 $0x1B8B  }
0xa2: {  	_ =	swait.ge [sflag:s23], $0x1  }
0xa3: {  	[sflag:s23] =	ssyncset.done $0x0  }
0xa4: {  	s25 =	simm.s32 $0x1B8E;
	s24 =	sld [smem:$0x3FFE];
	[sflag:s23] =	ssyncadd.s32 $0xFFFFFFFF  }
0xa5: {  	s26 =	simm.s32 $execute0_lowered;
	[smem:$0x3FD2] =	sst s25  }
0xa6: {  	s4 =	sshll.u32 s26, $0x1;
	_ =	strace $0x8000004C;
	[dreg:$0x1] =	wrdreg $0xFFFFFFFF  }
0xa7: {  	s28 =	simm.s32 $_size_execute0_lowered;
	s2 =	sadd.s32 s2, s4;
	[dreg:$0x0] =	wrdreg $0x0  }
0xa8: {  	s4 =	sshll.u32 s28, $0x1;
	[dreg:$0x2] =	wrdreg s2  }
0xa9: {  	[dreg:$0x3] =	wrdreg s4  }
0xaa: {  	[dreg:$0x4] =	wrdreg $0xC0  }
0xab: {  	_ =	task [dreg:s6], $0x5FFFF  }
0xac: {  	[dreg:$0x1] =	wrdreg $0xFFFFFFFF  }
0xad: {  	[dreg:$0x0] =	wrdreg $0x60  }
0xae: {  	[dreg:$0x2] =	wrdreg s24  }
0xaf: {  	[dreg:$0x3] =	wrdreg $0xAE400  }
0xb0: {  	[dreg:$0x4] =	wrdreg $0x60000  }
0xb1: {  	[dreg:$0x5] =	wrdreg $0x9  }
0xb2: {  	_ =	task.clear_ibuf [dreg:s6], $0x6FFFF;
	_ =	strace $0x9000004C  }
0xb3: {  	s29 =	simm.s32 $0x9;
	_ =	strace $0x8000004E  }
0xb4: {  	_ =	swait.ge [sflag:s29], $0x1  }
0xb5: {  	[sflag:s29] =	ssyncadd.s32 $0xFFFFFFFF  }
0xb6: {  	_ =	strace $0x9000004E  }
0xb7: {  	_ =	sfence  }
0xb8: {  	s30 =	sld [smem:$0x0];
	_ =	sdelay $0x2  }
0xb9: {  	s31 =	sshll.u32 s1, $0xD;
	s1 =	sshrl.u32 s1, $0x2  }
0xba: {  	s3 =	sand.u32 $0x4000, s31;
	s1 =	sadd.s32 s1, s30  }
0xbb: {  	s0 =	sor.u32 s3, s0;
	s1 =	sshll.u32 s1, $0x11  }
0xbc: {  	s0 =	sor.u32 s1, s0  }
0xbd: {  	s0 =	sadd.s32 $0x8F2B, s0  }
0xbe: {  	[sflag:s0] =	ssyncadd.remote.s32 $0x1  }
0xbf: {  	_ =	sfence.sel $0xFFFF  }
0xc0: {  	[dreg:$0x0] =	wrdreg $0xFFFFFFFF;
	(pc) =	sbr.abs _section_cstart, $3  }
0xc1: {  	[dreg:$0x1] =	wrdreg $0xFFFFFFFF  }
0xc2: {  	_ =	task.clear_ibuf [dreg:s6], $0x2FFFF;
	_ =	strace $0x9FFFFFFF  }
0xc3: {  	(tm) =	ssettm $0x7FFFFFFF  }
tec
execute0_lowered:
.L_overlay_start_1:
0x0: {  	(tag) =	ssettag $0x1  }
0x1: {  	s5 =	rddreg [dreg:$0x0]  }
0x2: {  	s0 =	stileid.u32;
	s2 =	rddreg [dreg:$0x1]  }
0x3: {  	s1 =	srdreg.scid;
	s3 =	rddreg [dreg:$0x2]  }
0x4: {  	s4 =	simm.s32 $0x0;
	s17 =	simm.s32 $0x5000;
	s18 =	simm.s32 $0x0  }
0x5: {  	s6 =	sand.u32 $0x1, s1;
	s26 =	sshll.u32 s0, $0x1;
	s7 =	smul.u32 $0x4E20, s0  }
0x6: {  	s9 =	smul.u32 $0x4E40, s0;
	[smem:$0x7FF] =	sst s4;
	s31 =	sshll.u32 s0, $0x6  }
0x7: {  	s1 =	sor.u32 s6, s26;
	s10 =	smul.u32 $0x4E400, s6;
	s6 =	ssub.s32 $0x2, s6  }
0x8: {  	s8 =	smul.u32 $0x500, s1;
	s1 =	rddreg [dreg:$0x3];
	_ =	strace $0x8000004D  }
0x9: {  	s11 =	sshrl.u32 s7, $0x3;
	s29 =	sshrl.u32 s9, $0x3;
	s30 =	sshrl.u32 s6, $0x1  }
0xa: {  	s15 =	sadd.s32 s9, s2;
	s16 =	sadd.s32 s7, s3;
	s11 =	sadd.s32 s11, s5  }
0xb: {  	s28 =	sadd.s32 s9, s10;
	s10 =	sadd.s32 s29, s5;
	s14 =	ssub.s32 s6, s30  }
0xc: {  	s6 =	sor.u32 $0x1C01, s31;
	s12 =	sadd.s32 s8, s5;
	s8 =	sshrl.u32 s28, $0x3  }
0xd: {  	s7 =	sadd.s32 $0xEC00, s11;
	s11 =	smax.u32 s14, $0x1;
	s14 =	sshrl.u32 s16, $0x3  }
0xe: {  	s16 =	simm.s32 $0x80;
	s13 =	sadd.s32 s8, s5;
	s5 =	sadd.s32 $0x18A00, s10  }
0xf: {  	s8 =	sadd.s32 $0x25200, s12;
	s9 =	sadd.s32 $0x4C00, s12;
	s12 =	sshrl.u32 s15, $0x3  }
0x10: {  	s15 =	simm.s32 $0x2800;
	s10 =	sadd.s32 $0x56400, s13;
	s13 =	simm.s32 $0x1  }
.LBB2_1:
0x11: {  	[spmem:s12], [sflag:s6] =	dma.local [hbm:s5], $0x9C8  }
0x12: {  	_ =	swait.ge [sflag:s13], $0x9C8  }
0x13: {  	[sflag:s13] =	ssyncset.done $0x0  }
0x14: {  	[sflag:s13] =	ssyncadd.s32 $0xFFFFF638  }
0x15: {  	[spmem:s14], [sflag:s6] =	dma.local [hbm:s7], $0x9C4  }
0x16: {  	_ =	swait.ge [sflag:s13], $0x9C4  }
0x17: {  	[sflag:s13] =	ssyncset.done $0x0  }
0x18: {  	[sflag:s13] =	ssyncadd.s32 $0xFFFFF63C  }
0x19: {  	[tilespmem:s4], [sflag:$0x1] =	stream.linear.gather [hbm4b:s8+s4], $0x2800, $0x38;
	[tilespmem:$0xFC80] =	vst v63  }
0x1a: {  	_ =	swait.ge [sflag:s13], $0x2800  }
0x1b: {  	[sflag:s13] =	ssyncset.done $0x0  }
0x1c: {  	[sflag:s13] =	ssyncadd.s32 $0xFFFFD800  }
0x1d: {  	[tilespmem:s15], [sflag:$0x1] =	stream.linear.gather [hbm4b:s9+s4], $0x2800, $0x38;
	[tilespmem:$0xFC80] =	vst v63  }
0x1e: {  	_ =	swait.ge [sflag:s13], $0x2800  }
0x1f: {  	[sflag:s13] =	ssyncset.done $0x0  }
0x20: {  	[sflag:s13] =	ssyncadd.s32 $0xFFFFD800  }
0x21: {  	s19 =	simm.s32 $0x0;
	[bflag:$0x0] =	sbarrier.arrive $0xFFFF  }
0x22: {  	[tilespmem:s17], [sflag:$0x1] =	stream.indirect.gather [spmem:s3], $0x20, s19, s16, $0xb8;
	[tilespmem:$0xFC80] =	vst v63  }
0x23: {  	_ =	swait.ge [sflag:s13], $0x1000  }
0x24: {  	[sflag:s13] =	ssyncset.done $0x0  }
0x25: {  	s31 =	simm.s32 $0x2800;
	[sflag:s13] =	ssyncadd.s32 $0xFFFFF000  }
0x26: {  	[spmem:s2] =	stream.indirect.scatter.add.f32 [tilespmem:s17], [sflag:$0x1], $0x20, s31, s16, $0xb8;
	[tilespmem:$0xFC80] =	vst v63  }
0x27: {  	_ =	swait.ge [sflag:s13], $0x1000  }
0x28: {  	s20 =	simm.s32 $0x400;
	s19 =	simm.s32 $0x200;
	[sflag:s13] =	ssyncset.done $0x0  }
.LBB2_2:
0x29: {  	s21 =	sshra.s32 s19, $0x2  }
0x2a: {  	[sflag:s13] =	ssyncadd.s32 $0xFFFFF000;
	s19 =	smov.u32 s20;
	s22 =	sadd.s32 $0x200, s20  }
0x2b: {  	[tilespmem:s17], [sflag:$0x1] =	stream.indirect.gather [spmem:s3], $0x20, s21, s16, $0xb8;
	[tilespmem:$0xFC80] =	vst v63  }
0x2c: {  	p0 =	sne.s32 s20, $0x9E00;
	_ =	swait.ge [sflag:s13], $0x1000  }
.Ltmp0:
0x2d: {  	[sflag:s13] =	ssyncset.done $0x0;
	(pc) =	sbr.rel @p0 .LBB2_2-.Ltmp0, $4  }
0x2e: {  	s20 =	sadd.s32 $0x2800, s21;
	[sflag:s13] =	ssyncadd.s32 $0xFFFFF000  }
0x2f: {  	[spmem:s2] =	stream.indirect.scatter.add.f32 [tilespmem:s17], [sflag:$0x1], $0x20, s20, s16, $0xb8;
	[tilespmem:$0xFC80] =	vst v63  }
0x30: {  	_ =	swait.ge [sflag:s13], $0x1000  }
0x31: {  	s20 =	smov.u32 s22;
	[sflag:s13] =	ssyncset.done $0x0  }
0x32: {  	s19 =	sshra.s32 s19, $0x2;
	[sflag:s13] =	ssyncadd.s32 $0xFFFFF000  }
0x33: {  	[tilespmem:s17], [sflag:$0x1] =	stream.indirect.gather [spmem:s3], $0x20, s19, s16, $0xb8;
	[tilespmem:$0xFC80] =	vst v63  }
0x34: {  	_ =	swait.ge [sflag:s13], $0x1000  }
0x35: {  	[sflag:s13] =	ssyncset.done $0x0  }
0x36: {  	s19 =	sadd.s32 $0x2800, s19;
	[sflag:s13] =	ssyncadd.s32 $0xFFFFF000  }
0x37: {  	[spmem:s2] =	stream.indirect.scatter.add.f32 [tilespmem:s17], [sflag:$0x1], $0x20, s19, s16, $0xb8;
	[tilespmem:$0xFC80] =	vst v63  }
0x38: {  	_ =	swait.ge [sflag:s13], $0x1000  }
0x39: {  	s18 =	sadd.s32 $0x1, s18;
	[sflag:s13] =	ssyncset.done $0x0  }
0x3a: {  	p0 =	sne.s32 s18, s11;
	[sflag:s13] =	ssyncadd.s32 $0xFFFFF000  }
.Ltmp1:
0x3b: {  	[bflag:$0x0] =	sbarrier.arrive $0xFFFF;
	(pc) =	sbr.rel @p0 .LBB2_1-.Ltmp1, $4  }
0x3c: {  	[hbm:s10], [sflag:s6] =	dma.local [spmem:s12], $0x9C8  }
0x3d: {  	_ =	swait.ge [sflag:s13], $0x9C8  }
0x3e: {  	[sflag:s13] =	ssyncset.done $0x0  }
0x3f: {  	[sflag:s13] =	ssyncadd.s32 $0xFFFFF638  }
0x40: {  	_ =	sfence.sel $0x180000  }
0x41: {  	[bflag:$0x0] =	sbarrier.arrive $0xFFFF  }
0x42: {  	p0 =	sne.s32 s0, $0x0;
	_ =	strace $0x9000004D  }
0x43: {  	s0 =	sadd.s32 @!p0 $0x100000, s1;
	[bflag:$0x2] =	sbarrier.arrive $0xFFFF  }
0x44: {  	[sflag:s0] =	ssyncadd.tile.s32 @!p0 $0x1;
	_ =	shalt  }
.Lfunc_end2:
_tile_overlayer_lowered:
.L_overlay_start_2:
0x45: {  	(tag) =	ssettag $0x2  }
0x46: {  	s0 =	rddreg [dreg:$0x0];
	s2 =	stileid.u32  }
0x47: {  	s1 =	rddreg [dreg:$0x1];
	p0 =	sne.s32 s2, $0x0  }
0x48: {  	s3 =	rddreg [dreg:$0x2];
	[bflag:$0x3] =	sbarrier.arrive $0xFFFF;
	s2 =	simm.s32 @!p0 $0x1C01  }
0x49: {  	[timem:s3], [sflag:s2] =	dma.local @!p0 [hbm:s0], s1  }
0x4a: {  	s0 =	simm.s32 @!p0 $0x1  }
0x4b: {  	_ =	swait.ge @!p0 [sflag:s0], s1  }
0x4c: {  	s1 =	ssub.s32 @!p0 $0x0, s1;
	[sflag:s0] =	ssyncset.done @!p0 $0x0  }
0x4d: {  	[sflag:s0] =	ssyncadd.s32 @!p0 s1  }
0x4e: {  	[bflag:$0x3] =	sbarrier.arrive $0xFFFF  }
0x4f: {  	_ =	shalt  }

// kernel: kernel.19.cloned.1.call-start
scs
__scs_entry_jumppad:
0x0: {  	(pc) =	sbr.rel $0x88, $3  }
0x1: {  	(tag) =	ssettag $0x0;
	lr =	simm.s32 $0x1  }
0x2: {  	[smem:$0x3F87] =	sst lr;
	_ =	strace $0xD0000000  }
0x3: {  	_ = 	snop  }
0x4: {  	_ = 	snop  }
0x5: {  	_ = 	snop  }
0x6: {  	_ = 	snop  }
0x7: {  	_ = 	snop  }
__scs_overlays_trampoline_lowered:
0x8: {  	[smem:$0x3F96] =	sst s0  }
0x9: {  	[smem:$0x3F97] =	sst s1  }
0xa: {  	[smem:$0x3F98] =	sst s2  }
0xb: {  	[smem:$0x3F99] =	sst s3  }
0xc: {  	[smem:$0x3F9A] =	sst s4  }
0xd: {  	[smem:$0x3F9B] =	sst s5  }
0xe: {  	[smem:$0x3F9C] =	sst s6  }
0xf: {  	[smem:$0x3F9D] =	sst s7  }
0x10: {  	[smem:$0x3F9E] =	sst s8  }
0x11: {  	[smem:$0x3F9F] =	sst s9;
	s0 =	simm.s32 @!p0 $0x0  }
0x12: {  	s1 =	sld [smem:$0x3F85];
	s0 =	simm.s32 @p0 $0x1  }
0x13: {  	[smem:$0x3FA0] =	sst s0;
	s0 =	simm.s32 @!p1 $0x0  }
0x14: {  	s2 =	sld [smem:$0x3F84];
	s0 =	simm.s32 @p1 $0x1  }
0x15: {  	[smem:$0x3FA1] =	sst s0;
	s0 =	simm.s32 @!p2 $0x0  }
0x16: {  	s3 =	sld [smem:$0x3FDB];
	s0 =	simm.s32 @p2 $0x1  }
0x17: {  	s4 =	simm.s32 $0x1BF5;
	[smem:$0x3FA3] =	sst s0  }
0x18: {  	s0 =	sld [smem:$0x3F86];
	_ =	swait.ge [sflag:s4], $0x0  }
0x19: {  	s7 =	sld [smem:$0x3F87]  }
0x1a: {  	s8 =	sadd.s32 $0xFFFFE003, lr  }
0x1b: {  	s9 =	sadd.s32 $0xFFFFFEF7, lr;
	s5 =	simm.s32 $0xFFFFFFFF;
	p2 =	slt.u32 s8, $0xFFFFF086  }
0x1c: {  	p1 =	slt.u32 s9, $0xF7A;
	s5 =	simm.s32 @!p2 $0x0  }
0x1d: {  	s5 =	simm.s32 @p1 $0x1;
	p0 =	seq.s32 s7, s2  }
0x1e: {  	s7 =	smul.u32 @!p0 $0xF7A, s2;
	p2 =	seq.s32 @!p0 s5, $0x0  }
0x1f: {  	s9 =	smul.u32 $0xF7A, s1;
	s8 =	simm.s32 @!p0 $0x1BF5;
	p2 =	por !p2, p0  }
0x20: {  	[sflag:s8] =	ssyncset.s32 @!p0 $0xFFFFF086;
	s6 =	sadd.s32 @!p0 s3, s7;
	s7 =	simm.s32 @!p0 $0x108  }
0x21: {  	s3 =	sadd.s32 s3, s9;
	s6 =	sadd.s32 @!p0 $0x88, s6;
	s7 =	simm.s32 @p2 $0x1082  }
0x22: {  	[simem:s7], [sflag:s8] =	dma.local @!p0 [hbm:s6], $0xF7A  }
0x23: {  	s9 =	sor.u32 $0xD0000000, s2;
	s6 =	simm.s32 $0x108;
	_ =	swait.ge @!p0 [sflag:s8], $0x0  }
0x24: {  	s3 =	sadd.s32 $0x88, s3;
	s6 =	simm.s32 @!p1 $0x1082;
	[sflag:s4] =	ssyncset.s32 $0xFFFFF086  }
0x25: {  	[simem:s6], [sflag:s4] =	dma.local [hbm:s3], $0xF7A  }
0x26: {  	[smem:$0x3F87] =	sst s1;
	(tag) =	ssettag s2;
	_ =	strace s9  }
0x27: {  	s1 =	sld [smem:$0x3F97]  }
0x28: {  	s2 =	sld [smem:$0x3F98]  }
0x29: {  	s4 =	sld [smem:$0x3F9A]  }
0x2a: {  	p0 =	seq.s32 s5, $0x0;
	s5 =	sld [smem:$0x3F9B]  }
0x2b: {  	s6 =	sld [smem:$0x3F9C]  }
0x2c: {  	s7 =	sld [smem:$0x3F9D]  }
0x2d: {  	s3 =	simm.s32 $0x108;
	s8 =	sld [smem:$0x3F9E]  }
0x2e: {  	s3 =	simm.s32 @!p0 $0x1082;
	s9 =	sld [smem:$0x3F9F]  }
0x2f: {  	lr =	sadd.s32 s0, s3;
	s0 =	sld [smem:$0x3F96]  }
0x30: {  	s3 =	sld [smem:$0x3F99]  }
0x31: {  	[smem:$0x3FA2] =	sst s10  }
0x32: {  	s10 =	sld [smem:$0x3FA0];
	_ =	sdelay $0x3  }
0x33: {  	p0 =	seq.s32 s10, $0x1;
	s10 =	sld [smem:$0x3FA2];
	_ =	sdelay $0x3  }
0x34: {  	[smem:$0x3FA2] =	sst s10  }
0x35: {  	s10 =	sld [smem:$0x3FA1];
	_ =	sdelay $0x3  }
0x36: {  	p1 =	seq.s32 s10, $0x1;
	s10 =	sld [smem:$0x3FA2];
	_ =	sdelay $0x3  }
0x37: {  	[smem:$0x3FA2] =	sst s10  }
0x38: {  	s10 =	sld [smem:$0x3FA3]  }
0x39: {  	_ = 	snop;
	(pc) =	sbr.ind lr, $3  }
0x3a: {  	_ = 	snop  }
0x3b: {  	_ = 	snop  }
0x3c: {  	p2 =	seq.s32 s10, $0x1;
	s10 =	sld [smem:$0x3FA2]  }
0x3d: {  	_ =	shalt  }
0x3e: {  	_ =	shalt  }
0x3f: {  	_ =	shalt  }
0x40: {  	_ =	shalt  }
0x41: {  	_ =	shalt  }
0x42: {  	_ =	shalt  }
0x43: {  	_ =	shalt  }
0x44: {  	_ =	shalt  }
0x45: {  	_ =	shalt  }
0x46: {  	_ =	shalt  }
0x47: {  	_ =	shalt  }
0x48: {  	_ =	shalt  }
0x49: {  	_ =	shalt  }
0x4a: {  	_ =	shalt  }
0x4b: {  	_ =	shalt  }
0x4c: {  	_ =	shalt  }
0x4d: {  	_ =	shalt  }
0x4e: {  	_ =	shalt  }
0x4f: {  	_ =	shalt  }
0x50: {  	_ =	shalt  }
0x51: {  	_ =	shalt  }
0x52: {  	_ =	shalt  }
0x53: {  	_ =	shalt  }
0x54: {  	_ =	shalt  }
0x55: {  	_ =	shalt  }
0x56: {  	_ =	shalt  }
0x57: {  	_ =	shalt  }
0x58: {  	_ =	shalt  }
0x59: {  	_ =	shalt  }
0x5a: {  	_ =	shalt  }
0x5b: {  	_ =	shalt  }
0x5c: {  	_ =	shalt  }
0x5d: {  	_ =	shalt  }
0x5e: {  	_ =	shalt  }
0x5f: {  	_ =	shalt  }
0x60: {  	_ =	shalt  }
0x61: {  	_ =	shalt  }
0x62: {  	_ =	shalt  }
0x63: {  	_ =	shalt  }
0x64: {  	_ =	shalt  }
0x65: {  	_ =	shalt  }
0x66: {  	_ =	shalt  }
0x67: {  	_ =	shalt  }
0x68: {  	_ =	shalt  }
0x69: {  	_ =	shalt  }
0x6a: {  	_ =	shalt  }
0x6b: {  	_ =	shalt  }
0x6c: {  	_ =	shalt  }
0x6d: {  	_ =	shalt  }
0x6e: {  	_ =	shalt  }
0x6f: {  	_ =	shalt  }
0x70: {  	_ =	shalt  }
0x71: {  	_ =	shalt  }
0x72: {  	_ =	shalt  }
0x73: {  	_ =	shalt  }
0x74: {  	_ =	shalt  }
0x75: {  	_ =	shalt  }
0x76: {  	_ =	shalt  }
0x77: {  	_ =	shalt  }
0x78: {  	_ =	shalt  }
0x79: {  	_ =	shalt  }
0x7a: {  	_ =	shalt  }
0x7b: {  	_ =	shalt  }
0x7c: {  	_ =	shalt  }
0x7d: {  	_ =	shalt  }
0x7e: {  	_ =	shalt  }
0x7f: {  	_ =	shalt  }
0x80: {  	_ =	shalt  }
0x81: {  	_ =	shalt  }
0x82: {  	_ =	shalt  }
0x83: {  	_ =	shalt  }
0x84: {  	_ =	shalt  }
0x85: {  	_ =	shalt  }
0x86: {  	_ =	shalt  }
0x87: {  	_ =	shalt  }
.Lfunc_end0:
.L_simem_size_0:
called_computation.3_lowered:
.L_overlay_start_0:
0x88: {  	s2 =	sld [smem:$0x3FD9]  }
0x89: {  	s3 =	sld [smem:$0x3FFE];
	_ =	sdelay $0x1  }
0x8a: {  	s1 =	srdreg.scid  }
0x8b: {  	s0 =	sand.u32 $0x1, s1  }
0x8c: {  	s16 =	sshll.u32 s0, $0xA;
	s2 =	sadd.s32 s3, s2  }
0x8d: {  	s2 =	sadd.s32 s2, s16  }
0x8e: {  	[smem:$0x3FAE] =	sst s2  }
0x8f: {  	_ = 	snop  }
0x90: {  	(tm) =	ssettm $0x1  }
0x91: {  	s17 =	sld [smem:$0x3FFB];
	_ =	sdelay $0x3  }
0x92: {  	_ =	strace s17  }
0x93: {  	s2 =	sld [smem:$0x3FFC];
	_ =	sdelay $0x3  }
0x94: {  	_ =	strace s2  }
0x95: {  	s2 =	sld [smem:$0x3FFD];
	_ =	sdelay $0x3  }
0x96: {  	_ =	strace s2  }
0x97: {  	_ =	strace $0x8FFFFFFF  }
0x98: {  	s18 =	sld [smem:$0x3FDB];
	_ =	sdelay $0x1  }
0x99: {  	s19 =	simm.s32 $_scs_section_size  }
0x9a: {  	s4 =	simm.s32 $_size__tile_overlayer_lowered;
	s5 =	simm.s32 $_tile_overlayer_lowered  }
0x9b: {  	s22 =	simm.s32 $0x1BFF;
	s21 =	sshll.u32 s5, $0x1;
	s2 =	sadd.s32 s19, s18  }
0x9c: {  	s6 =	simm.s32 $0x0;
	s20 =	sshll.u32 s4, $0x1;
	s4 =	sadd.s32 s21, s2  }
0x9d: {  	[timem:s6], [sflag:s22] =	dma.local [hbm:s4], s20  }
0x9e: {  	_ =	swait.ge [sflag:s22], s20  }
0x9f: {  	s3 =	ssub.s32 $0x0, s20;
	[sflag:s22] =	ssyncset.done $0x0  }
0xa0: {  	[sflag:s22] =	ssyncadd.s32 s3;
	_ =	sdelay $0x1  }
0xa1: {  	s23 =	simm.s32 $0x1B8B  }
0xa2: {  	_ =	swait.ge [sflag:s23], $0x1  }
0xa3: {  	[sflag:s23] =	ssyncset.done $0x0  }
0xa4: {  	s25 =	simm.s32 $0x1B8E;
	s24 =	sld [smem:$0x3FFE];
	[sflag:s23] =	ssyncadd.s32 $0xFFFFFFFF  }
0xa5: {  	s26 =	simm.s32 $execute0_lowered;
	[smem:$0x3FD2] =	sst s25  }
0xa6: {  	s4 =	sshll.u32 s26, $0x1;
	_ =	strace $0x8000004F;
	[dreg:$0x1] =	wrdreg $0xFFFFFFFF  }
0xa7: {  	s28 =	simm.s32 $_size_execute0_lowered;
	s2 =	sadd.s32 s2, s4;
	[dreg:$0x0] =	wrdreg $0x0  }
0xa8: {  	s4 =	sshll.u32 s28, $0x1;
	[dreg:$0x2] =	wrdreg s2  }
0xa9: {  	[dreg:$0x3] =	wrdreg s4  }
0xaa: {  	[dreg:$0x4] =	wrdreg $0xC0  }
0xab: {  	_ =	task [dreg:s6], $0x5FFFF  }
0xac: {  	[dreg:$0x1] =	wrdreg $0xFFFFFFFF  }
0xad: {  	[dreg:$0x0] =	wrdreg $0x60  }
0xae: {  	[dreg:$0x2] =	wrdreg s24  }
0xaf: {  	[dreg:$0x3] =	wrdreg $0xAE400  }
0xb0: {  	[dreg:$0x4] =	wrdreg $0x60000  }
0xb1: {  	[dreg:$0x5] =	wrdreg $0x9  }
0xb2: {  	_ =	task.clear_ibuf [dreg:s6], $0x6FFFF;
	_ =	strace $0x9000004F  }
0xb3: {  	s29 =	simm.s32 $0x9;
	_ =	strace $0x80000051  }
0xb4: {  	_ =	swait.ge [sflag:s29], $0x1  }
0xb5: {  	[sflag:s29] =	ssyncadd.s32 $0xFFFFFFFF  }
0xb6: {  	_ =	strace $0x90000051  }
0xb7: {  	_ =	sfence  }
0xb8: {  	s30 =	sld [smem:$0x0];
	_ =	sdelay $0x2  }
0xb9: {  	s31 =	sshll.u32 s1, $0xD;
	s1 =	sshrl.u32 s1, $0x2  }
0xba: {  	s3 =	sand.u32 $0x4000, s31;
	s1 =	sadd.s32 s1, s30  }
0xbb: {  	s0 =	sor.u32 s3, s0;
	s1 =	sshll.u32 s1, $0x11  }
0xbc: {  	s0 =	sor.u32 s1, s0  }
0xbd: {  	s0 =	sadd.s32 $0x8F2B, s0  }
0xbe: {  	[sflag:s0] =	ssyncadd.remote.s32 $0x1  }
0xbf: {  	_ =	sfence.sel $0xFFFF  }
0xc0: {  	[dreg:$0x0] =	wrdreg $0xFFFFFFFF;
	(pc) =	sbr.abs _section_cstart, $3  }
0xc1: {  	[dreg:$0x1] =	wrdreg $0xFFFFFFFF  }
0xc2: {  	_ =	task.clear_ibuf [dreg:s6], $0x2FFFF;
	_ =	strace $0x9FFFFFFF  }
0xc3: {  	(tm) =	ssettm $0x7FFFFFFF  }
tec
execute0_lowered:
.L_overlay_start_1:
0x0: {  	(tag) =	ssettag $0x1  }
0x1: {  	s5 =	rddreg [dreg:$0x0]  }
0x2: {  	s0 =	stileid.u32;
	s2 =	rddreg [dreg:$0x1]  }
0x3: {  	s1 =	srdreg.scid;
	s3 =	rddreg [dreg:$0x2]  }
0x4: {  	s4 =	simm.s32 $0x0;
	s17 =	simm.s32 $0x5000;
	s18 =	simm.s32 $0x0  }
0x5: {  	s6 =	sand.u32 $0x1, s1;
	s26 =	sshll.u32 s0, $0x1;
	s7 =	smul.u32 $0x4E20, s0  }
0x6: {  	s9 =	smul.u32 $0x4E40, s0;
	[smem:$0x7FF] =	sst s4;
	s31 =	sshll.u32 s0, $0x6  }
0x7: {  	s1 =	sor.u32 s6, s26;
	s10 =	smul.u32 $0x4E400, s6;
	s6 =	ssub.s32 $0x2, s6  }
0x8: {  	s8 =	smul.u32 $0x500, s1;
	s1 =	rddreg [dreg:$0x3];
	_ =	strace $0x80000050  }
0x9: {  	s11 =	sshrl.u32 s7, $0x3;
	s29 =	sshrl.u32 s9, $0x3;
	s30 =	sshrl.u32 s6, $0x1  }
0xa: {  	s15 =	sadd.s32 s9, s2;
	s16 =	sadd.s32 s7, s3;
	s11 =	sadd.s32 s11, s5  }
0xb: {  	s28 =	sadd.s32 s9, s10;
	s10 =	sadd.s32 s29, s5;
	s14 =	ssub.s32 s6, s30  }
0xc: {  	s6 =	sor.u32 $0x1C01, s31;
	s12 =	sadd.s32 s8, s5;
	s8 =	sshrl.u32 s28, $0x3  }
0xd: {  	s7 =	sadd.s32 $0xEC00, s11;
	s11 =	smax.u32 s14, $0x1;
	s14 =	sshrl.u32 s16, $0x3  }
0xe: {  	s16 =	simm.s32 $0x80;
	s13 =	sadd.s32 s8, s5;
	s5 =	sadd.s32 $0x18A00, s10  }
0xf: {  	s8 =	sadd.s32 $0x25200, s12;
	s9 =	sadd.s32 $0x4C00, s12;
	s12 =	sshrl.u32 s15, $0x3  }
0x10: {  	s15 =	simm.s32 $0x2800;
	s10 =	sadd.s32 $0x2F200, s13;
	s13 =	simm.s32 $0x1  }
.LBB2_1:
0x11: {  	[spmem:s12], [sflag:s6] =	dma.local [hbm:s5], $0x9C8  }
0x12: {  	_ =	swait.ge [sflag:s13], $0x9C8  }
0x13: {  	[sflag:s13] =	ssyncset.done $0x0  }
0x14: {  	[sflag:s13] =	ssyncadd.s32 $0xFFFFF638  }
0x15: {  	[spmem:s14], [sflag:s6] =	dma.local [hbm:s7], $0x9C4  }
0x16: {  	_ =	swait.ge [sflag:s13], $0x9C4  }
0x17: {  	[sflag:s13] =	ssyncset.done $0x0  }
0x18: {  	[sflag:s13] =	ssyncadd.s32 $0xFFFFF63C  }
0x19: {  	[tilespmem:s4], [sflag:$0x1] =	stream.linear.gather [hbm4b:s8+s4], $0x2800, $0x38;
	[tilespmem:$0xFC80] =	vst v63  }
0x1a: {  	_ =	swait.ge [sflag:s13], $0x2800  }
0x1b: {  	[sflag:s13] =	ssyncset.done $0x0  }
0x1c: {  	[sflag:s13] =	ssyncadd.s32 $0xFFFFD800  }
0x1d: {  	[tilespmem:s15], [sflag:$0x1] =	stream.linear.gather [hbm4b:s9+s4], $0x2800, $0x38;
	[tilespmem:$0xFC80] =	vst v63  }
0x1e: {  	_ =	swait.ge [sflag:s13], $0x2800  }
0x1f: {  	[sflag:s13] =	ssyncset.done $0x0  }
0x20: {  	[sflag:s13] =	ssyncadd.s32 $0xFFFFD800  }
0x21: {  	s19 =	simm.s32 $0x0;
	[bflag:$0x0] =	sbarrier.arrive $0xFFFF  }
0x22: {  	[tilespmem:s17], [sflag:$0x1] =	stream.indirect.gather [spmem:s3], $0x20, s19, s16, $0xb8;
	[tilespmem:$0xFC80] =	vst v63  }
0x23: {  	_ =	swait.ge [sflag:s13], $0x1000  }
0x24: {  	[sflag:s13] =	ssyncset.done $0x0  }
0x25: {  	s31 =	simm.s32 $0x2800;
	[sflag:s13] =	ssyncadd.s32 $0xFFFFF000  }
0x26: {  	[spmem:s2] =	stream.indirect.scatter.add.f32 [tilespmem:s17], [sflag:$0x1], $0x20, s31, s16, $0xb8;
	[tilespmem:$0xFC80] =	vst v63  }
0x27: {  	_ =	swait.ge [sflag:s13], $0x1000  }
0x28: {  	s20 =	simm.s32 $0x400;
	s19 =	simm.s32 $0x200;
	[sflag:s13] =	ssyncset.done $0x0  }
.LBB2_2:
0x29: {  	s21 =	sshra.s32 s19, $0x2  }
0x2a: {  	[sflag:s13] =	ssyncadd.s32 $0xFFFFF000;
	s19 =	smov.u32 s20;
	s22 =	sadd.s32 $0x200, s20  }
0x2b: {  	[tilespmem:s17], [sflag:$0x1] =	stream.indirect.gather [spmem:s3], $0x20, s21, s16, $0xb8;
	[tilespmem:$0xFC80] =	vst v63  }
0x2c: {  	p0 =	sne.s32 s20, $0x9E00;
	_ =	swait.ge [sflag:s13], $0x1000  }
.Ltmp0:
0x2d: {  	[sflag:s13] =	ssyncset.done $0x0;
	(pc) =	sbr.rel @p0 .LBB2_2-.Ltmp0, $4  }
0x2e: {  	s20 =	sadd.s32 $0x2800, s21;
	[sflag:s13] =	ssyncadd.s32 $0xFFFFF000  }
0x2f: {  	[spmem:s2] =	stream.indirect.scatter.add.f32 [tilespmem:s17], [sflag:$0x1], $0x20, s20, s16, $0xb8;
	[tilespmem:$0xFC80] =	vst v63  }
0x30: {  	_ =	swait.ge [sflag:s13], $0x1000  }
0x31: {  	s20 =	smov.u32 s22;
	[sflag:s13] =	ssyncset.done $0x0  }
0x32: {  	s19 =	sshra.s32 s19, $0x2;
	[sflag:s13] =	ssyncadd.s32 $0xFFFFF000  }
0x33: {  	[tilespmem:s17], [sflag:$0x1] =	stream.indirect.gather [spmem:s3], $0x20, s19, s16, $0xb8;
	[tilespmem:$0xFC80] =	vst v63  }
0x34: {  	_ =	swait.ge [sflag:s13], $0x1000  }
0x35: {  	[sflag:s13] =	ssyncset.done $0x0  }
0x36: {  	s19 =	sadd.s32 $0x2800, s19;
	[sflag:s13] =	ssyncadd.s32 $0xFFFFF000  }
0x37: {  	[spmem:s2] =	stream.indirect.scatter.add.f32 [tilespmem:s17], [sflag:$0x1], $0x20, s19, s16, $0xb8;
	[tilespmem:$0xFC80] =	vst v63  }
0x38: {  	_ =	swait.ge [sflag:s13], $0x1000  }
0x39: {  	s18 =	sadd.s32 $0x1, s18;
	[sflag:s13] =	ssyncset.done $0x0  }
0x3a: {  	p0 =	sne.s32 s18, s11;
	[sflag:s13] =	ssyncadd.s32 $0xFFFFF000  }
.Ltmp1:
0x3b: {  	[bflag:$0x0] =	sbarrier.arrive $0xFFFF;
	(pc) =	sbr.rel @p0 .LBB2_1-.Ltmp1, $4  }
0x3c: {  	[hbm:s10], [sflag:s6] =	dma.local [spmem:s12], $0x9C8  }
0x3d: {  	_ =	swait.ge [sflag:s13], $0x9C8  }
0x3e: {  	[sflag:s13] =	ssyncset.done $0x0  }
0x3f: {  	[sflag:s13] =	ssyncadd.s32 $0xFFFFF638  }
0x40: {  	_ =	sfence.sel $0x180000  }
0x41: {  	[bflag:$0x0] =	sbarrier.arrive $0xFFFF  }
0x42: {  	p0 =	sne.s32 s0, $0x0;
	_ =	strace $0x90000050  }
0x43: {  	s0 =	sadd.s32 @!p0 $0x100000, s1;
	[bflag:$0x2] =	sbarrier.arrive $0xFFFF  }
0x44: {  	[sflag:s0] =	ssyncadd.tile.s32 @!p0 $0x1;
	_ =	shalt  }
.Lfunc_end2:
_tile_overlayer_lowered:
.L_overlay_start_2:
0x45: {  	(tag) =	ssettag $0x2  }
0x46: {  	s0 =	rddreg [dreg:$0x0];
	s2 =	stileid.u32  }
0x47: {  	s1 =	rddreg [dreg:$0x1];
	p0 =	sne.s32 s2, $0x0  }
0x48: {  	s3 =	rddreg [dreg:$0x2];
	[bflag:$0x3] =	sbarrier.arrive $0xFFFF;
	s2 =	simm.s32 @!p0 $0x1C01  }
0x49: {  	[timem:s3], [sflag:s2] =	dma.local @!p0 [hbm:s0], s1  }
0x4a: {  	s0 =	simm.s32 @!p0 $0x1  }
0x4b: {  	_ =	swait.ge @!p0 [sflag:s0], s1  }
0x4c: {  	s1 =	ssub.s32 @!p0 $0x0, s1;
	[sflag:s0] =	ssyncset.done @!p0 $0x0  }
0x4d: {  	[sflag:s0] =	ssyncadd.s32 @!p0 s1  }
0x4e: {  	[bflag:$0x3] =	sbarrier.arrive $0xFFFF  }
0x4f: {  	_ =	shalt  }

</sc_bundles>
